<compile_context>
chip_gen: v7x
topology: tpu7x:2x2x1
jax: 0.10.2.dev20260603
libtpu: 0.0.44.dev20260713+nightly
codegen_flags: <defaults>
</compile_context>

<pallas_src>
import functools

import jax
import jax.numpy as jnp
from jax import lax
from jax.experimental import pallas as pl
from jax.experimental.pallas import tpu as pltpu
from jax.experimental.pallas import tpu_sc as plsc

F32 = jnp.float32
BF16 = jnp.bfloat16
B, C, T = 16, 256, 256
NB = 8
W = NB * T
NROWS = B * C
NWORK = 32
RPW = NROWS // NWORK


def _tc0_body(maxlen_ref, dur_ref, gidx_ref, vmask_ref, mel_ref):
    row_i = lax.broadcasted_iota(jnp.int32, (C, C), 0).astype(F32)
    col_i = lax.broadcasted_iota(jnp.int32, (C, C), 1).astype(F32)
    upper = (row_i <= col_i).astype(BF16)
    prow = lax.broadcasted_iota(jnp.int32, (1, C), 1).astype(F32)
    ones_row = jnp.full((1, C), 1.0, BF16)
    maxlen_f = maxlen_ref[0].astype(F32)

    dmat = dur_ref[...].astype(BF16)
    cs = jnp.dot(dmat, upper, preferred_element_type=F32)
    totals = cs[:, T - 1:T]
    for b in range(B):
        cs_col = jnp.transpose(cs[b:b + 1, :])
        cmp = (col_i >= cs_col).astype(BF16)
        idx = jnp.dot(ones_row, cmp, preferred_element_type=F32)
        idx = jnp.minimum(idx, C - 1)
        total_b = totals[b:b + 1, 0:1]
        valid = (prow < total_b) & (prow < maxlen_f)
        gidx_ref[b:b + 1, :] = (idx + C * b).astype(jnp.int32)
        vmask_ref[b:b + 1, :] = valid.astype(F32)
    mel_ref[...] = totals.astype(jnp.int32)


def _tc0(maxlen, dur):
    return pl.pallas_call(
        _tc0_body,
        grid=(1,),
        in_specs=[pl.BlockSpec(memory_space=pltpu.SMEM),
                  pl.BlockSpec((B, T), lambda i: (0, 0))],
        out_specs=(pl.BlockSpec((B, T), lambda i: (0, 0)),
                   pl.BlockSpec((B, T), lambda i: (0, 0)),
                   pl.BlockSpec((B, 1), lambda i: (0, 0))),
        out_shape=(jax.ShapeDtypeStruct((B, T), jnp.int32),
                   jax.ShapeDtypeStruct((B, T), F32),
                   jax.ShapeDtypeStruct((B, 1), jnp.int32)),
    )(maxlen, dur)


def _sc_gather(x_flat, gidx_flat):
    mesh = plsc.VectorSubcoreMesh(core_axis_name="c", subcore_axis_name="s")

    @functools.partial(
        pl.kernel, mesh=mesh,
        out_type=jax.ShapeDtypeStruct((NROWS, C), F32),
        scratch_types=[
            pltpu.VMEM((RPW,), jnp.int32),
            pltpu.VMEM((RPW, C), F32),
            pltpu.SemaphoreType.DMA,
        ],
    )
    def k(table_hbm, idx_hbm, out_hbm, idx_v, rows_v, sem):
        wid = lax.axis_index("s") * 2 + lax.axis_index("c")
        base = wid * RPW
        pltpu.sync_copy(idx_hbm.at[pl.ds(base, RPW)], idx_v)
        pltpu.async_copy(table_hbm.at[idx_v], rows_v, sem).wait()
        pltpu.sync_copy(rows_v, out_hbm.at[pl.ds(base, RPW)])

    return k(x_flat, gidx_flat)


def _tc_helpers(vecs):
    def vrow(i):
        return vecs[i:i + 1, :]

    def vtile(i):
        r = vrow(i)
        return jnp.concatenate([r] * NB, axis=1)

    def vcolT(i):
        return jnp.transpose(vrow(i))

    return vrow, vtile, vcolT


def _make_vp(w6, vecs):
    vrow, vtile, vcolT = _tc_helpers(vecs)

    colw = lax.broadcasted_iota(jnp.int32, (1, W), 1)
    tmod = jnp.bitwise_and(colw, T - 1)
    mask_first = (tmod != 0).astype(BF16)
    mask_last = (tmod != T - 1).astype(BF16)

    rW = lax.broadcasted_iota(jnp.int32, (W, NB), 0)
    cW = lax.broadcasted_iota(jnp.int32, (W, NB), 1)
    bd01 = ((rW // T) == cW).astype(F32)
    bd = bd01 * (1.0 / T)
    rWt = lax.broadcasted_iota(jnp.int32, (NB, W), 0)
    cWt = lax.broadcasted_iota(jnp.int32, (NB, W), 1)
    bdt = ((cWt // T) == rWt).astype(F32)

    def shifts(xb):
        xm = jnp.concatenate([jnp.zeros((C, 1), BF16), xb[:, :-1]],
                             axis=1) * mask_first
        xp = jnp.concatenate([xb[:, 1:], jnp.zeros((C, 1), BF16)],
                             axis=1) * mask_last
        return xm, xp

    def conv_big(xb, wi, bcol):
        w = w6[wi]
        xm, xp = shifts(xb)
        a = jnp.dot(w[0:C, :], xm, preferred_element_type=F32)
        a = a + jnp.dot(w[C:2 * C, :], xb, preferred_element_type=F32)
        a = a + jnp.dot(w[2 * C:3 * C, :], xp, preferred_element_type=F32)
        return a + bcol

    def ln_big(h, gbig, bebig):
        mu_s = jnp.dot(h, bd, preferred_element_type=F32)
        mu = jnp.dot(mu_s, bdt, preferred_element_type=F32)
        hc = h - mu
        var_s = jnp.dot(hc * hc, bd, preferred_element_type=F32)
        r = lax.rsqrt(var_s + 1e-5)
        rb = jnp.dot(r, bdt, preferred_element_type=F32)
        return hc * rb * gbig + bebig

    def vp_big(xb, wi, v0, lb):
        h = jnp.maximum(conv_big(xb, wi, vcolT(v0)), 0.0)
        h = ln_big(h, vtile(v0 + 1), vtile(v0 + 2))
        h2 = jnp.maximum(conv_big(h.astype(BF16), wi + 1, vcolT(v0 + 3)), 0.0)
        h2 = ln_big(h2, vtile(v0 + 4), vtile(v0 + 5))
        pred = jnp.dot(h2 * vtile(v0 + 6), bd01, preferred_element_type=F32)
        return jnp.transpose(pred + lb)

    return vp_big


def _tca_body(lbs_ref, x_ref, w6, vecs, dpred_ref):
    vp_big = _make_vp(w6, vecs)
    xbig = jnp.concatenate([x_ref[i].astype(BF16) for i in range(NB)], axis=1)
    dpred_ref[0] = vp_big(xbig, 0, 0, lbs_ref[0])


def _tcb_body(lbs_ref, x2_ref, vmask_ref, pt_ref, et_ref, w6, vecs,
              out_ref, ppred_ref, epred_ref):
    vp_big = _make_vp(w6, vecs)
    vrow, _, _ = _tc_helpers(vecs)

    vm = jnp.transpose(vmask_ref[...])
    parts2 = [x2_ref[i] * vm[:, i:i + 1] for i in range(NB)]
    x2 = jnp.concatenate(parts2, axis=1)
    x2b = x2.astype(BF16)

    ppred_ref[0] = vp_big(x2b, 2, 7, lbs_ref[1])
    epred_ref[0] = vp_big(x2b, 4, 14, lbs_ref[2])

    ptcols = jnp.transpose(pt_ref[...])
    etcols = jnp.transpose(et_ref[...])
    for b in range(NB):
        pc = ptcols[:, b:b + 1]
        ec = etcols[:, b:b + 1]
        pcm = jnp.concatenate([jnp.zeros((1, 1), F32), pc[:-1, :]], axis=0)
        pcp = jnp.concatenate([pc[1:, :], jnp.zeros((1, 1), F32)], axis=0)
        ecm = jnp.concatenate([jnp.zeros((1, 1), F32), ec[:-1, :]], axis=0)
        ecp = jnp.concatenate([ec[1:, :], jnp.zeros((1, 1), F32)], axis=0)
        emb = (pcm * vrow(21) + pc * vrow(22) + pcp * vrow(23) + vrow(27)
               + ecm * vrow(24) + ec * vrow(25) + ecp * vrow(26) + vrow(28))
        out_ref[b] = parts2[b] + emb


def _full(shape):
    nd = len(shape)
    return pl.BlockSpec(shape, lambda b: (0,) * nd)


def kernel(x, src_len, duration_target, pitch_target, energy_target, max_len,
           dp_w1, dp_b1, dp_g1, dp_be1, dp_w2, dp_b2, dp_g2, dp_be2, dp_lw, dp_lb,
           pp_w1, pp_b1, pp_g1, pp_be1, pp_w2, pp_b2, pp_g2, pp_be2, pp_lw, pp_lb,
           ep_w1, ep_b1, ep_g1, ep_be1, ep_w2, ep_b2, ep_g2, ep_be2, ep_lw, ep_lb,
           pe_w, pe_b, ee_w, ee_b):
    del src_len
    maxlen = jnp.asarray(max_len, jnp.int32).reshape(1)
    lbs = jnp.concatenate([dp_lb, pp_lb, ep_lb]).astype(F32)

    w6 = jnp.stack([
        jnp.transpose(w, (2, 0, 1)).reshape(3 * C, C)
        for w in (dp_w1, dp_w2, pp_w1, pp_w2, ep_w1, ep_w2)
    ]).astype(BF16)

    vecs = jnp.stack([
        dp_b1, dp_g1, dp_be1, dp_b2, dp_g2, dp_be2, dp_lw.reshape(T),
        pp_b1, pp_g1, pp_be1, pp_b2, pp_g2, pp_be2, pp_lw.reshape(T),
        ep_b1, ep_g1, ep_be1, ep_b2, ep_g2, ep_be2, ep_lw.reshape(T),
        pe_w[:, 0, 0], pe_w[:, 0, 1], pe_w[:, 0, 2],
        ee_w[:, 0, 0], ee_w[:, 0, 1], ee_w[:, 0, 2],
        pe_b, ee_b,
    ]).astype(F32)

    dur = duration_target.astype(jnp.int32)

    gidx, vmask, mel = _tc0(maxlen, dur)

    dpred = pl.pallas_call(
        _tca_body,
        grid=(B // NB,),
        in_specs=[pl.BlockSpec(memory_space=pltpu.SMEM),
                  pl.BlockSpec((NB, C, T), lambda s: (s, 0, 0)),
                  _full((6, 3 * C, C)), _full((29, T))],
        out_specs=pl.BlockSpec((1, NB, C), lambda s: (s, 0, 0)),
        out_shape=jax.ShapeDtypeStruct((B // NB, NB, C), F32),
        compiler_params=pltpu.CompilerParams(
            dimension_semantics=("parallel",)),
    )(lbs, x, w6, vecs)

    x2_flat = _sc_gather(x.reshape(NROWS, C), gidx.reshape(NROWS))

    out, ppred, epred = pl.pallas_call(
        _tcb_body,
        grid=(B // NB,),
        in_specs=[pl.BlockSpec(memory_space=pltpu.SMEM),
                  pl.BlockSpec((NB, C, T), lambda s: (s, 0, 0)),
                  pl.BlockSpec((NB, T), lambda s: (s, 0)),
                  pl.BlockSpec((NB, T), lambda s: (s, 0)),
                  pl.BlockSpec((NB, T), lambda s: (s, 0)),
                  _full((6, 3 * C, C)), _full((29, T))],
        out_specs=(pl.BlockSpec((NB, C, T), lambda s: (s, 0, 0)),
                   pl.BlockSpec((1, NB, C), lambda s: (s, 0, 0)),
                   pl.BlockSpec((1, NB, C), lambda s: (s, 0, 0))),
        out_shape=(jax.ShapeDtypeStruct((B, C, T), F32),
                   jax.ShapeDtypeStruct((B // NB, NB, C), F32),
                   jax.ShapeDtypeStruct((B // NB, NB, C), F32)),
        compiler_params=pltpu.CompilerParams(
            dimension_semantics=("parallel",)),
    )(lbs, x2_flat.reshape(B, C, T), vmask, pitch_target, energy_target,
      w6, vecs)

    return (out, mel.reshape(B), dpred.reshape(B, C), ppred.reshape(B, C),
            epred.reshape(B, C))

# --- scband reference (transcript-rebuilt; emitter-appended) ---
"""Pipeline reference for scband-variance-adaptor-75685913690790 (READ-ONLY COPY).

The authoritative reference and input builder live on the scoring server;
editing this copy changes nothing except your own understanding.
"""

import jax, jax.numpy as jnp
import numpy as np


def _conv1d(x, w, b):
    out = jax.lax.conv_general_dilated(x, w, window_strides=(1,), padding=[(1, 1)], dimension_numbers=('NCH', 'OIH', 'NCH'))
    return out + b[None, :, None]


def _layer_norm(h, g, b):
    mu = jnp.mean(h, axis=-1, keepdims=True)
    var = jnp.var(h, axis=-1, keepdims=True)
    return (h - mu) / jnp.sqrt(var + 1e-5) * g + b


def _variance_predictor(x, p):
    h = jax.nn.relu(_conv1d(x, p[0], p[1]))
    h = _layer_norm(h, p[2], p[3])
    h = jax.nn.relu(_conv1d(h, p[4], p[5]))
    h = _layer_norm(h, p[6], p[7])
    out = jnp.dot(h, p[8].T) + p[9]
    return out[..., 0]


def _length_regulate(x, dur, max_len, out_len):
    cs = jnp.cumsum(dur, axis=1)
    total = cs[:, -1]
    pos = jnp.arange(out_len)
    idx = jnp.sum(pos[None, :, None] >= cs[:, None, :], axis=-1)
    idx = jnp.clip(idx, 0, x.shape[1] - 1)
    gathered = jnp.take_along_axis(x, idx[:, :, None], axis=1)
    valid = (pos[None, :] < total[:, None]) & (pos[None, :] < max_len)
    outs = jnp.where(valid[:, :, None], gathered, jnp.zeros((), dtype=x.dtype))
    return outs, total.astype(jnp.int32)


def _embed(t, w, b):
    return jnp.transpose(_conv1d(t[:, None, :], w, b), (0, 2, 1))


def setup_inputs(seed: int = 0):
    key = jax.random.key(seed)
    ks = jax.random.split(key, 50)
    B, E, T = 16, 256, 256
    inp = {}
    inp['x'] = jax.random.normal(ks[0], (B, E, T), dtype=jnp.float32)
    inp['src_len'] = jax.random.randint(ks[1], (B,), 0, 256)
    inp['duration_target'] = jax.random.randint(ks[2], (B, E), 0, 2)
    inp['pitch_target'] = jax.random.normal(ks[3], (B, T), dtype=jnp.float32)
    inp['energy_target'] = jax.random.normal(ks[4], (B, T), dtype=jnp.float32)
    inp['max_len'] = 256
    i = 5
    for pre in ('dp', 'pp', 'ep'):
        inp[pre + '_w1'] = jax.random.normal(ks[i], (256, 256, 3), dtype=jnp.float32) * 0.05; i += 1
        inp[pre + '_b1'] = jnp.zeros((256,), dtype=jnp.float32)
        inp[pre + '_g1'] = jnp.ones((256,), dtype=jnp.float32)
        inp[pre + '_be1'] = jnp.zeros((256,), dtype=jnp.float32)
        inp[pre + '_w2'] = jax.random.normal(ks[i], (256, 256, 3), dtype=jnp.float32) * 0.05; i += 1
        inp[pre + '_b2'] = jnp.zeros((256,), dtype=jnp.float32)
        inp[pre + '_g2'] = jnp.ones((256,), dtype=jnp.float32)
        inp[pre + '_be2'] = jnp.zeros((256,), dtype=jnp.float32)
        inp[pre + '_lw'] = jax.random.normal(ks[i], (1, 256), dtype=jnp.float32) * 0.05; i += 1
        inp[pre + '_lb'] = jnp.zeros((1,), dtype=jnp.float32)
    inp['pe_w'] = jax.random.normal(ks[i], (256, 1, 3), dtype=jnp.float32) * 0.05; i += 1
    inp['pe_b'] = jnp.zeros((256,), dtype=jnp.float32)
    inp['ee_w'] = jax.random.normal(ks[i], (256, 1, 3), dtype=jnp.float32) * 0.05; i += 1
    inp['ee_b'] = jnp.zeros((256,), dtype=jnp.float32)
    return inp


def reference(x, src_len, duration_target, pitch_target, energy_target, max_len, dp_w1, dp_b1, dp_g1, dp_be1, dp_w2, dp_b2, dp_g2, dp_be2, dp_lw, dp_lb, pp_w1, pp_b1, pp_g1, pp_be1, pp_w2, pp_b2, pp_g2, pp_be2, pp_lw, pp_lb, ep_w1, ep_b1, ep_g1, ep_be1, ep_w2, ep_b2, ep_g2, ep_be2, ep_lw, ep_lb, pe_w, pe_b, ee_w, ee_b):
    dp = (dp_w1, dp_b1, dp_g1, dp_be1, dp_w2, dp_b2, dp_g2, dp_be2, dp_lw, dp_lb)
    pp = (pp_w1, pp_b1, pp_g1, pp_be1, pp_w2, pp_b2, pp_g2, pp_be2, pp_lw, pp_lb)
    ep = (ep_w1, ep_b1, ep_g1, ep_be1, ep_w2, ep_b2, ep_g2, ep_be2, ep_lw, ep_lb)
    duration_prediction = _variance_predictor(x, dp)
    out_len = x.shape[2]
    x2, mel_len = _length_regulate(x, duration_target, max_len, out_len)
    pitch_prediction = _variance_predictor(x2, pp)
    pitch_embedding = _embed(pitch_target, pe_w, pe_b)
    energy_prediction = _variance_predictor(x2, ep)
    energy_embedding = _embed(energy_target, ee_w, ee_b)
    out = x2 + pitch_embedding + energy_embedding
    return (out, mel_len, duration_prediction, pitch_prediction, energy_prediction)

if __name__ == "__main__":
    import jax
    _d = setup_inputs()
    print(jax.jit(kernel)(*tuple(_d.values())))

</pallas_src>

<mosaic_0001>
#map = affine_map<(d0, d1) -> (0, 0)>
#map1 = affine_map<(d0, d1) -> (0)>
module attributes {stable_mosaic.version = 14 : i64} {
  func.func @k(%arg0: i32, %arg1: i32, %arg2: memref<4096x256xf32, #tpu.memory_space<hbm>>, %arg3: memref<4096xi32, #tpu.memory_space<hbm>>, %arg4: memref<4096x256xf32, #tpu.memory_space<hbm>>, %arg5: memref<128xi32, #tpu.memory_space<vmem>>, %arg6: memref<128x256xf32, #tpu.memory_space<vmem>>, %arg7: memref<!tpu.dma_semaphore, #tpu.memory_space<semaphore_mem>>) attributes {dimension_semantics = [#tpu.dimension_semantics<core_parallel>, #tpu.dimension_semantics<subcore_parallel>], iteration_bounds = array<i64: 2, 16>, scalar_prefetch = 0 : i64, scratch_operands = 3 : i64, tpu.core_type = #tpu.core_type<sc_vector_subcore>, window_params = [{transform_indices = #map}, {transform_indices = #map1}, {transform_indices = #map}]} {
    %mul3A = arith.constant 2 : i32
    %mul3A_0 = arith.muli %arg1, %mul3A : i32
    %add3A = arith.addi %mul3A_0, %arg0 : i32
    %mul3A_1 = arith.constant 128 : i32
    %mul3A_2 = arith.muli %add3A, %mul3A_1 : i32
    "tpu.region"() ({
      %run_scoped3A = tpu.sem_alloc : memref<!tpu.dma_semaphore, #tpu.memory_space<semaphore_mem>>
      %dma_start3A_7 = tpu.memref_slice %arg3[%mul3A_2] : memref<4096xi32, #tpu.memory_space<hbm>> -> memref<128xi32, #tpu.memory_space<hbm>>
      %dma_start3A_8 = tpu.memref_slice %arg3[%mul3A_2] : memref<4096xi32, #tpu.memory_space<hbm>> -> memref<128xi32, #tpu.memory_space<hbm>>
      tpu.enqueue_dma source(%dma_start3A_8 : memref<128xi32, #tpu.memory_space<hbm>>) target(%arg5 : memref<128xi32, #tpu.memory_space<vmem>>) target_semaphore(%run_scoped3A : memref<!tpu.dma_semaphore, #tpu.memory_space<semaphore_mem>>)
      %dma_wait3A_9 = tpu.memref_slice %arg3[%mul3A_2] : memref<4096xi32, #tpu.memory_space<hbm>> -> memref<128xi32, #tpu.memory_space<hbm>>
      %dma_wait3A_10 = tpu.memref_slice %arg3[%mul3A_2] : memref<4096xi32, #tpu.memory_space<hbm>> -> memref<128xi32, #tpu.memory_space<hbm>>
      tpu.wait_dma2 semaphore(%run_scoped3A : memref<!tpu.dma_semaphore, #tpu.memory_space<semaphore_mem>>) src(%dma_wait3A_10 : memref<128xi32, #tpu.memory_space<hbm>>) dst(%arg5 : memref<128xi32, #tpu.memory_space<vmem>>)
      tpu.yield
    }) : () -> ()
    %dma_start3A = arith.constant 0 : i32
    %dma_start3A_3 = arith.constant 0 : i32
    %dma_start3A_4 = tpu.memref_slice %arg2[%dma_start3A, %dma_start3A_3] : memref<4096x256xf32, #tpu.memory_space<hbm>> -> memref<4096x256xf32, #tpu.memory_space<hbm>>
    tpu.enqueue_indirect_dma source(%dma_start3A_4 : memref<4096x256xf32, #tpu.memory_space<hbm>>) target(%arg6 : memref<128x256xf32, #tpu.memory_space<vmem>>) offsets(%arg5 : memref<128xi32, #tpu.memory_space<vmem>>) semaphore(%arg7 : memref<!tpu.dma_semaphore, #tpu.memory_space<semaphore_mem>>)
    %dma_wait3A = arith.constant 0 : i32
    %dma_wait3A_5 = arith.constant 0 : i32
    %dma_wait3A_6 = tpu.memref_slice %arg2[%dma_wait3A, %dma_wait3A_5] : memref<4096x256xf32, #tpu.memory_space<hbm>> -> memref<4096x256xf32, #tpu.memory_space<hbm>>
    tpu.wait_indirect_dma semaphore(%arg7 : memref<!tpu.dma_semaphore, #tpu.memory_space<semaphore_mem>>) src(%dma_wait3A_6 : memref<4096x256xf32, #tpu.memory_space<hbm>>) dst(%arg6 : memref<128x256xf32, #tpu.memory_space<vmem>>)
    "tpu.region"() ({
      %run_scoped3A = tpu.sem_alloc : memref<!tpu.dma_semaphore, #tpu.memory_space<semaphore_mem>>
      %dma_start3A_7 = arith.constant 0 : i32
      %dma_start3A_8 = tpu.memref_slice %arg4[%mul3A_2, %dma_start3A_7] : memref<4096x256xf32, #tpu.memory_space<hbm>> -> memref<128x256xf32, #tpu.memory_space<hbm>>
      %dma_start3A_9 = arith.constant 0 : i32
      %dma_start3A_10 = tpu.memref_slice %arg4[%mul3A_2, %dma_start3A_9] : memref<4096x256xf32, #tpu.memory_space<hbm>> -> memref<128x256xf32, #tpu.memory_space<hbm>>
      tpu.enqueue_dma source(%arg6 : memref<128x256xf32, #tpu.memory_space<vmem>>) target(%dma_start3A_10 : memref<128x256xf32, #tpu.memory_space<hbm>>) target_semaphore(%run_scoped3A : memref<!tpu.dma_semaphore, #tpu.memory_space<semaphore_mem>>)
      %dma_wait3A_11 = arith.constant 0 : i32
      %dma_wait3A_12 = tpu.memref_slice %arg4[%mul3A_2, %dma_wait3A_11] : memref<4096x256xf32, #tpu.memory_space<hbm>> -> memref<128x256xf32, #tpu.memory_space<hbm>>
      %dma_wait3A_13 = arith.constant 0 : i32
      %dma_wait3A_14 = tpu.memref_slice %arg4[%mul3A_2, %dma_wait3A_13] : memref<4096x256xf32, #tpu.memory_space<hbm>> -> memref<128x256xf32, #tpu.memory_space<hbm>>
      tpu.wait_dma2 semaphore(%run_scoped3A : memref<!tpu.dma_semaphore, #tpu.memory_space<semaphore_mem>>) src(%arg6 : memref<128x256xf32, #tpu.memory_space<vmem>>) dst(%dma_wait3A_14 : memref<128x256xf32, #tpu.memory_space<hbm>>)
      tpu.yield
    }) : () -> ()
    return
  }
}

module attributes {stable_mosaic.version = 14 : i64} {
  func.func @_tc0_body(%arg0: i32, %arg1: memref<1xi32, #tpu.memory_space<smem>>, %arg2: memref<16x256xi32, #tpu.memory_space<vmem>>, %arg3: memref<16x256xi32, #tpu.memory_space<vmem>>, %arg4: memref<16x256xf32, #tpu.memory_space<vmem>>, %arg5: memref<16x1xi32, #tpu.memory_space<vmem>>) attributes {dimension_semantics = [#tpu.dimension_semantics<arbitrary>], iteration_bounds = array<i64: 1>, scalar_prefetch = 0 : i64, scratch_operands = 0 : i64, tpu.core_type = #tpu.core_type<tc>, window_params = [{transform_indices = @transform_0, window_bounds = array<i64: 1>}, {pipeline_mode = #tpu.pipeline_mode<synchronous>, transform_indices = @transform_1, window_bounds = array<i64: 16, 256>}, {pipeline_mode = #tpu.pipeline_mode<synchronous>, transform_indices = @transform_2, window_bounds = array<i64: 16, 256>}, {pipeline_mode = #tpu.pipeline_mode<synchronous>, transform_indices = @transform_3, window_bounds = array<i64: 16, 256>}, {pipeline_mode = #tpu.pipeline_mode<synchronous>, transform_indices = @transform_4, window_bounds = array<i64: 16, 1>}]} {
    %iota3A = tpu.iota {dimensions = array<i32: 0>} : vector<256x256xi32>
    %convert_element_type3A = arith.sitofp %iota3A : vector<256x256xi32> to vector<256x256xf32>
    %iota3A_0 = tpu.iota {dimensions = array<i32: 1>} : vector<256x256xi32>
    %convert_element_type3A_1 = arith.sitofp %iota3A_0 : vector<256x256xi32> to vector<256x256xf32>
    %le3A = arith.cmpf ole, %convert_element_type3A, %convert_element_type3A_1 : vector<256x256xf32>
    %convert_element_type3A_2 = arith.extui %le3A : vector<256x256xi1> to vector<256x256xi32>
    %convert_element_type3A_3 = arith.sitofp %convert_element_type3A_2 : vector<256x256xi32> to vector<256x256xf32>
    %convert_element_type3A_4 = arith.truncf %convert_element_type3A_3 : vector<256x256xf32> to vector<256x256xbf16>
    %iota3A_5 = tpu.iota {dimensions = array<i32: 1>} : vector<1x256xi32>
    %convert_element_type3A_6 = arith.sitofp %iota3A_5 : vector<1x256xi32> to vector<1x256xf32>
    %broadcast_in_dim3A = arith.constant 1.000000e+00 : bf16
    %broadcast_in_dim3A_7 = vector.broadcast %broadcast_in_dim3A : bf16 to vector<1x256xbf16>
    %get3A = arith.constant 0 : index
    %get3A_8 = memref.load %arg1[%get3A] : memref<1xi32, #tpu.memory_space<smem>>
    %convert_element_type3A_9 = arith.sitofp %get3A_8 : i32 to f32
    %get3A_10 = arith.constant 0 : index
    %get3A_11 = arith.constant 0 : index
    %get3A_12 = vector.load %arg2[%get3A_10, %get3A_11] : memref<16x256xi32, #tpu.memory_space<vmem>>, vector<16x256xi32>
    %convert_element_type3A_13 = arith.sitofp %get3A_12 : vector<16x256xi32> to vector<16x256xbf16>
    %dot_general3A = arith.constant dense<0.000000e+00> : vector<16x256xf32>
    %dot_general3A_14 = tpu.matmul %convert_element_type3A_13, %convert_element_type3A_4, %dot_general3A {dimension_numbers = #tpu.dot_dimension_numbers<[1], [0], [0], [1], [0, 0, 1, 1], [], []>, transpose_lhs_hint = false} : vector<16x256xbf16>, vector<256x256xbf16>, vector<16x256xf32> -> vector<16x256xf32>
    %slice3A = vector.extract_strided_slice %dot_general3A_14 {offsets = [0, 255], sizes = [16, 1], strides = [1, 1]} : vector<16x256xf32> to vector<16x1xf32>
    %slice3A_15 = vector.extract_strided_slice %dot_general3A_14 {offsets = [0, 0], sizes = [1, 256], strides = [1, 1]} : vector<16x256xf32> to vector<1x256xf32>
    %transpose3A = tpu.transpose %slice3A_15, [1, 0] : vector<1x256xf32> -> vector<256x1xf32>
    %ge3A = vector.broadcast %transpose3A : vector<256x1xf32> to vector<256x256xf32>
    %ge3A_16 = arith.cmpf oge, %convert_element_type3A_1, %ge3A : vector<256x256xf32>
    %convert_element_type3A_17 = arith.extui %ge3A_16 : vector<256x256xi1> to vector<256x256xi32>
    %convert_element_type3A_18 = arith.sitofp %convert_element_type3A_17 : vector<256x256xi32> to vector<256x256xf32>
    %convert_element_type3A_19 = arith.truncf %convert_element_type3A_18 : vector<256x256xf32> to vector<256x256xbf16>
    %dot_general3A_20 = arith.constant dense<0.000000e+00> : vector<1x256xf32>
    %dot_general3A_21 = tpu.matmul %broadcast_in_dim3A_7, %convert_element_type3A_19, %dot_general3A_20 {dimension_numbers = #tpu.dot_dimension_numbers<[1], [0], [0], [1], [0, 0, 1, 1], [], []>, transpose_lhs_hint = false} : vector<1x256xbf16>, vector<256x256xbf16>, vector<1x256xf32> -> vector<1x256xf32>
    %min3A = arith.constant 2.550000e+02 : f32
    %min3A_22 = vector.broadcast %min3A : f32 to vector<1x256xf32>
    %min3A_23 = arith.minimumf %dot_general3A_21, %min3A_22 : vector<1x256xf32>
    %slice3A_24 = vector.extract_strided_slice %slice3A {offsets = [0, 0], sizes = [1, 1], strides = [1, 1]} : vector<16x1xf32> to vector<1x1xf32>
    %lt3A = vector.broadcast %slice3A_24 : vector<1x1xf32> to vector<1x256xf32>
    %lt3A_25 = arith.cmpf olt, %convert_element_type3A_6, %lt3A : vector<1x256xf32>
    %lt3A_26 = vector.broadcast %convert_element_type3A_9 : f32 to vector<1x256xf32>
    %lt3A_27 = arith.cmpf olt, %convert_element_type3A_6, %lt3A_26 : vector<1x256xf32>
    %and3A = arith.andi %lt3A_25, %lt3A_27 : vector<1x256xi1>
    %add3A = arith.constant 0.000000e+00 : f32
    %add3A_28 = vector.broadcast %add3A : f32 to vector<1x256xf32>
    %add3A_29 = arith.addf %min3A_23, %add3A_28 : vector<1x256xf32>
    %convert_element_type3A_30 = arith.fptosi %add3A_29 : vector<1x256xf32> to vector<1x256xi32>
    %swap3A = arith.constant 0 : index
    %swap3A_31 = arith.constant 0 : index
    %swap3A_32 = vector.load %arg3[%swap3A, %swap3A_31] : memref<16x256xi32, #tpu.memory_space<vmem>>, vector<1x256xi32>
    tpu.vector_store %arg3[%swap3A, %swap3A_31], %convert_element_type3A_30 {strides = array<i32>} : memref<16x256xi32, #tpu.memory_space<vmem>>, vector<1x256xi32>,
    %convert_element_type3A_33 = arith.extui %and3A : vector<1x256xi1> to vector<1x256xi32>
    %convert_element_type3A_34 = arith.sitofp %convert_element_type3A_33 : vector<1x256xi32> to vector<1x256xf32>
    %swap3A_35 = arith.constant 0 : index
    %swap3A_36 = arith.constant 0 : index
    %swap3A_37 = vector.load %arg4[%swap3A_35, %swap3A_36] : memref<16x256xf32, #tpu.memory_space<vmem>>, vector<1x256xf32>
    tpu.vector_store %arg4[%swap3A_35, %swap3A_36], %convert_element_type3A_34 {strides = array<i32>} : memref<16x256xf32, #tpu.memory_space<vmem>>, vector<1x256xf32>,
    %slice3A_38 = vector.extract_strided_slice %dot_general3A_14 {offsets = [1, 0], sizes = [1, 256], strides = [1, 1]} : vector<16x256xf32> to vector<1x256xf32>
    %transpose3A_39 = tpu.transpose %slice3A_38, [1, 0] : vector<1x256xf32> -> vector<256x1xf32>
    %ge3A_40 = vector.broadcast %transpose3A_39 : vector<256x1xf32> to vector<256x256xf32>
    %ge3A_41 = arith.cmpf oge, %convert_element_type3A_1, %ge3A_40 : vector<256x256xf32>
    %convert_element_type3A_42 = arith.extui %ge3A_41 : vector<256x256xi1> to vector<256x256xi32>
    %convert_element_type3A_43 = arith.sitofp %convert_element_type3A_42 : vector<256x256xi32> to vector<256x256xf32>
    %convert_element_type3A_44 = arith.truncf %convert_element_type3A_43 : vector<256x256xf32> to vector<256x256xbf16>
    %dot_general3A_45 = arith.constant dense<0.000000e+00> : vector<1x256xf32>
    %dot_general3A_46 = tpu.matmul %broadcast_in_dim3A_7, %convert_element_type3A_44, %dot_general3A_45 {dimension_numbers = #tpu.dot_dimension_numbers<[1], [0], [0], [1], [0, 0, 1, 1], [], []>, transpose_lhs_hint = false} : vector<1x256xbf16>, vector<256x256xbf16>, vector<1x256xf32> -> vector<1x256xf32>
    %min3A_47 = arith.constant 2.550000e+02 : f32
    %min3A_48 = vector.broadcast %min3A_47 : f32 to vector<1x256xf32>
    %min3A_49 = arith.minimumf %dot_general3A_46, %min3A_48 : vector<1x256xf32>
    %slice3A_50 = vector.extract_strided_slice %slice3A {offsets = [1, 0], sizes = [1, 1], strides = [1, 1]} : vector<16x1xf32> to vector<1x1xf32>
    %lt3A_51 = vector.broadcast %slice3A_50 : vector<1x1xf32> to vector<1x256xf32>
    %lt3A_52 = arith.cmpf olt, %convert_element_type3A_6, %lt3A_51 : vector<1x256xf32>
    %lt3A_53 = vector.broadcast %convert_element_type3A_9 : f32 to vector<1x256xf32>
    %lt3A_54 = arith.cmpf olt, %convert_element_type3A_6, %lt3A_53 : vector<1x256xf32>
    %and3A_55 = arith.andi %lt3A_52, %lt3A_54 : vector<1x256xi1>
    %add3A_56 = arith.constant 2.560000e+02 : f32
    %add3A_57 = vector.broadcast %add3A_56 : f32 to vector<1x256xf32>
    %add3A_58 = arith.addf %min3A_49, %add3A_57 : vector<1x256xf32>
    %convert_element_type3A_59 = arith.fptosi %add3A_58 : vector<1x256xf32> to vector<1x256xi32>
    %swap3A_60 = arith.constant 1 : index
    %swap3A_61 = arith.constant 0 : index
    %swap3A_62 = vector.load %arg3[%swap3A_60, %swap3A_61] : memref<16x256xi32, #tpu.memory_space<vmem>>, vector<1x256xi32>
    tpu.vector_store %arg3[%swap3A_60, %swap3A_61], %convert_element_type3A_59 {strides = array<i32>} : memref<16x256xi32, #tpu.memory_space<vmem>>, vector<1x256xi32>,
    %convert_element_type3A_63 = arith.extui %and3A_55 : vector<1x256xi1> to vector<1x256xi32>
    %convert_element_type3A_64 = arith.sitofp %convert_element_type3A_63 : vector<1x256xi32> to vector<1x256xf32>
    %swap3A_65 = arith.constant 1 : index
    %swap3A_66 = arith.constant 0 : index
    %swap3A_67 = vector.load %arg4[%swap3A_65, %swap3A_66] : memref<16x256xf32, #tpu.memory_space<vmem>>, vector<1x256xf32>
    tpu.vector_store %arg4[%swap3A_65, %swap3A_66], %convert_element_type3A_64 {strides = array<i32>} : memref<16x256xf32, #tpu.memory_space<vmem>>, vector<1x256xf32>,
    %slice3A_68 = vector.extract_strided_slice %dot_general3A_14 {offsets = [2, 0], sizes = [1, 256], strides = [1, 1]} : vector<16x256xf32> to vector<1x256xf32>
    %transpose3A_69 = tpu.transpose %slice3A_68, [1, 0] : vector<1x256xf32> -> vector<256x1xf32>
    %ge3A_70 = vector.broadcast %transpose3A_69 : vector<256x1xf32> to vector<256x256xf32>
    %ge3A_71 = arith.cmpf oge, %convert_element_type3A_1, %ge3A_70 : vector<256x256xf32>
    %convert_element_type3A_72 = arith.extui %ge3A_71 : vector<256x256xi1> to vector<256x256xi32>
    %convert_element_type3A_73 = arith.sitofp %convert_element_type3A_72 : vector<256x256xi32> to vector<256x256xf32>
    %convert_element_type3A_74 = arith.truncf %convert_element_type3A_73 : vector<256x256xf32> to vector<256x256xbf16>
    %dot_general3A_75 = arith.constant dense<0.000000e+00> : vector<1x256xf32>
    %dot_general3A_76 = tpu.matmul %broadcast_in_dim3A_7, %convert_element_type3A_74, %dot_general3A_75 {dimension_numbers = #tpu.dot_dimension_numbers<[1], [0], [0], [1], [0, 0, 1, 1], [], []>, transpose_lhs_hint = false} : vector<1x256xbf16>, vector<256x256xbf16>, vector<1x256xf32> -> vector<1x256xf32>
    %min3A_77 = arith.constant 2.550000e+02 : f32
    %min3A_78 = vector.broadcast %min3A_77 : f32 to vector<1x256xf32>
    %min3A_79 = arith.minimumf %dot_general3A_76, %min3A_78 : vector<1x256xf32>
    %slice3A_80 = vector.extract_strided_slice %slice3A {offsets = [2, 0], sizes = [1, 1], strides = [1, 1]} : vector<16x1xf32> to vector<1x1xf32>
    %lt3A_81 = vector.broadcast %slice3A_80 : vector<1x1xf32> to vector<1x256xf32>
    %lt3A_82 = arith.cmpf olt, %convert_element_type3A_6, %lt3A_81 : vector<1x256xf32>
    %lt3A_83 = vector.broadcast %convert_element_type3A_9 : f32 to vector<1x256xf32>
    %lt3A_84 = arith.cmpf olt, %convert_element_type3A_6, %lt3A_83 : vector<1x256xf32>
    %and3A_85 = arith.andi %lt3A_82, %lt3A_84 : vector<1x256xi1>
    %add3A_86 = arith.constant 5.120000e+02 : f32
    %add3A_87 = vector.broadcast %add3A_86 : f32 to vector<1x256xf32>
    %add3A_88 = arith.addf %min3A_79, %add3A_87 : vector<1x256xf32>
    %convert_element_type3A_89 = arith.fptosi %add3A_88 : vector<1x256xf32> to vector<1x256xi32>
    %swap3A_90 = arith.constant 2 : index
    %swap3A_91 = arith.constant 0 : index
    %swap3A_92 = vector.load %arg3[%swap3A_90, %swap3A_91] : memref<16x256xi32, #tpu.memory_space<vmem>>, vector<1x256xi32>
    tpu.vector_store %arg3[%swap3A_90, %swap3A_91], %convert_element_type3A_89 {strides = array<i32>} : memref<16x256xi32, #tpu.memory_space<vmem>>, vector<1x256xi32>,
    %convert_element_type3A_93 = arith.extui %and3A_85 : vector<1x256xi1> to vector<1x256xi32>
    %convert_element_type3A_94 = arith.sitofp %convert_element_type3A_93 : vector<1x256xi32> to vector<1x256xf32>
    %swap3A_95 = arith.constant 2 : index
    %swap3A_96 = arith.constant 0 : index
    %swap3A_97 = vector.load %arg4[%swap3A_95, %swap3A_96] : memref<16x256xf32, #tpu.memory_space<vmem>>, vector<1x256xf32>
    tpu.vector_store %arg4[%swap3A_95, %swap3A_96], %convert_element_type3A_94 {strides = array<i32>} : memref<16x256xf32, #tpu.memory_space<vmem>>, vector<1x256xf32>,
    %slice3A_98 = vector.extract_strided_slice %dot_general3A_14 {offsets = [3, 0], sizes = [1, 256], strides = [1, 1]} : vector<16x256xf32> to vector<1x256xf32>
    %transpose3A_99 = tpu.transpose %slice3A_98, [1, 0] : vector<1x256xf32> -> vector<256x1xf32>
    %ge3A_100 = vector.broadcast %transpose3A_99 : vector<256x1xf32> to vector<256x256xf32>
    %ge3A_101 = arith.cmpf oge, %convert_element_type3A_1, %ge3A_100 : vector<256x256xf32>
    %convert_element_type3A_102 = arith.extui %ge3A_101 : vector<256x256xi1> to vector<256x256xi32>
    %convert_element_type3A_103 = arith.sitofp %convert_element_type3A_102 : vector<256x256xi32> to vector<256x256xf32>
    %convert_element_type3A_104 = arith.truncf %convert_element_type3A_103 : vector<256x256xf32> to vector<256x256xbf16>
    %dot_general3A_105 = arith.constant dense<0.000000e+00> : vector<1x256xf32>
    %dot_general3A_106 = tpu.matmul %broadcast_in_dim3A_7, %convert_element_type3A_104, %dot_general3A_105 {dimension_numbers = #tpu.dot_dimension_numbers<[1], [0], [0], [1], [0, 0, 1, 1], [], []>, transpose_lhs_hint = false} : vector<1x256xbf16>, vector<256x256xbf16>, vector<1x256xf32> -> vector<1x256xf32>
    %min3A_107 = arith.constant 2.550000e+02 : f32
    %min3A_108 = vector.broadcast %min3A_107 : f32 to vector<1x256xf32>
    %min3A_109 = arith.minimumf %dot_general3A_106, %min3A_108 : vector<1x256xf32>
    %slice3A_110 = vector.extract_strided_slice %slice3A {offsets = [3, 0], sizes = [1, 1], strides = [1, 1]} : vector<16x1xf32> to vector<1x1xf32>
    %lt3A_111 = vector.broadcast %slice3A_110 : vector<1x1xf32> to vector<1x256xf32>
    %lt3A_112 = arith.cmpf olt, %convert_element_type3A_6, %lt3A_111 : vector<1x256xf32>
    %lt3A_113 = vector.broadcast %convert_element_type3A_9 : f32 to vector<1x256xf32>
    %lt3A_114 = arith.cmpf olt, %convert_element_type3A_6, %lt3A_113 : vector<1x256xf32>
    %and3A_115 = arith.andi %lt3A_112, %lt3A_114 : vector<1x256xi1>
    %add3A_116 = arith.constant 7.680000e+02 : f32
    %add3A_117 = vector.broadcast %add3A_116 : f32 to vector<1x256xf32>
    %add3A_118 = arith.addf %min3A_109, %add3A_117 : vector<1x256xf32>
    %convert_element_type3A_119 = arith.fptosi %add3A_118 : vector<1x256xf32> to vector<1x256xi32>
    %swap3A_120 = arith.constant 3 : index
    %swap3A_121 = arith.constant 0 : index
    %swap3A_122 = vector.load %arg3[%swap3A_120, %swap3A_121] : memref<16x256xi32, #tpu.memory_space<vmem>>, vector<1x256xi32>
    tpu.vector_store %arg3[%swap3A_120, %swap3A_121], %convert_element_type3A_119 {strides = array<i32>} : memref<16x256xi32, #tpu.memory_space<vmem>>, vector<1x256xi32>,
    %convert_element_type3A_123 = arith.extui %and3A_115 : vector<1x256xi1> to vector<1x256xi32>
    %convert_element_type3A_124 = arith.sitofp %convert_element_type3A_123 : vector<1x256xi32> to vector<1x256xf32>
    %swap3A_125 = arith.constant 3 : index
    %swap3A_126 = arith.constant 0 : index
    %swap3A_127 = vector.load %arg4[%swap3A_125, %swap3A_126] : memref<16x256xf32, #tpu.memory_space<vmem>>, vector<1x256xf32>
    tpu.vector_store %arg4[%swap3A_125, %swap3A_126], %convert_element_type3A_124 {strides = array<i32>} : memref<16x256xf32, #tpu.memory_space<vmem>>, vector<1x256xf32>,
    %slice3A_128 = vector.extract_strided_slice %dot_general3A_14 {offsets = [4, 0], sizes = [1, 256], strides = [1, 1]} : vector<16x256xf32> to vector<1x256xf32>
    %transpose3A_129 = tpu.transpose %slice3A_128, [1, 0] : vector<1x256xf32> -> vector<256x1xf32>
    %ge3A_130 = vector.broadcast %transpose3A_129 : vector<256x1xf32> to vector<256x256xf32>
    %ge3A_131 = arith.cmpf oge, %convert_element_type3A_1, %ge3A_130 : vector<256x256xf32>
    %convert_element_type3A_132 = arith.extui %ge3A_131 : vector<256x256xi1> to vector<256x256xi32>
    %convert_element_type3A_133 = arith.sitofp %convert_element_type3A_132 : vector<256x256xi32> to vector<256x256xf32>
    %convert_element_type3A_134 = arith.truncf %convert_element_type3A_133 : vector<256x256xf32> to vector<256x256xbf16>
    %dot_general3A_135 = arith.constant dense<0.000000e+00> : vector<1x256xf32>
    %dot_general3A_136 = tpu.matmul %broadcast_in_dim3A_7, %convert_element_type3A_134, %dot_general3A_135 {dimension_numbers = #tpu.dot_dimension_numbers<[1], [0], [0], [1], [0, 0, 1, 1], [], []>, transpose_lhs_hint = false} : vector<1x256xbf16>, vector<256x256xbf16>, vector<1x256xf32> -> vector<1x256xf32>
    %min3A_137 = arith.constant 2.550000e+02 : f32
    %min3A_138 = vector.broadcast %min3A_137 : f32 to vector<1x256xf32>
    %min3A_139 = arith.minimumf %dot_general3A_136, %min3A_138 : vector<1x256xf32>
    %slice3A_140 = vector.extract_strided_slice %slice3A {offsets = [4, 0], sizes = [1, 1], strides = [1, 1]} : vector<16x1xf32> to vector<1x1xf32>
    %lt3A_141 = vector.broadcast %slice3A_140 : vector<1x1xf32> to vector<1x256xf32>
    %lt3A_142 = arith.cmpf olt, %convert_element_type3A_6, %lt3A_141 : vector<1x256xf32>
    %lt3A_143 = vector.broadcast %convert_element_type3A_9 : f32 to vector<1x256xf32>
    %lt3A_144 = arith.cmpf olt, %convert_element_type3A_6, %lt3A_143 : vector<1x256xf32>
    %and3A_145 = arith.andi %lt3A_142, %lt3A_144 : vector<1x256xi1>
    %add3A_146 = arith.constant 1.024000e+03 : f32
    %add3A_147 = vector.broadcast %add3A_146 : f32 to vector<1x256xf32>
    %add3A_148 = arith.addf %min3A_139, %add3A_147 : vector<1x256xf32>
    %convert_element_type3A_149 = arith.fptosi %add3A_148 : vector<1x256xf32> to vector<1x256xi32>
    %swap3A_150 = arith.constant 4 : index
    %swap3A_151 = arith.constant 0 : index
    %swap3A_152 = vector.load %arg3[%swap3A_150, %swap3A_151] : memref<16x256xi32, #tpu.memory_space<vmem>>, vector<1x256xi32>
    tpu.vector_store %arg3[%swap3A_150, %swap3A_151], %convert_element_type3A_149 {strides = array<i32>} : memref<16x256xi32, #tpu.memory_space<vmem>>, vector<1x256xi32>,
    %convert_element_type3A_153 = arith.extui %and3A_145 : vector<1x256xi1> to vector<1x256xi32>
    %convert_element_type3A_154 = arith.sitofp %convert_element_type3A_153 : vector<1x256xi32> to vector<1x256xf32>
    %swap3A_155 = arith.constant 4 : index
    %swap3A_156 = arith.constant 0 : index
    %swap3A_157 = vector.load %arg4[%swap3A_155, %swap3A_156] : memref<16x256xf32, #tpu.memory_space<vmem>>, vector<1x256xf32>
    tpu.vector_store %arg4[%swap3A_155, %swap3A_156], %convert_element_type3A_154 {strides = array<i32>} : memref<16x256xf32, #tpu.memory_space<vmem>>, vector<1x256xf32>,
    %slice3A_158 = vector.extract_strided_slice %dot_general3A_14 {offsets = [5, 0], sizes = [1, 256], strides = [1, 1]} : vector<16x256xf32> to vector<1x256xf32>
    %transpose3A_159 = tpu.transpose %slice3A_158, [1, 0] : vector<1x256xf32> -> vector<256x1xf32>
    %ge3A_160 = vector.broadcast %transpose3A_159 : vector<256x1xf32> to vector<256x256xf32>
    %ge3A_161 = arith.cmpf oge, %convert_element_type3A_1, %ge3A_160 : vector<256x256xf32>
    %convert_element_type3A_162 = arith.extui %ge3A_161 : vector<256x256xi1> to vector<256x256xi32>
    %convert_element_type3A_163 = arith.sitofp %convert_element_type3A_162 : vector<256x256xi32> to vector<256x256xf32>
    %convert_element_type3A_164 = arith.truncf %convert_element_type3A_163 : vector<256x256xf32> to vector<256x256xbf16>
    %dot_general3A_165 = arith.constant dense<0.000000e+00> : vector<1x256xf32>
    %dot_general3A_166 = tpu.matmul %broadcast_in_dim3A_7, %convert_element_type3A_164, %dot_general3A_165 {dimension_numbers = #tpu.dot_dimension_numbers<[1], [0], [0], [1], [0, 0, 1, 1], [], []>, transpose_lhs_hint = false} : vector<1x256xbf16>, vector<256x256xbf16>, vector<1x256xf32> -> vector<1x256xf32>
    %min3A_167 = arith.constant 2.550000e+02 : f32
    %min3A_168 = vector.broadcast %min3A_167 : f32 to vector<1x256xf32>
    %min3A_169 = arith.minimumf %dot_general3A_166, %min3A_168 : vector<1x256xf32>
    %slice3A_170 = vector.extract_strided_slice %slice3A {offsets = [5, 0], sizes = [1, 1], strides = [1, 1]} : vector<16x1xf32> to vector<1x1xf32>
    %lt3A_171 = vector.broadcast %slice3A_170 : vector<1x1xf32> to vector<1x256xf32>
    %lt3A_172 = arith.cmpf olt, %convert_element_type3A_6, %lt3A_171 : vector<1x256xf32>
    %lt3A_173 = vector.broadcast %convert_element_type3A_9 : f32 to vector<1x256xf32>
    %lt3A_174 = arith.cmpf olt, %convert_element_type3A_6, %lt3A_173 : vector<1x256xf32>
    %and3A_175 = arith.andi %lt3A_172, %lt3A_174 : vector<1x256xi1>
    %add3A_176 = arith.constant 1.280000e+03 : f32
    %add3A_177 = vector.broadcast %add3A_176 : f32 to vector<1x256xf32>
    %add3A_178 = arith.addf %min3A_169, %add3A_177 : vector<1x256xf32>
    %convert_element_type3A_179 = arith.fptosi %add3A_178 : vector<1x256xf32> to vector<1x256xi32>
    %swap3A_180 = arith.constant 5 : index
    %swap3A_181 = arith.constant 0 : index
    %swap3A_182 = vector.load %arg3[%swap3A_180, %swap3A_181] : memref<16x256xi32, #tpu.memory_space<vmem>>, vector<1x256xi32>
    tpu.vector_store %arg3[%swap3A_180, %swap3A_181], %convert_element_type3A_179 {strides = array<i32>} : memref<16x256xi32, #tpu.memory_space<vmem>>, vector<1x256xi32>,
    %convert_element_type3A_183 = arith.extui %and3A_175 : vector<1x256xi1> to vector<1x256xi32>
    %convert_element_type3A_184 = arith.sitofp %convert_element_type3A_183 : vector<1x256xi32> to vector<1x256xf32>
    %swap3A_185 = arith.constant 5 : index
    %swap3A_186 = arith.constant 0 : index
    %swap3A_187 = vector.load %arg4[%swap3A_185, %swap3A_186] : memref<16x256xf32, #tpu.memory_space<vmem>>, vector<1x256xf32>
    tpu.vector_store %arg4[%swap3A_185, %swap3A_186], %convert_element_type3A_184 {strides = array<i32>} : memref<16x256xf32, #tpu.memory_space<vmem>>, vector<1x256xf32>,
    %slice3A_188 = vector.extract_strided_slice %dot_general3A_14 {offsets = [6, 0], sizes = [1, 256], strides = [1, 1]} : vector<16x256xf32> to vector<1x256xf32>
    %transpose3A_189 = tpu.transpose %slice3A_188, [1, 0] : vector<1x256xf32> -> vector<256x1xf32>
    %ge3A_190 = vector.broadcast %transpose3A_189 : vector<256x1xf32> to vector<256x256xf32>
    %ge3A_191 = arith.cmpf oge, %convert_element_type3A_1, %ge3A_190 : vector<256x256xf32>
    %convert_element_type3A_192 = arith.extui %ge3A_191 : vector<256x256xi1> to vector<256x256xi32>
    %convert_element_type3A_193 = arith.sitofp %convert_element_type3A_192 : vector<256x256xi32> to vector<256x256xf32>
    %convert_element_type3A_194 = arith.truncf %convert_element_type3A_193 : vector<256x256xf32> to vector<256x256xbf16>
    %dot_general3A_195 = arith.constant dense<0.000000e+00> : vector<1x256xf32>
    %dot_general3A_196 = tpu.matmul %broadcast_in_dim3A_7, %convert_element_type3A_194, %dot_general3A_195 {dimension_numbers = #tpu.dot_dimension_numbers<[1], [0], [0], [1], [0, 0, 1, 1], [], []>, transpose_lhs_hint = false} : vector<1x256xbf16>, vector<256x256xbf16>, vector<1x256xf32> -> vector<1x256xf32>
    %min3A_197 = arith.constant 2.550000e+02 : f32
    %min3A_198 = vector.broadcast %min3A_197 : f32 to vector<1x256xf32>
    %min3A_199 = arith.minimumf %dot_general3A_196, %min3A_198 : vector<1x256xf32>
    %slice3A_200 = vector.extract_strided_slice %slice3A {offsets = [6, 0], sizes = [1, 1], strides = [1, 1]} : vector<16x1xf32> to vector<1x1xf32>
    %lt3A_201 = vector.broadcast %slice3A_200 : vector<1x1xf32> to vector<1x256xf32>
    %lt3A_202 = arith.cmpf olt, %convert_element_type3A_6, %lt3A_201 : vector<1x256xf32>
    %lt3A_203 = vector.broadcast %convert_element_type3A_9 : f32 to vector<1x256xf32>
    %lt3A_204 = arith.cmpf olt, %convert_element_type3A_6, %lt3A_203 : vector<1x256xf32>
    %and3A_205 = arith.andi %lt3A_202, %lt3A_204 : vector<1x256xi1>
    %add3A_206 = arith.constant 1.536000e+03 : f32
    %add3A_207 = vector.broadcast %add3A_206 : f32 to vector<1x256xf32>
    %add3A_208 = arith.addf %min3A_199, %add3A_207 : vector<1x256xf32>
    %convert_element_type3A_209 = arith.fptosi %add3A_208 : vector<1x256xf32> to vector<1x256xi32>
    %swap3A_210 = arith.constant 6 : index
    %swap3A_211 = arith.constant 0 : index
    %swap3A_212 = vector.load %arg3[%swap3A_210, %swap3A_211] : memref<16x256xi32, #tpu.memory_space<vmem>>, vector<1x256xi32>
    tpu.vector_store %arg3[%swap3A_210, %swap3A_211], %convert_element_type3A_209 {strides = array<i32>} : memref<16x256xi32, #tpu.memory_space<vmem>>, vector<1x256xi32>,
    %convert_element_type3A_213 = arith.extui %and3A_205 : vector<1x256xi1> to vector<1x256xi32>
    %convert_element_type3A_214 = arith.sitofp %convert_element_type3A_213 : vector<1x256xi32> to vector<1x256xf32>
    %swap3A_215 = arith.constant 6 : index
    %swap3A_216 = arith.constant 0 : index
    %swap3A_217 = vector.load %arg4[%swap3A_215, %swap3A_216] : memref<16x256xf32, #tpu.memory_space<vmem>>, vector<1x256xf32>
    tpu.vector_store %arg4[%swap3A_215, %swap3A_216], %convert_element_type3A_214 {strides = array<i32>} : memref<16x256xf32, #tpu.memory_space<vmem>>, vector<1x256xf32>,
    %slice3A_218 = vector.extract_strided_slice %dot_general3A_14 {offsets = [7, 0], sizes = [1, 256], strides = [1, 1]} : vector<16x256xf32> to vector<1x256xf32>
    %transpose3A_219 = tpu.transpose %slice3A_218, [1, 0] : vector<1x256xf32> -> vector<256x1xf32>
    %ge3A_220 = vector.broadcast %transpose3A_219 : vector<256x1xf32> to vector<256x256xf32>
    %ge3A_221 = arith.cmpf oge, %convert_element_type3A_1, %ge3A_220 : vector<256x256xf32>
    %convert_element_type3A_222 = arith.extui %ge3A_221 : vector<256x256xi1> to vector<256x256xi32>
    %convert_element_type3A_223 = arith.sitofp %convert_element_type3A_222 : vector<256x256xi32> to vector<256x256xf32>
    %convert_element_type3A_224 = arith.truncf %convert_element_type3A_223 : vector<256x256xf32> to vector<256x256xbf16>
    %dot_general3A_225 = arith.constant dense<0.000000e+00> : vector<1x256xf32>
    %dot_general3A_226 = tpu.matmul %broadcast_in_dim3A_7, %convert_element_type3A_224, %dot_general3A_225 {dimension_numbers = #tpu.dot_dimension_numbers<[1], [0], [0], [1], [0, 0, 1, 1], [], []>, transpose_lhs_hint = false} : vector<1x256xbf16>, vector<256x256xbf16>, vector<1x256xf32> -> vector<1x256xf32>
    %min3A_227 = arith.constant 2.550000e+02 : f32
    %min3A_228 = vector.broadcast %min3A_227 : f32 to vector<1x256xf32>
    %min3A_229 = arith.minimumf %dot_general3A_226, %min3A_228 : vector<1x256xf32>
    %slice3A_230 = vector.extract_strided_slice %slice3A {offsets = [7, 0], sizes = [1, 1], strides = [1, 1]} : vector<16x1xf32> to vector<1x1xf32>
    %lt3A_231 = vector.broadcast %slice3A_230 : vector<1x1xf32> to vector<1x256xf32>
    %lt3A_232 = arith.cmpf olt, %convert_element_type3A_6, %lt3A_231 : vector<1x256xf32>
    %lt3A_233 = vector.broadcast %convert_element_type3A_9 : f32 to vector<1x256xf32>
    %lt3A_234 = arith.cmpf olt, %convert_element_type3A_6, %lt3A_233 : vector<1x256xf32>
    %and3A_235 = arith.andi %lt3A_232, %lt3A_234 : vector<1x256xi1>
    %add3A_236 = arith.constant 1.792000e+03 : f32
    %add3A_237 = vector.broadcast %add3A_236 : f32 to vector<1x256xf32>
    %add3A_238 = arith.addf %min3A_229, %add3A_237 : vector<1x256xf32>
    %convert_element_type3A_239 = arith.fptosi %add3A_238 : vector<1x256xf32> to vector<1x256xi32>
    %swap3A_240 = arith.constant 7 : index
    %swap3A_241 = arith.constant 0 : index
    %swap3A_242 = vector.load %arg3[%swap3A_240, %swap3A_241] : memref<16x256xi32, #tpu.memory_space<vmem>>, vector<1x256xi32>
    tpu.vector_store %arg3[%swap3A_240, %swap3A_241], %convert_element_type3A_239 {strides = array<i32>} : memref<16x256xi32, #tpu.memory_space<vmem>>, vector<1x256xi32>,
    %convert_element_type3A_243 = arith.extui %and3A_235 : vector<1x256xi1> to vector<1x256xi32>
    %convert_element_type3A_244 = arith.sitofp %convert_element_type3A_243 : vector<1x256xi32> to vector<1x256xf32>
    %swap3A_245 = arith.constant 7 : index
    %swap3A_246 = arith.constant 0 : index
    %swap3A_247 = vector.load %arg4[%swap3A_245, %swap3A_246] : memref<16x256xf32, #tpu.memory_space<vmem>>, vector<1x256xf32>
    tpu.vector_store %arg4[%swap3A_245, %swap3A_246], %convert_element_type3A_244 {strides = array<i32>} : memref<16x256xf32, #tpu.memory_space<vmem>>, vector<1x256xf32>,
    %slice3A_248 = vector.extract_strided_slice %dot_general3A_14 {offsets = [8, 0], sizes = [1, 256], strides = [1, 1]} : vector<16x256xf32> to vector<1x256xf32>
    %transpose3A_249 = tpu.transpose %slice3A_248, [1, 0] : vector<1x256xf32> -> vector<256x1xf32>
    %ge3A_250 = vector.broadcast %transpose3A_249 : vector<256x1xf32> to vector<256x256xf32>
    %ge3A_251 = arith.cmpf oge, %convert_element_type3A_1, %ge3A_250 : vector<256x256xf32>
    %convert_element_type3A_252 = arith.extui %ge3A_251 : vector<256x256xi1> to vector<256x256xi32>
    %convert_element_type3A_253 = arith.sitofp %convert_element_type3A_252 : vector<256x256xi32> to vector<256x256xf32>
    %convert_element_type3A_254 = arith.truncf %convert_element_type3A_253 : vector<256x256xf32> to vector<256x256xbf16>
    %dot_general3A_255 = arith.constant dense<0.000000e+00> : vector<1x256xf32>
    %dot_general3A_256 = tpu.matmul %broadcast_in_dim3A_7, %convert_element_type3A_254, %dot_general3A_255 {dimension_numbers = #tpu.dot_dimension_numbers<[1], [0], [0], [1], [0, 0, 1, 1], [], []>, transpose_lhs_hint = false} : vector<1x256xbf16>, vector<256x256xbf16>, vector<1x256xf32> -> vector<1x256xf32>
    %min3A_257 = arith.constant 2.550000e+02 : f32
    %min3A_258 = vector.broadcast %min3A_257 : f32 to vector<1x256xf32>
    %min3A_259 = arith.minimumf %dot_general3A_256, %min3A_258 : vector<1x256xf32>
    %slice3A_260 = vector.extract_strided_slice %slice3A {offsets = [8, 0], sizes = [1, 1], strides = [1, 1]} : vector<16x1xf32> to vector<1x1xf32>
    %lt3A_261 = vector.broadcast %slice3A_260 : vector<1x1xf32> to vector<1x256xf32>
    %lt3A_262 = arith.cmpf olt, %convert_element_type3A_6, %lt3A_261 : vector<1x256xf32>
    %lt3A_263 = vector.broadcast %convert_element_type3A_9 : f32 to vector<1x256xf32>
    %lt3A_264 = arith.cmpf olt, %convert_element_type3A_6, %lt3A_263 : vector<1x256xf32>
    %and3A_265 = arith.andi %lt3A_262, %lt3A_264 : vector<1x256xi1>
    %add3A_266 = arith.constant 2.048000e+03 : f32
    %add3A_267 = vector.broadcast %add3A_266 : f32 to vector<1x256xf32>
    %add3A_268 = arith.addf %min3A_259, %add3A_267 : vector<1x256xf32>
    %convert_element_type3A_269 = arith.fptosi %add3A_268 : vector<1x256xf32> to vector<1x256xi32>
    %swap3A_270 = arith.constant 8 : index
    %swap3A_271 = arith.constant 0 : index
    %swap3A_272 = vector.load %arg3[%swap3A_270, %swap3A_271] : memref<16x256xi32, #tpu.memory_space<vmem>>, vector<1x256xi32>
    tpu.vector_store %arg3[%swap3A_270, %swap3A_271], %convert_element_type3A_269 {strides = array<i32>} : memref<16x256xi32, #tpu.memory_space<vmem>>, vector<1x256xi32>,
    %convert_element_type3A_273 = arith.extui %and3A_265 : vector<1x256xi1> to vector<1x256xi32>
    %convert_element_type3A_274 = arith.sitofp %convert_element_type3A_273 : vector<1x256xi32> to vector<1x256xf32>
    %swap3A_275 = arith.constant 8 : index
    %swap3A_276 = arith.constant 0 : index
    %swap3A_277 = vector.load %arg4[%swap3A_275, %swap3A_276] : memref<16x256xf32, #tpu.memory_space<vmem>>, vector<1x256xf32>
    tpu.vector_store %arg4[%swap3A_275, %swap3A_276], %convert_element_type3A_274 {strides = array<i32>} : memref<16x256xf32, #tpu.memory_space<vmem>>, vector<1x256xf32>,
    %slice3A_278 = vector.extract_strided_slice %dot_general3A_14 {offsets = [9, 0], sizes = [1, 256], strides = [1, 1]} : vector<16x256xf32> to vector<1x256xf32>
    %transpose3A_279 = tpu.transpose %slice3A_278, [1, 0] : vector<1x256xf32> -> vector<256x1xf32>
    %ge3A_280 = vector.broadcast %transpose3A_279 : vector<256x1xf32> to vector<256x256xf32>
    %ge3A_281 = arith.cmpf oge, %convert_element_type3A_1, %ge3A_280 : vector<256x256xf32>
    %convert_element_type3A_282 = arith.extui %ge3A_281 : vector<256x256xi1> to vector<256x256xi32>
    %convert_element_type3A_283 = arith.sitofp %convert_element_type3A_282 : vector<256x256xi32> to vector<256x256xf32>
    %convert_element_type3A_284 = arith.truncf %convert_element_type3A_283 : vector<256x256xf32> to vector<256x256xbf16>
    %dot_general3A_285 = arith.constant dense<0.000000e+00> : vector<1x256xf32>
    %dot_general3A_286 = tpu.matmul %broadcast_in_dim3A_7, %convert_element_type3A_284, %dot_general3A_285 {dimension_numbers = #tpu.dot_dimension_numbers<[1], [0], [0], [1], [0, 0, 1, 1], [], []>, transpose_lhs_hint = false} : vector<1x256xbf16>, vector<256x256xbf16>, vector<1x256xf32> -> vector<1x256xf32>
    %min3A_287 = arith.constant 2.550000e+02 : f32
    %min3A_288 = vector.broadcast %min3A_287 : f32 to vector<1x256xf32>
    %min3A_289 = arith.minimumf %dot_general3A_286, %min3A_288 : vector<1x256xf32>
    %slice3A_290 = vector.extract_strided_slice %slice3A {offsets = [9, 0], sizes = [1, 1], strides = [1, 1]} : vector<16x1xf32> to vector<1x1xf32>
    %lt3A_291 = vector.broadcast %slice3A_290 : vector<1x1xf32> to vector<1x256xf32>
    %lt3A_292 = arith.cmpf olt, %convert_element_type3A_6, %lt3A_291 : vector<1x256xf32>
    %lt3A_293 = vector.broadcast %convert_element_type3A_9 : f32 to vector<1x256xf32>
    %lt3A_294 = arith.cmpf olt, %convert_element_type3A_6, %lt3A_293 : vector<1x256xf32>
    %and3A_295 = arith.andi %lt3A_292, %lt3A_294 : vector<1x256xi1>
    %add3A_296 = arith.constant 2.304000e+03 : f32
    %add3A_297 = vector.broadcast %add3A_296 : f32 to vector<1x256xf32>
    %add3A_298 = arith.addf %min3A_289, %add3A_297 : vector<1x256xf32>
    %convert_element_type3A_299 = arith.fptosi %add3A_298 : vector<1x256xf32> to vector<1x256xi32>
    %swap3A_300 = arith.constant 9 : index
    %swap3A_301 = arith.constant 0 : index
    %swap3A_302 = vector.load %arg3[%swap3A_300, %swap3A_301] : memref<16x256xi32, #tpu.memory_space<vmem>>, vector<1x256xi32>
    tpu.vector_store %arg3[%swap3A_300, %swap3A_301], %convert_element_type3A_299 {strides = array<i32>} : memref<16x256xi32, #tpu.memory_space<vmem>>, vector<1x256xi32>,
    %convert_element_type3A_303 = arith.extui %and3A_295 : vector<1x256xi1> to vector<1x256xi32>
    %convert_element_type3A_304 = arith.sitofp %convert_element_type3A_303 : vector<1x256xi32> to vector<1x256xf32>
    %swap3A_305 = arith.constant 9 : index
    %swap3A_306 = arith.constant 0 : index
    %swap3A_307 = vector.load %arg4[%swap3A_305, %swap3A_306] : memref<16x256xf32, #tpu.memory_space<vmem>>, vector<1x256xf32>
    tpu.vector_store %arg4[%swap3A_305, %swap3A_306], %convert_element_type3A_304 {strides = array<i32>} : memref<16x256xf32, #tpu.memory_space<vmem>>, vector<1x256xf32>,
    %slice3A_308 = vector.extract_strided_slice %dot_general3A_14 {offsets = [10, 0], sizes = [1, 256], strides = [1, 1]} : vector<16x256xf32> to vector<1x256xf32>
    %transpose3A_309 = tpu.transpose %slice3A_308, [1, 0] : vector<1x256xf32> -> vector<256x1xf32>
    %ge3A_310 = vector.broadcast %transpose3A_309 : vector<256x1xf32> to vector<256x256xf32>
    %ge3A_311 = arith.cmpf oge, %convert_element_type3A_1, %ge3A_310 : vector<256x256xf32>
    %convert_element_type3A_312 = arith.extui %ge3A_311 : vector<256x256xi1> to vector<256x256xi32>
    %convert_element_type3A_313 = arith.sitofp %convert_element_type3A_312 : vector<256x256xi32> to vector<256x256xf32>
    %convert_element_type3A_314 = arith.truncf %convert_element_type3A_313 : vector<256x256xf32> to vector<256x256xbf16>
    %dot_general3A_315 = arith.constant dense<0.000000e+00> : vector<1x256xf32>
    %dot_general3A_316 = tpu.matmul %broadcast_in_dim3A_7, %convert_element_type3A_314, %dot_general3A_315 {dimension_numbers = #tpu.dot_dimension_numbers<[1], [0], [0], [1], [0, 0, 1, 1], [], []>, transpose_lhs_hint = false} : vector<1x256xbf16>, vector<256x256xbf16>, vector<1x256xf32> -> vector<1x256xf32>
    %min3A_317 = arith.constant 2.550000e+02 : f32
    %min3A_318 = vector.broadcast %min3A_317 : f32 to vector<1x256xf32>
    %min3A_319 = arith.minimumf %dot_general3A_316, %min3A_318 : vector<1x256xf32>
    %slice3A_320 = vector.extract_strided_slice %slice3A {offsets = [10, 0], sizes = [1, 1], strides = [1, 1]} : vector<16x1xf32> to vector<1x1xf32>
    %lt3A_321 = vector.broadcast %slice3A_320 : vector<1x1xf32> to vector<1x256xf32>
    %lt3A_322 = arith.cmpf olt, %convert_element_type3A_6, %lt3A_321 : vector<1x256xf32>
    %lt3A_323 = vector.broadcast %convert_element_type3A_9 : f32 to vector<1x256xf32>
    %lt3A_324 = arith.cmpf olt, %convert_element_type3A_6, %lt3A_323 : vector<1x256xf32>
    %and3A_325 = arith.andi %lt3A_322, %lt3A_324 : vector<1x256xi1>
    %add3A_326 = arith.constant 2.560000e+03 : f32
    %add3A_327 = vector.broadcast %add3A_326 : f32 to vector<1x256xf32>
    %add3A_328 = arith.addf %min3A_319, %add3A_327 : vector<1x256xf32>
    %convert_element_type3A_329 = arith.fptosi %add3A_328 : vector<1x256xf32> to vector<1x256xi32>
    %swap3A_330 = arith.constant 10 : index
    %swap3A_331 = arith.constant 0 : index
    %swap3A_332 = vector.load %arg3[%swap3A_330, %swap3A_331] : memref<16x256xi32, #tpu.memory_space<vmem>>, vector<1x256xi32>
    tpu.vector_store %arg3[%swap3A_330, %swap3A_331], %convert_element_type3A_329 {strides = array<i32>} : memref<16x256xi32, #tpu.memory_space<vmem>>, vector<1x256xi32>,
    %convert_element_type3A_333 = arith.extui %and3A_325 : vector<1x256xi1> to vector<1x256xi32>
    %convert_element_type3A_334 = arith.sitofp %convert_element_type3A_333 : vector<1x256xi32> to vector<1x256xf32>
    %swap3A_335 = arith.constant 10 : index
    %swap3A_336 = arith.constant 0 : index
    %swap3A_337 = vector.load %arg4[%swap3A_335, %swap3A_336] : memref<16x256xf32, #tpu.memory_space<vmem>>, vector<1x256xf32>
    tpu.vector_store %arg4[%swap3A_335, %swap3A_336], %convert_element_type3A_334 {strides = array<i32>} : memref<16x256xf32, #tpu.memory_space<vmem>>, vector<1x256xf32>,
    %slice3A_338 = vector.extract_strided_slice %dot_general3A_14 {offsets = [11, 0], sizes = [1, 256], strides = [1, 1]} : vector<16x256xf32> to vector<1x256xf32>
    %transpose3A_339 = tpu.transpose %slice3A_338, [1, 0] : vector<1x256xf32> -> vector<256x1xf32>
    %ge3A_340 = vector.broadcast %transpose3A_339 : vector<256x1xf32> to vector<256x256xf32>
    %ge3A_341 = arith.cmpf oge, %convert_element_type3A_1, %ge3A_340 : vector<256x256xf32>
    %convert_element_type3A_342 = arith.extui %ge3A_341 : vector<256x256xi1> to vector<256x256xi32>
    %convert_element_type3A_343 = arith.sitofp %convert_element_type3A_342 : vector<256x256xi32> to vector<256x256xf32>
    %convert_element_type3A_344 = arith.truncf %convert_element_type3A_343 : vector<256x256xf32> to vector<256x256xbf16>
    %dot_general3A_345 = arith.constant dense<0.000000e+00> : vector<1x256xf32>
    %dot_general3A_346 = tpu.matmul %broadcast_in_dim3A_7, %convert_element_type3A_344, %dot_general3A_345 {dimension_numbers = #tpu.dot_dimension_numbers<[1], [0], [0], [1], [0, 0, 1, 1], [], []>, transpose_lhs_hint = false} : vector<1x256xbf16>, vector<256x256xbf16>, vector<1x256xf32> -> vector<1x256xf32>
    %min3A_347 = arith.constant 2.550000e+02 : f32
    %min3A_348 = vector.broadcast %min3A_347 : f32 to vector<1x256xf32>
    %min3A_349 = arith.minimumf %dot_general3A_346, %min3A_348 : vector<1x256xf32>
    %slice3A_350 = vector.extract_strided_slice %slice3A {offsets = [11, 0], sizes = [1, 1], strides = [1, 1]} : vector<16x1xf32> to vector<1x1xf32>
    %lt3A_351 = vector.broadcast %slice3A_350 : vector<1x1xf32> to vector<1x256xf32>
    %lt3A_352 = arith.cmpf olt, %convert_element_type3A_6, %lt3A_351 : vector<1x256xf32>
    %lt3A_353 = vector.broadcast %convert_element_type3A_9 : f32 to vector<1x256xf32>
    %lt3A_354 = arith.cmpf olt, %convert_element_type3A_6, %lt3A_353 : vector<1x256xf32>
    %and3A_355 = arith.andi %lt3A_352, %lt3A_354 : vector<1x256xi1>
    %add3A_356 = arith.constant 2.816000e+03 : f32
    %add3A_357 = vector.broadcast %add3A_356 : f32 to vector<1x256xf32>
    %add3A_358 = arith.addf %min3A_349, %add3A_357 : vector<1x256xf32>
    %convert_element_type3A_359 = arith.fptosi %add3A_358 : vector<1x256xf32> to vector<1x256xi32>
    %swap3A_360 = arith.constant 11 : index
    %swap3A_361 = arith.constant 0 : index
    %swap3A_362 = vector.load %arg3[%swap3A_360, %swap3A_361] : memref<16x256xi32, #tpu.memory_space<vmem>>, vector<1x256xi32>
    tpu.vector_store %arg3[%swap3A_360, %swap3A_361], %convert_element_type3A_359 {strides = array<i32>} : memref<16x256xi32, #tpu.memory_space<vmem>>, vector<1x256xi32>,
    %convert_element_type3A_363 = arith.extui %and3A_355 : vector<1x256xi1> to vector<1x256xi32>
    %convert_element_type3A_364 = arith.sitofp %convert_element_type3A_363 : vector<1x256xi32> to vector<1x256xf32>
    %swap3A_365 = arith.constant 11 : index
    %swap3A_366 = arith.constant 0 : index
    %swap3A_367 = vector.load %arg4[%swap3A_365, %swap3A_366] : memref<16x256xf32, #tpu.memory_space<vmem>>, vector<1x256xf32>
    tpu.vector_store %arg4[%swap3A_365, %swap3A_366], %convert_element_type3A_364 {strides = array<i32>} : memref<16x256xf32, #tpu.memory_space<vmem>>, vector<1x256xf32>,
    %slice3A_368 = vector.extract_strided_slice %dot_general3A_14 {offsets = [12, 0], sizes = [1, 256], strides = [1, 1]} : vector<16x256xf32> to vector<1x256xf32>
    %transpose3A_369 = tpu.transpose %slice3A_368, [1, 0] : vector<1x256xf32> -> vector<256x1xf32>
    %ge3A_370 = vector.broadcast %transpose3A_369 : vector<256x1xf32> to vector<256x256xf32>
    %ge3A_371 = arith.cmpf oge, %convert_element_type3A_1, %ge3A_370 : vector<256x256xf32>
    %convert_element_type3A_372 = arith.extui %ge3A_371 : vector<256x256xi1> to vector<256x256xi32>
    %convert_element_type3A_373 = arith.sitofp %convert_element_type3A_372 : vector<256x256xi32> to vector<256x256xf32>
    %convert_element_type3A_374 = arith.truncf %convert_element_type3A_373 : vector<256x256xf32> to vector<256x256xbf16>
    %dot_general3A_375 = arith.constant dense<0.000000e+00> : vector<1x256xf32>
    %dot_general3A_376 = tpu.matmul %broadcast_in_dim3A_7, %convert_element_type3A_374, %dot_general3A_375 {dimension_numbers = #tpu.dot_dimension_numbers<[1], [0], [0], [1], [0, 0, 1, 1], [], []>, transpose_lhs_hint = false} : vector<1x256xbf16>, vector<256x256xbf16>, vector<1x256xf32> -> vector<1x256xf32>
    %min3A_377 = arith.constant 2.550000e+02 : f32
    %min3A_378 = vector.broadcast %min3A_377 : f32 to vector<1x256xf32>
    %min3A_379 = arith.minimumf %dot_general3A_376, %min3A_378 : vector<1x256xf32>
    %slice3A_380 = vector.extract_strided_slice %slice3A {offsets = [12, 0], sizes = [1, 1], strides = [1, 1]} : vector<16x1xf32> to vector<1x1xf32>
    %lt3A_381 = vector.broadcast %slice3A_380 : vector<1x1xf32> to vector<1x256xf32>
    %lt3A_382 = arith.cmpf olt, %convert_element_type3A_6, %lt3A_381 : vector<1x256xf32>
    %lt3A_383 = vector.broadcast %convert_element_type3A_9 : f32 to vector<1x256xf32>
    %lt3A_384 = arith.cmpf olt, %convert_element_type3A_6, %lt3A_383 : vector<1x256xf32>
    %and3A_385 = arith.andi %lt3A_382, %lt3A_384 : vector<1x256xi1>
    %add3A_386 = arith.constant 3.072000e+03 : f32
    %add3A_387 = vector.broadcast %add3A_386 : f32 to vector<1x256xf32>
    %add3A_388 = arith.addf %min3A_379, %add3A_387 : vector<1x256xf32>
    %convert_element_type3A_389 = arith.fptosi %add3A_388 : vector<1x256xf32> to vector<1x256xi32>
    %swap3A_390 = arith.constant 12 : index
    %swap3A_391 = arith.constant 0 : index
    %swap3A_392 = vector.load %arg3[%swap3A_390, %swap3A_391] : memref<16x256xi32, #tpu.memory_space<vmem>>, vector<1x256xi32>
    tpu.vector_store %arg3[%swap3A_390, %swap3A_391], %convert_element_type3A_389 {strides = array<i32>} : memref<16x256xi32, #tpu.memory_space<vmem>>, vector<1x256xi32>,
    %convert_element_type3A_393 = arith.extui %and3A_385 : vector<1x256xi1> to vector<1x256xi32>
    %convert_element_type3A_394 = arith.sitofp %convert_element_type3A_393 : vector<1x256xi32> to vector<1x256xf32>
    %swap3A_395 = arith.constant 12 : index
    %swap3A_396 = arith.constant 0 : index
    %swap3A_397 = vector.load %arg4[%swap3A_395, %swap3A_396] : memref<16x256xf32, #tpu.memory_space<vmem>>, vector<1x256xf32>
    tpu.vector_store %arg4[%swap3A_395, %swap3A_396], %convert_element_type3A_394 {strides = array<i32>} : memref<16x256xf32, #tpu.memory_space<vmem>>, vector<1x256xf32>,
    %slice3A_398 = vector.extract_strided_slice %dot_general3A_14 {offsets = [13, 0], sizes = [1, 256], strides = [1, 1]} : vector<16x256xf32> to vector<1x256xf32>
    %transpose3A_399 = tpu.transpose %slice3A_398, [1, 0] : vector<1x256xf32> -> vector<256x1xf32>
    %ge3A_400 = vector.broadcast %transpose3A_399 : vector<256x1xf32> to vector<256x256xf32>
    %ge3A_401 = arith.cmpf oge, %convert_element_type3A_1, %ge3A_400 : vector<256x256xf32>
    %convert_element_type3A_402 = arith.extui %ge3A_401 : vector<256x256xi1> to vector<256x256xi32>
    %convert_element_type3A_403 = arith.sitofp %convert_element_type3A_402 : vector<256x256xi32> to vector<256x256xf32>
    %convert_element_type3A_404 = arith.truncf %convert_element_type3A_403 : vector<256x256xf32> to vector<256x256xbf16>
    %dot_general3A_405 = arith.constant dense<0.000000e+00> : vector<1x256xf32>
    %dot_general3A_406 = tpu.matmul %broadcast_in_dim3A_7, %convert_element_type3A_404, %dot_general3A_405 {dimension_numbers = #tpu.dot_dimension_numbers<[1], [0], [0], [1], [0, 0, 1, 1], [], []>, transpose_lhs_hint = false} : vector<1x256xbf16>, vector<256x256xbf16>, vector<1x256xf32> -> vector<1x256xf32>
    %min3A_407 = arith.constant 2.550000e+02 : f32
    %min3A_408 = vector.broadcast %min3A_407 : f32 to vector<1x256xf32>
    %min3A_409 = arith.minimumf %dot_general3A_406, %min3A_408 : vector<1x256xf32>
    %slice3A_410 = vector.extract_strided_slice %slice3A {offsets = [13, 0], sizes = [1, 1], strides = [1, 1]} : vector<16x1xf32> to vector<1x1xf32>
    %lt3A_411 = vector.broadcast %slice3A_410 : vector<1x1xf32> to vector<1x256xf32>
    %lt3A_412 = arith.cmpf olt, %convert_element_type3A_6, %lt3A_411 : vector<1x256xf32>
    %lt3A_413 = vector.broadcast %convert_element_type3A_9 : f32 to vector<1x256xf32>
    %lt3A_414 = arith.cmpf olt, %convert_element_type3A_6, %lt3A_413 : vector<1x256xf32>
    %and3A_415 = arith.andi %lt3A_412, %lt3A_414 : vector<1x256xi1>
    %add3A_416 = arith.constant 3.328000e+03 : f32
    %add3A_417 = vector.broadcast %add3A_416 : f32 to vector<1x256xf32>
    %add3A_418 = arith.addf %min3A_409, %add3A_417 : vector<1x256xf32>
    %convert_element_type3A_419 = arith.fptosi %add3A_418 : vector<1x256xf32> to vector<1x256xi32>
    %swap3A_420 = arith.constant 13 : index
    %swap3A_421 = arith.constant 0 : index
    %swap3A_422 = vector.load %arg3[%swap3A_420, %swap3A_421] : memref<16x256xi32, #tpu.memory_space<vmem>>, vector<1x256xi32>
    tpu.vector_store %arg3[%swap3A_420, %swap3A_421], %convert_element_type3A_419 {strides = array<i32>} : memref<16x256xi32, #tpu.memory_space<vmem>>, vector<1x256xi32>,
    %convert_element_type3A_423 = arith.extui %and3A_415 : vector<1x256xi1> to vector<1x256xi32>
    %convert_element_type3A_424 = arith.sitofp %convert_element_type3A_423 : vector<1x256xi32> to vector<1x256xf32>
    %swap3A_425 = arith.constant 13 : index
    %swap3A_426 = arith.constant 0 : index
    %swap3A_427 = vector.load %arg4[%swap3A_425, %swap3A_426] : memref<16x256xf32, #tpu.memory_space<vmem>>, vector<1x256xf32>
    tpu.vector_store %arg4[%swap3A_425, %swap3A_426], %convert_element_type3A_424 {strides = array<i32>} : memref<16x256xf32, #tpu.memory_space<vmem>>, vector<1x256xf32>,
    %slice3A_428 = vector.extract_strided_slice %dot_general3A_14 {offsets = [14, 0], sizes = [1, 256], strides = [1, 1]} : vector<16x256xf32> to vector<1x256xf32>
    %transpose3A_429 = tpu.transpose %slice3A_428, [1, 0] : vector<1x256xf32> -> vector<256x1xf32>
    %ge3A_430 = vector.broadcast %transpose3A_429 : vector<256x1xf32> to vector<256x256xf32>
    %ge3A_431 = arith.cmpf oge, %convert_element_type3A_1, %ge3A_430 : vector<256x256xf32>
    %convert_element_type3A_432 = arith.extui %ge3A_431 : vector<256x256xi1> to vector<256x256xi32>
    %convert_element_type3A_433 = arith.sitofp %convert_element_type3A_432 : vector<256x256xi32> to vector<256x256xf32>
    %convert_element_type3A_434 = arith.truncf %convert_element_type3A_433 : vector<256x256xf32> to vector<256x256xbf16>
    %dot_general3A_435 = arith.constant dense<0.000000e+00> : vector<1x256xf32>
    %dot_general3A_436 = tpu.matmul %broadcast_in_dim3A_7, %convert_element_type3A_434, %dot_general3A_435 {dimension_numbers = #tpu.dot_dimension_numbers<[1], [0], [0], [1], [0, 0, 1, 1], [], []>, transpose_lhs_hint = false} : vector<1x256xbf16>, vector<256x256xbf16>, vector<1x256xf32> -> vector<1x256xf32>
    %min3A_437 = arith.constant 2.550000e+02 : f32
    %min3A_438 = vector.broadcast %min3A_437 : f32 to vector<1x256xf32>
    %min3A_439 = arith.minimumf %dot_general3A_436, %min3A_438 : vector<1x256xf32>
    %slice3A_440 = vector.extract_strided_slice %slice3A {offsets = [14, 0], sizes = [1, 1], strides = [1, 1]} : vector<16x1xf32> to vector<1x1xf32>
    %lt3A_441 = vector.broadcast %slice3A_440 : vector<1x1xf32> to vector<1x256xf32>
    %lt3A_442 = arith.cmpf olt, %convert_element_type3A_6, %lt3A_441 : vector<1x256xf32>
    %lt3A_443 = vector.broadcast %convert_element_type3A_9 : f32 to vector<1x256xf32>
    %lt3A_444 = arith.cmpf olt, %convert_element_type3A_6, %lt3A_443 : vector<1x256xf32>
    %and3A_445 = arith.andi %lt3A_442, %lt3A_444 : vector<1x256xi1>
    %add3A_446 = arith.constant 3.584000e+03 : f32
    %add3A_447 = vector.broadcast %add3A_446 : f32 to vector<1x256xf32>
    %add3A_448 = arith.addf %min3A_439, %add3A_447 : vector<1x256xf32>
    %convert_element_type3A_449 = arith.fptosi %add3A_448 : vector<1x256xf32> to vector<1x256xi32>
    %swap3A_450 = arith.constant 14 : index
    %swap3A_451 = arith.constant 0 : index
    %swap3A_452 = vector.load %arg3[%swap3A_450, %swap3A_451] : memref<16x256xi32, #tpu.memory_space<vmem>>, vector<1x256xi32>
    tpu.vector_store %arg3[%swap3A_450, %swap3A_451], %convert_element_type3A_449 {strides = array<i32>} : memref<16x256xi32, #tpu.memory_space<vmem>>, vector<1x256xi32>,
    %convert_element_type3A_453 = arith.extui %and3A_445 : vector<1x256xi1> to vector<1x256xi32>
    %convert_element_type3A_454 = arith.sitofp %convert_element_type3A_453 : vector<1x256xi32> to vector<1x256xf32>
    %swap3A_455 = arith.constant 14 : index
    %swap3A_456 = arith.constant 0 : index
    %swap3A_457 = vector.load %arg4[%swap3A_455, %swap3A_456] : memref<16x256xf32, #tpu.memory_space<vmem>>, vector<1x256xf32>
    tpu.vector_store %arg4[%swap3A_455, %swap3A_456], %convert_element_type3A_454 {strides = array<i32>} : memref<16x256xf32, #tpu.memory_space<vmem>>, vector<1x256xf32>,
    %slice3A_458 = vector.extract_strided_slice %dot_general3A_14 {offsets = [15, 0], sizes = [1, 256], strides = [1, 1]} : vector<16x256xf32> to vector<1x256xf32>
    %transpose3A_459 = tpu.transpose %slice3A_458, [1, 0] : vector<1x256xf32> -> vector<256x1xf32>
    %ge3A_460 = vector.broadcast %transpose3A_459 : vector<256x1xf32> to vector<256x256xf32>
    %ge3A_461 = arith.cmpf oge, %convert_element_type3A_1, %ge3A_460 : vector<256x256xf32>
    %convert_element_type3A_462 = arith.extui %ge3A_461 : vector<256x256xi1> to vector<256x256xi32>
    %convert_element_type3A_463 = arith.sitofp %convert_element_type3A_462 : vector<256x256xi32> to vector<256x256xf32>
    %convert_element_type3A_464 = arith.truncf %convert_element_type3A_463 : vector<256x256xf32> to vector<256x256xbf16>
    %dot_general3A_465 = arith.constant dense<0.000000e+00> : vector<1x256xf32>
    %dot_general3A_466 = tpu.matmul %broadcast_in_dim3A_7, %convert_element_type3A_464, %dot_general3A_465 {dimension_numbers = #tpu.dot_dimension_numbers<[1], [0], [0], [1], [0, 0, 1, 1], [], []>, transpose_lhs_hint = false} : vector<1x256xbf16>, vector<256x256xbf16>, vector<1x256xf32> -> vector<1x256xf32>
    %min3A_467 = arith.constant 2.550000e+02 : f32
    %min3A_468 = vector.broadcast %min3A_467 : f32 to vector<1x256xf32>
    %min3A_469 = arith.minimumf %dot_general3A_466, %min3A_468 : vector<1x256xf32>
    %slice3A_470 = vector.extract_strided_slice %slice3A {offsets = [15, 0], sizes = [1, 1], strides = [1, 1]} : vector<16x1xf32> to vector<1x1xf32>
    %lt3A_471 = vector.broadcast %slice3A_470 : vector<1x1xf32> to vector<1x256xf32>
    %lt3A_472 = arith.cmpf olt, %convert_element_type3A_6, %lt3A_471 : vector<1x256xf32>
    %lt3A_473 = vector.broadcast %convert_element_type3A_9 : f32 to vector<1x256xf32>
    %lt3A_474 = arith.cmpf olt, %convert_element_type3A_6, %lt3A_473 : vector<1x256xf32>
    %and3A_475 = arith.andi %lt3A_472, %lt3A_474 : vector<1x256xi1>
    %add3A_476 = arith.constant 3.840000e+03 : f32
    %add3A_477 = vector.broadcast %add3A_476 : f32 to vector<1x256xf32>
    %add3A_478 = arith.addf %min3A_469, %add3A_477 : vector<1x256xf32>
    %convert_element_type3A_479 = arith.fptosi %add3A_478 : vector<1x256xf32> to vector<1x256xi32>
    %swap3A_480 = arith.constant 15 : index
    %swap3A_481 = arith.constant 0 : index
    %swap3A_482 = vector.load %arg3[%swap3A_480, %swap3A_481] : memref<16x256xi32, #tpu.memory_space<vmem>>, vector<1x256xi32>
    tpu.vector_store %arg3[%swap3A_480, %swap3A_481], %convert_element_type3A_479 {strides = array<i32>} : memref<16x256xi32, #tpu.memory_space<vmem>>, vector<1x256xi32>,
    %convert_element_type3A_483 = arith.extui %and3A_475 : vector<1x256xi1> to vector<1x256xi32>
    %convert_element_type3A_484 = arith.sitofp %convert_element_type3A_483 : vector<1x256xi32> to vector<1x256xf32>
    %swap3A_485 = arith.constant 15 : index
    %swap3A_486 = arith.constant 0 : index
    %swap3A_487 = vector.load %arg4[%swap3A_485, %swap3A_486] : memref<16x256xf32, #tpu.memory_space<vmem>>, vector<1x256xf32>
    tpu.vector_store %arg4[%swap3A_485, %swap3A_486], %convert_element_type3A_484 {strides = array<i32>} : memref<16x256xf32, #tpu.memory_space<vmem>>, vector<1x256xf32>,
    %convert_element_type3A_488 = arith.fptosi %slice3A : vector<16x1xf32> to vector<16x1xi32>
    %swap3A_489 = arith.constant 0 : index
    %swap3A_490 = arith.constant 0 : index
    %swap3A_491 = vector.load %arg5[%swap3A_489, %swap3A_490] : memref<16x1xi32, #tpu.memory_space<vmem>>, vector<16x1xi32>
    tpu.vector_store %arg5[%swap3A_489, %swap3A_490], %convert_element_type3A_488 {strides = array<i32>} : memref<16x1xi32, #tpu.memory_space<vmem>>, vector<16x1xi32>,
    return
  }
  func.func @transform_0(%arg0: i32) -> i32 {
    %c0_i32 = arith.constant 0 : i32
    %c0_i32_0 = arith.constant 0 : i32
    return %c0_i32 : i32
  }
  func.func @transform_1(%arg0: i32) -> (i32, i32) {
    %c0_i32 = arith.constant 0 : i32
    %c0_i32_0 = arith.constant 0 : i32
    %c0_i32_1 = arith.constant 0 : i32
    return %c0_i32, %c0_i32_0 : i32, i32
  }
  func.func @transform_2(%arg0: i32) -> (i32, i32) {
    %c0_i32 = arith.constant 0 : i32
    %c0_i32_0 = arith.constant 0 : i32
    %c0_i32_1 = arith.constant 0 : i32
    return %c0_i32, %c0_i32_0 : i32, i32
  }
  func.func @transform_3(%arg0: i32) -> (i32, i32) {
    %c0_i32 = arith.constant 0 : i32
    %c0_i32_0 = arith.constant 0 : i32
    %c0_i32_1 = arith.constant 0 : i32
    return %c0_i32, %c0_i32_0 : i32, i32
  }
  func.func @transform_4(%arg0: i32) -> (i32, i32) {
    %c0_i32 = arith.constant 0 : i32
    %c0_i32_0 = arith.constant 0 : i32
    %c0_i32_1 = arith.constant 0 : i32
    return %c0_i32, %c0_i32_0 : i32, i32
  }
}

module attributes {stable_mosaic.version = 14 : i64} {
  func.func @_tca_body(%arg0: i32, %arg1: memref<3xf32, #tpu.memory_space<smem>>, %arg2: memref<8x256x256xf32, #tpu.memory_space<vmem>>, %arg3: memref<6x768x256xbf16, #tpu.memory_space<vmem>>, %arg4: memref<29x256xf32, #tpu.memory_space<vmem>>, %arg5: memref<1x8x256xf32, #tpu.memory_space<vmem>>) attributes {dimension_semantics = [#tpu.dimension_semantics<parallel>], iteration_bounds = array<i64: 2>, scalar_prefetch = 0 : i64, scratch_operands = 0 : i64, tpu.core_type = #tpu.core_type<tc>, window_params = [{transform_indices = @transform_0, window_bounds = array<i64: 3>}, {transform_indices = @transform_1, window_bounds = array<i64: 8, 256, 256>}, {pipeline_mode = #tpu.pipeline_mode<synchronous>, transform_indices = @transform_2, window_bounds = array<i64: 6, 768, 256>}, {pipeline_mode = #tpu.pipeline_mode<synchronous>, transform_indices = @transform_3, window_bounds = array<i64: 29, 256>}, {transform_indices = @transform_4, window_bounds = array<i64: 1, 8, 256>}]} {
    %iota3A = tpu.iota {dimensions = array<i32: 1>} : vector<1x2048xi32>
    %and3A = arith.constant 255 : i32
    %and3A_0 = vector.broadcast %and3A : i32 to vector<1x2048xi32>
    %and3A_1 = arith.andi %iota3A, %and3A_0 : vector<1x2048xi32>
    %ne3A = arith.constant 0 : i32
    %ne3A_2 = vector.broadcast %ne3A : i32 to vector<1x2048xi32>
    %ne3A_3 = arith.cmpi ne, %and3A_1, %ne3A_2 : vector<1x2048xi32>
    %convert_element_type3A = arith.extui %ne3A_3 : vector<1x2048xi1> to vector<1x2048xi32>
    %convert_element_type3A_4 = arith.sitofp %convert_element_type3A : vector<1x2048xi32> to vector<1x2048xf32>
    %convert_element_type3A_5 = arith.truncf %convert_element_type3A_4 : vector<1x2048xf32> to vector<1x2048xbf16>
    %ne3A_6 = arith.constant 255 : i32
    %ne3A_7 = vector.broadcast %ne3A_6 : i32 to vector<1x2048xi32>
    %ne3A_8 = arith.cmpi ne, %and3A_1, %ne3A_7 : vector<1x2048xi32>
    %convert_element_type3A_9 = arith.extui %ne3A_8 : vector<1x2048xi1> to vector<1x2048xi32>
    %convert_element_type3A_10 = arith.sitofp %convert_element_type3A_9 : vector<1x2048xi32> to vector<1x2048xf32>
    %convert_element_type3A_11 = arith.truncf %convert_element_type3A_10 : vector<1x2048xf32> to vector<1x2048xbf16>
    %iota3A_12 = tpu.iota {dimensions = array<i32: 0>} : vector<2048x8xi32>
    %iota3A_13 = tpu.iota {dimensions = array<i32: 1>} : vector<2048x8xi32>
    %jit3A = arith.constant 256 : i32
    %div3A = vector.broadcast %jit3A : i32 to vector<2048x8xi32>
    %div3A_14 = arith.divsi %iota3A_12, %div3A : vector<2048x8xi32>
    %sign3A = arith.constant 0 : i32
    %sign3A_15 = vector.broadcast %sign3A : i32 to vector<2048x8xi32>
    %sign3A_16 = arith.cmpi sgt, %iota3A_12, %sign3A_15 : vector<2048x8xi32>
    %sign3A_17 = arith.extui %sign3A_16 : vector<2048x8xi1> to vector<2048x8xi32>
    %sign3A_18 = arith.constant 0 : i32
    %sign3A_19 = vector.broadcast %sign3A_18 : i32 to vector<2048x8xi32>
    %sign3A_20 = arith.cmpi slt, %iota3A_12, %sign3A_19 : vector<2048x8xi32>
    %sign3A_21 = arith.extui %sign3A_20 : vector<2048x8xi1> to vector<2048x8xi32>
    %sign3A_22 = arith.subi %sign3A_17, %sign3A_21 : vector<2048x8xi32>
    %sign3A_23 = arith.constant 0 : i32
    %sign3A_24 = arith.cmpi sgt, %jit3A, %sign3A_23 : i32
    %sign3A_25 = arith.extui %sign3A_24 : i1 to i32
    %sign3A_26 = arith.constant 0 : i32
    %sign3A_27 = arith.cmpi slt, %jit3A, %sign3A_26 : i32
    %sign3A_28 = arith.extui %sign3A_27 : i1 to i32
    %sign3A_29 = arith.subi %sign3A_25, %sign3A_28 : i32
    %ne3A_30 = vector.broadcast %sign3A_29 : i32 to vector<2048x8xi32>
    %ne3A_31 = arith.cmpi ne, %sign3A_22, %ne3A_30 : vector<2048x8xi32>
    %rem3A = vector.broadcast %jit3A : i32 to vector<2048x8xi32>
    %rem3A_32 = arith.remsi %iota3A_12, %rem3A : vector<2048x8xi32>
    %ne3A_33 = arith.constant 0 : i32
    %ne3A_34 = vector.broadcast %ne3A_33 : i32 to vector<2048x8xi32>
    %ne3A_35 = arith.cmpi ne, %rem3A_32, %ne3A_34 : vector<2048x8xi32>
    %and3A_36 = arith.andi %ne3A_31, %ne3A_35 : vector<2048x8xi1>
    %sub3A = arith.constant 1 : i32
    %sub3A_37 = vector.broadcast %sub3A : i32 to vector<2048x8xi32>
    %sub3A_38 = arith.subi %div3A_14, %sub3A_37 : vector<2048x8xi32>
    %select_n3A = arith.select %and3A_36, %sub3A_38, %div3A_14 : vector<2048x8xi1>, vector<2048x8xi32>
    %eq3A = arith.cmpi eq, %select_n3A, %iota3A_13 : vector<2048x8xi32>
    %convert_element_type3A_39 = arith.extui %eq3A : vector<2048x8xi1> to vector<2048x8xi32>
    %convert_element_type3A_40 = arith.sitofp %convert_element_type3A_39 : vector<2048x8xi32> to vector<2048x8xf32>
    %mul3A = arith.constant 3.906250e-03 : f32
    %mul3A_41 = vector.broadcast %mul3A : f32 to vector<2048x8xf32>
    %mul3A_42 = arith.mulf %convert_element_type3A_40, %mul3A_41 : vector<2048x8xf32>
    %iota3A_43 = tpu.iota {dimensions = array<i32: 0>} : vector<8x2048xi32>
    %iota3A_44 = tpu.iota {dimensions = array<i32: 1>} : vector<8x2048xi32>
    %jit3A_45 = arith.constant 256 : i32
    %div3A_46 = vector.broadcast %jit3A_45 : i32 to vector<8x2048xi32>
    %div3A_47 = arith.divsi %iota3A_44, %div3A_46 : vector<8x2048xi32>
    %sign3A_48 = arith.constant 0 : i32
    %sign3A_49 = vector.broadcast %sign3A_48 : i32 to vector<8x2048xi32>
    %sign3A_50 = arith.cmpi sgt, %iota3A_44, %sign3A_49 : vector<8x2048xi32>
    %sign3A_51 = arith.extui %sign3A_50 : vector<8x2048xi1> to vector<8x2048xi32>
    %sign3A_52 = arith.constant 0 : i32
    %sign3A_53 = vector.broadcast %sign3A_52 : i32 to vector<8x2048xi32>
    %sign3A_54 = arith.cmpi slt, %iota3A_44, %sign3A_53 : vector<8x2048xi32>
    %sign3A_55 = arith.extui %sign3A_54 : vector<8x2048xi1> to vector<8x2048xi32>
    %sign3A_56 = arith.subi %sign3A_51, %sign3A_55 : vector<8x2048xi32>
    %sign3A_57 = arith.constant 0 : i32
    %sign3A_58 = arith.cmpi sgt, %jit3A_45, %sign3A_57 : i32
    %sign3A_59 = arith.extui %sign3A_58 : i1 to i32
    %sign3A_60 = arith.constant 0 : i32
    %sign3A_61 = arith.cmpi slt, %jit3A_45, %sign3A_60 : i32
    %sign3A_62 = arith.extui %sign3A_61 : i1 to i32
    %sign3A_63 = arith.subi %sign3A_59, %sign3A_62 : i32
    %ne3A_64 = vector.broadcast %sign3A_63 : i32 to vector<8x2048xi32>
    %ne3A_65 = arith.cmpi ne, %sign3A_56, %ne3A_64 : vector<8x2048xi32>
    %rem3A_66 = vector.broadcast %jit3A_45 : i32 to vector<8x2048xi32>
    %rem3A_67 = arith.remsi %iota3A_44, %rem3A_66 : vector<8x2048xi32>
    %ne3A_68 = arith.constant 0 : i32
    %ne3A_69 = vector.broadcast %ne3A_68 : i32 to vector<8x2048xi32>
    %ne3A_70 = arith.cmpi ne, %rem3A_67, %ne3A_69 : vector<8x2048xi32>
    %and3A_71 = arith.andi %ne3A_65, %ne3A_70 : vector<8x2048xi1>
    %sub3A_72 = arith.constant 1 : i32
    %sub3A_73 = vector.broadcast %sub3A_72 : i32 to vector<8x2048xi32>
    %sub3A_74 = arith.subi %div3A_47, %sub3A_73 : vector<8x2048xi32>
    %select_n3A_75 = arith.select %and3A_71, %sub3A_74, %div3A_47 : vector<8x2048xi1>, vector<8x2048xi32>
    %eq3A_76 = arith.cmpi eq, %select_n3A_75, %iota3A_43 : vector<8x2048xi32>
    %convert_element_type3A_77 = arith.extui %eq3A_76 : vector<8x2048xi1> to vector<8x2048xi32>
    %convert_element_type3A_78 = arith.sitofp %convert_element_type3A_77 : vector<8x2048xi32> to vector<8x2048xf32>
    %get3A = arith.constant 0 : index
    %get3A_79 = arith.constant 0 : index
    %get3A_80 = arith.constant 0 : index
    %get3A_81 = vector.load %arg2[%get3A, %get3A_79, %get3A_80] : memref<8x256x256xf32, #tpu.memory_space<vmem>>, vector<1x256x256xf32>
    %get3A_82 = vector.shape_cast %get3A_81 : vector<1x256x256xf32> to vector<256x256xf32>
    %convert_element_type3A_83 = arith.truncf %get3A_82 : vector<256x256xf32> to vector<256x256xbf16>
    %get3A_84 = arith.constant 1 : index
    %get3A_85 = arith.constant 0 : index
    %get3A_86 = arith.constant 0 : index
    %get3A_87 = vector.load %arg2[%get3A_84, %get3A_85, %get3A_86] : memref<8x256x256xf32, #tpu.memory_space<vmem>>, vector<1x256x256xf32>
    %get3A_88 = vector.shape_cast %get3A_87 : vector<1x256x256xf32> to vector<256x256xf32>
    %convert_element_type3A_89 = arith.truncf %get3A_88 : vector<256x256xf32> to vector<256x256xbf16>
    %get3A_90 = arith.constant 2 : index
    %get3A_91 = arith.constant 0 : index
    %get3A_92 = arith.constant 0 : index
    %get3A_93 = vector.load %arg2[%get3A_90, %get3A_91, %get3A_92] : memref<8x256x256xf32, #tpu.memory_space<vmem>>, vector<1x256x256xf32>
    %get3A_94 = vector.shape_cast %get3A_93 : vector<1x256x256xf32> to vector<256x256xf32>
    %convert_element_type3A_95 = arith.truncf %get3A_94 : vector<256x256xf32> to vector<256x256xbf16>
    %get3A_96 = arith.constant 3 : index
    %get3A_97 = arith.constant 0 : index
    %get3A_98 = arith.constant 0 : index
    %get3A_99 = vector.load %arg2[%get3A_96, %get3A_97, %get3A_98] : memref<8x256x256xf32, #tpu.memory_space<vmem>>, vector<1x256x256xf32>
    %get3A_100 = vector.shape_cast %get3A_99 : vector<1x256x256xf32> to vector<256x256xf32>
    %convert_element_type3A_101 = arith.truncf %get3A_100 : vector<256x256xf32> to vector<256x256xbf16>
    %get3A_102 = arith.constant 4 : index
    %get3A_103 = arith.constant 0 : index
    %get3A_104 = arith.constant 0 : index
    %get3A_105 = vector.load %arg2[%get3A_102, %get3A_103, %get3A_104] : memref<8x256x256xf32, #tpu.memory_space<vmem>>, vector<1x256x256xf32>
    %get3A_106 = vector.shape_cast %get3A_105 : vector<1x256x256xf32> to vector<256x256xf32>
    %convert_element_type3A_107 = arith.truncf %get3A_106 : vector<256x256xf32> to vector<256x256xbf16>
    %get3A_108 = arith.constant 5 : index
    %get3A_109 = arith.constant 0 : index
    %get3A_110 = arith.constant 0 : index
    %get3A_111 = vector.load %arg2[%get3A_108, %get3A_109, %get3A_110] : memref<8x256x256xf32, #tpu.memory_space<vmem>>, vector<1x256x256xf32>
    %get3A_112 = vector.shape_cast %get3A_111 : vector<1x256x256xf32> to vector<256x256xf32>
    %convert_element_type3A_113 = arith.truncf %get3A_112 : vector<256x256xf32> to vector<256x256xbf16>
    %get3A_114 = arith.constant 6 : index
    %get3A_115 = arith.constant 0 : index
    %get3A_116 = arith.constant 0 : index
    %get3A_117 = vector.load %arg2[%get3A_114, %get3A_115, %get3A_116] : memref<8x256x256xf32, #tpu.memory_space<vmem>>, vector<1x256x256xf32>
    %get3A_118 = vector.shape_cast %get3A_117 : vector<1x256x256xf32> to vector<256x256xf32>
    %convert_element_type3A_119 = arith.truncf %get3A_118 : vector<256x256xf32> to vector<256x256xbf16>
    %get3A_120 = arith.constant 7 : index
    %get3A_121 = arith.constant 0 : index
    %get3A_122 = arith.constant 0 : index
    %get3A_123 = vector.load %arg2[%get3A_120, %get3A_121, %get3A_122] : memref<8x256x256xf32, #tpu.memory_space<vmem>>, vector<1x256x256xf32>
    %get3A_124 = vector.shape_cast %get3A_123 : vector<1x256x256xf32> to vector<256x256xf32>
    %convert_element_type3A_125 = arith.truncf %get3A_124 : vector<256x256xf32> to vector<256x256xbf16>
    %concatenate3A = tpu.concatenate %convert_element_type3A_83, %convert_element_type3A_89, %convert_element_type3A_95, %convert_element_type3A_101, %convert_element_type3A_107, %convert_element_type3A_113, %convert_element_type3A_119, %convert_element_type3A_125 in 1 : vector<256x256xbf16>, vector<256x256xbf16>, vector<256x256xbf16>, vector<256x256xbf16>, vector<256x256xbf16>, vector<256x256xbf16>, vector<256x256xbf16>, vector<256x256xbf16> -> vector<256x2048xbf16>
    %get3A_126 = arith.constant 0 : index
    %get3A_127 = memref.load %arg1[%get3A_126] : memref<3xf32, #tpu.memory_space<smem>>
    %get3A_128 = arith.constant 0 : index
    %get3A_129 = arith.constant 0 : index
    %get3A_130 = vector.load %arg4[%get3A_128, %get3A_129] : memref<29x256xf32, #tpu.memory_space<vmem>>, vector<1x256xf32>
    %transpose3A = tpu.transpose %get3A_130, [1, 0] : vector<1x256xf32> -> vector<256x1xf32>
    %get3A_131 = arith.constant 0 : index
    %get3A_132 = arith.constant 0 : index
    %get3A_133 = arith.constant 0 : index
    %get3A_134 = vector.load %arg3[%get3A_131, %get3A_132, %get3A_133] : memref<6x768x256xbf16, #tpu.memory_space<vmem>>, vector<1x768x256xbf16>
    %get3A_135 = vector.shape_cast %get3A_134 : vector<1x768x256xbf16> to vector<768x256xbf16>
    %broadcast_in_dim3A = arith.constant 0.000000e+00 : bf16
    %broadcast_in_dim3A_136 = vector.broadcast %broadcast_in_dim3A : bf16 to vector<256x1xbf16>
    %slice3A = vector.extract_strided_slice %concatenate3A {offsets = [0, 0], sizes = [256, 2047], strides = [1, 1]} : vector<256x2048xbf16> to vector<256x2047xbf16>
    %concatenate3A_137 = tpu.concatenate %broadcast_in_dim3A_136, %slice3A in 1 : vector<256x1xbf16>, vector<256x2047xbf16> -> vector<256x2048xbf16>
    %mul3A_138 = vector.broadcast %convert_element_type3A_5 : vector<1x2048xbf16> to vector<256x2048xbf16>
    %mul3A_139 = arith.mulf %concatenate3A_137, %mul3A_138 : vector<256x2048xbf16>
    %slice3A_140 = vector.extract_strided_slice %concatenate3A {offsets = [0, 1], sizes = [256, 2047], strides = [1, 1]} : vector<256x2048xbf16> to vector<256x2047xbf16>
    %broadcast_in_dim3A_141 = arith.constant 0.000000e+00 : bf16
    %broadcast_in_dim3A_142 = vector.broadcast %broadcast_in_dim3A_141 : bf16 to vector<256x1xbf16>
    %concatenate3A_143 = tpu.concatenate %slice3A_140, %broadcast_in_dim3A_142 in 1 : vector<256x2047xbf16>, vector<256x1xbf16> -> vector<256x2048xbf16>
    %mul3A_144 = vector.broadcast %convert_element_type3A_11 : vector<1x2048xbf16> to vector<256x2048xbf16>
    %mul3A_145 = arith.mulf %concatenate3A_143, %mul3A_144 : vector<256x2048xbf16>
    %slice3A_146 = vector.extract_strided_slice %get3A_135 {offsets = [0, 0], sizes = [256, 256], strides = [1, 1]} : vector<768x256xbf16> to vector<256x256xbf16>
    %dot_general3A = arith.constant dense<0.000000e+00> : vector<256x2048xf32>
    %dot_general3A_147 = tpu.matmul %slice3A_146, %mul3A_139, %dot_general3A {dimension_numbers = #tpu.dot_dimension_numbers<[1], [0], [0], [1], [0, 0, 1, 1], [], []>, transpose_lhs_hint = false} : vector<256x256xbf16>, vector<256x2048xbf16>, vector<256x2048xf32> -> vector<256x2048xf32>
    %slice3A_148 = vector.extract_strided_slice %get3A_135 {offsets = [256, 0], sizes = [256, 256], strides = [1, 1]} : vector<768x256xbf16> to vector<256x256xbf16>
    %dot_general3A_149 = arith.constant dense<0.000000e+00> : vector<256x2048xf32>
    %dot_general3A_150 = tpu.matmul %slice3A_148, %concatenate3A, %dot_general3A_149 {dimension_numbers = #tpu.dot_dimension_numbers<[1], [0], [0], [1], [0, 0, 1, 1], [], []>, transpose_lhs_hint = false} : vector<256x256xbf16>, vector<256x2048xbf16>, vector<256x2048xf32> -> vector<256x2048xf32>
    %add3A = arith.addf %dot_general3A_147, %dot_general3A_150 : vector<256x2048xf32>
    %slice3A_151 = vector.extract_strided_slice %get3A_135 {offsets = [512, 0], sizes = [256, 256], strides = [1, 1]} : vector<768x256xbf16> to vector<256x256xbf16>
    %dot_general3A_152 = arith.constant dense<0.000000e+00> : vector<256x2048xf32>
    %dot_general3A_153 = tpu.matmul %slice3A_151, %mul3A_145, %dot_general3A_152 {dimension_numbers = #tpu.dot_dimension_numbers<[1], [0], [0], [1], [0, 0, 1, 1], [], []>, transpose_lhs_hint = false} : vector<256x256xbf16>, vector<256x2048xbf16>, vector<256x2048xf32> -> vector<256x2048xf32>
    %add3A_154 = arith.addf %add3A, %dot_general3A_153 : vector<256x2048xf32>
    %add3A_155 = vector.broadcast %transpose3A : vector<256x1xf32> to vector<256x2048xf32>
    %add3A_156 = arith.addf %add3A_154, %add3A_155 : vector<256x2048xf32>
    %max3A = arith.constant 0.000000e+00 : f32
    %max3A_157 = vector.broadcast %max3A : f32 to vector<256x2048xf32>
    %max3A_158 = arith.maximumf %add3A_156, %max3A_157 : vector<256x2048xf32>
    %get3A_159 = arith.constant 1 : index
    %get3A_160 = arith.constant 0 : index
    %get3A_161 = vector.load %arg4[%get3A_159, %get3A_160] : memref<29x256xf32, #tpu.memory_space<vmem>>, vector<1x256xf32>
    %concatenate3A_162 = tpu.concatenate %get3A_161, %get3A_161, %get3A_161, %get3A_161, %get3A_161, %get3A_161, %get3A_161, %get3A_161 in 1 : vector<1x256xf32>, vector<1x256xf32>, vector<1x256xf32>, vector<1x256xf32>, vector<1x256xf32>, vector<1x256xf32>, vector<1x256xf32>, vector<1x256xf32> -> vector<1x2048xf32>
    %get3A_163 = arith.constant 2 : index
    %get3A_164 = arith.constant 0 : index
    %get3A_165 = vector.load %arg4[%get3A_163, %get3A_164] : memref<29x256xf32, #tpu.memory_space<vmem>>, vector<1x256xf32>
    %concatenate3A_166 = tpu.concatenate %get3A_165, %get3A_165, %get3A_165, %get3A_165, %get3A_165, %get3A_165, %get3A_165, %get3A_165 in 1 : vector<1x256xf32>, vector<1x256xf32>, vector<1x256xf32>, vector<1x256xf32>, vector<1x256xf32>, vector<1x256xf32>, vector<1x256xf32>, vector<1x256xf32> -> vector<1x2048xf32>
    %dot_general3A_167 = arith.constant dense<0.000000e+00> : vector<256x8xf32>
    %dot_general3A_168 = tpu.matmul %max3A_158, %mul3A_42, %dot_general3A_167 {dimension_numbers = #tpu.dot_dimension_numbers<[1], [0], [0], [1], [0, 0, 1, 1], [], []>, transpose_lhs_hint = false} : vector<256x2048xf32>, vector<2048x8xf32>, vector<256x8xf32> -> vector<256x8xf32>
    %dot_general3A_169 = arith.constant dense<0.000000e+00> : vector<256x2048xf32>
    %dot_general3A_170 = tpu.matmul %dot_general3A_168, %convert_element_type3A_78, %dot_general3A_169 {dimension_numbers = #tpu.dot_dimension_numbers<[1], [0], [0], [1], [0, 0, 1, 1], [], []>, transpose_lhs_hint = false} : vector<256x8xf32>, vector<8x2048xf32>, vector<256x2048xf32> -> vector<256x2048xf32>
    %sub3A_171 = arith.subf %max3A_158, %dot_general3A_170 : vector<256x2048xf32>
    %mul3A_172 = arith.mulf %sub3A_171, %sub3A_171 : vector<256x2048xf32>
    %dot_general3A_173 = arith.constant dense<0.000000e+00> : vector<256x8xf32>
    %dot_general3A_174 = tpu.matmul %mul3A_172, %mul3A_42, %dot_general3A_173 {dimension_numbers = #tpu.dot_dimension_numbers<[1], [0], [0], [1], [0, 0, 1, 1], [], []>, transpose_lhs_hint = false} : vector<256x2048xf32>, vector<2048x8xf32>, vector<256x8xf32> -> vector<256x8xf32>
    %add3A_175 = arith.constant 9.99999974E-6 : f32
    %add3A_176 = vector.broadcast %add3A_175 : f32 to vector<256x8xf32>
    %add3A_177 = arith.addf %dot_general3A_174, %add3A_176 : vector<256x8xf32>
    %rsqrt3A = math.rsqrt %add3A_177 : vector<256x8xf32>
    %dot_general3A_178 = arith.constant dense<0.000000e+00> : vector<256x2048xf32>
    %dot_general3A_179 = tpu.matmul %rsqrt3A, %convert_element_type3A_78, %dot_general3A_178 {dimension_numbers = #tpu.dot_dimension_numbers<[1], [0], [0], [1], [0, 0, 1, 1], [], []>, transpose_lhs_hint = false} : vector<256x8xf32>, vector<8x2048xf32>, vector<256x2048xf32> -> vector<256x2048xf32>
    %mul3A_180 = arith.mulf %sub3A_171, %dot_general3A_179 : vector<256x2048xf32>
    %mul3A_181 = vector.broadcast %concatenate3A_162 : vector<1x2048xf32> to vector<256x2048xf32>
    %mul3A_182 = arith.mulf %mul3A_180, %mul3A_181 : vector<256x2048xf32>
    %add3A_183 = vector.broadcast %concatenate3A_166 : vector<1x2048xf32> to vector<256x2048xf32>
    %add3A_184 = arith.addf %mul3A_182, %add3A_183 : vector<256x2048xf32>
    %convert_element_type3A_185 = arith.truncf %add3A_184 : vector<256x2048xf32> to vector<256x2048xbf16>
    %get3A_186 = arith.constant 3 : index
    %get3A_187 = arith.constant 0 : index
    %get3A_188 = vector.load %arg4[%get3A_186, %get3A_187] : memref<29x256xf32, #tpu.memory_space<vmem>>, vector<1x256xf32>
    %transpose3A_189 = tpu.transpose %get3A_188, [1, 0] : vector<1x256xf32> -> vector<256x1xf32>
    %get3A_190 = arith.constant 1 : index
    %get3A_191 = arith.constant 0 : index
    %get3A_192 = arith.constant 0 : index
    %get3A_193 = vector.load %arg3[%get3A_190, %get3A_191, %get3A_192] : memref<6x768x256xbf16, #tpu.memory_space<vmem>>, vector<1x768x256xbf16>
    %get3A_194 = vector.shape_cast %get3A_193 : vector<1x768x256xbf16> to vector<768x256xbf16>
    %broadcast_in_dim3A_195 = arith.constant 0.000000e+00 : bf16
    %broadcast_in_dim3A_196 = vector.broadcast %broadcast_in_dim3A_195 : bf16 to vector<256x1xbf16>
    %slice3A_197 = vector.extract_strided_slice %convert_element_type3A_185 {offsets = [0, 0], sizes = [256, 2047], strides = [1, 1]} : vector<256x2048xbf16> to vector<256x2047xbf16>
    %concatenate3A_198 = tpu.concatenate %broadcast_in_dim3A_196, %slice3A_197 in 1 : vector<256x1xbf16>, vector<256x2047xbf16> -> vector<256x2048xbf16>
    %mul3A_199 = vector.broadcast %convert_element_type3A_5 : vector<1x2048xbf16> to vector<256x2048xbf16>
    %mul3A_200 = arith.mulf %concatenate3A_198, %mul3A_199 : vector<256x2048xbf16>
    %slice3A_201 = vector.extract_strided_slice %convert_element_type3A_185 {offsets = [0, 1], sizes = [256, 2047], strides = [1, 1]} : vector<256x2048xbf16> to vector<256x2047xbf16>
    %broadcast_in_dim3A_202 = arith.constant 0.000000e+00 : bf16
    %broadcast_in_dim3A_203 = vector.broadcast %broadcast_in_dim3A_202 : bf16 to vector<256x1xbf16>
    %concatenate3A_204 = tpu.concatenate %slice3A_201, %broadcast_in_dim3A_203 in 1 : vector<256x2047xbf16>, vector<256x1xbf16> -> vector<256x2048xbf16>
    %mul3A_205 = vector.broadcast %convert_element_type3A_11 : vector<1x2048xbf16> to vector<256x2048xbf16>
    %mul3A_206 = arith.mulf %concatenate3A_204, %mul3A_205 : vector<256x2048xbf16>
    %slice3A_207 = vector.extract_strided_slice %get3A_194 {offsets = [0, 0], sizes = [256, 256], strides = [1, 1]} : vector<768x256xbf16> to vector<256x256xbf16>
    %dot_general3A_208 = arith.constant dense<0.000000e+00> : vector<256x2048xf32>
    %dot_general3A_209 = tpu.matmul %slice3A_207, %mul3A_200, %dot_general3A_208 {dimension_numbers = #tpu.dot_dimension_numbers<[1], [0], [0], [1], [0, 0, 1, 1], [], []>, transpose_lhs_hint = false} : vector<256x256xbf16>, vector<256x2048xbf16>, vector<256x2048xf32> -> vector<256x2048xf32>
    %slice3A_210 = vector.extract_strided_slice %get3A_194 {offsets = [256, 0], sizes = [256, 256], strides = [1, 1]} : vector<768x256xbf16> to vector<256x256xbf16>
    %dot_general3A_211 = arith.constant dense<0.000000e+00> : vector<256x2048xf32>
    %dot_general3A_212 = tpu.matmul %slice3A_210, %convert_element_type3A_185, %dot_general3A_211 {dimension_numbers = #tpu.dot_dimension_numbers<[1], [0], [0], [1], [0, 0, 1, 1], [], []>, transpose_lhs_hint = false} : vector<256x256xbf16>, vector<256x2048xbf16>, vector<256x2048xf32> -> vector<256x2048xf32>
    %add3A_213 = arith.addf %dot_general3A_209, %dot_general3A_212 : vector<256x2048xf32>
    %slice3A_214 = vector.extract_strided_slice %get3A_194 {offsets = [512, 0], sizes = [256, 256], strides = [1, 1]} : vector<768x256xbf16> to vector<256x256xbf16>
    %dot_general3A_215 = arith.constant dense<0.000000e+00> : vector<256x2048xf32>
    %dot_general3A_216 = tpu.matmul %slice3A_214, %mul3A_206, %dot_general3A_215 {dimension_numbers = #tpu.dot_dimension_numbers<[1], [0], [0], [1], [0, 0, 1, 1], [], []>, transpose_lhs_hint = false} : vector<256x256xbf16>, vector<256x2048xbf16>, vector<256x2048xf32> -> vector<256x2048xf32>
    %add3A_217 = arith.addf %add3A_213, %dot_general3A_216 : vector<256x2048xf32>
    %add3A_218 = vector.broadcast %transpose3A_189 : vector<256x1xf32> to vector<256x2048xf32>
    %add3A_219 = arith.addf %add3A_217, %add3A_218 : vector<256x2048xf32>
    %max3A_220 = arith.constant 0.000000e+00 : f32
    %max3A_221 = vector.broadcast %max3A_220 : f32 to vector<256x2048xf32>
    %max3A_222 = arith.maximumf %add3A_219, %max3A_221 : vector<256x2048xf32>
    %get3A_223 = arith.constant 4 : index
    %get3A_224 = arith.constant 0 : index
    %get3A_225 = vector.load %arg4[%get3A_223, %get3A_224] : memref<29x256xf32, #tpu.memory_space<vmem>>, vector<1x256xf32>
    %concatenate3A_226 = tpu.concatenate %get3A_225, %get3A_225, %get3A_225, %get3A_225, %get3A_225, %get3A_225, %get3A_225, %get3A_225 in 1 : vector<1x256xf32>, vector<1x256xf32>, vector<1x256xf32>, vector<1x256xf32>, vector<1x256xf32>, vector<1x256xf32>, vector<1x256xf32>, vector<1x256xf32> -> vector<1x2048xf32>
    %get3A_227 = arith.constant 5 : index
    %get3A_228 = arith.constant 0 : index
    %get3A_229 = vector.load %arg4[%get3A_227, %get3A_228] : memref<29x256xf32, #tpu.memory_space<vmem>>, vector<1x256xf32>
    %concatenate3A_230 = tpu.concatenate %get3A_229, %get3A_229, %get3A_229, %get3A_229, %get3A_229, %get3A_229, %get3A_229, %get3A_229 in 1 : vector<1x256xf32>, vector<1x256xf32>, vector<1x256xf32>, vector<1x256xf32>, vector<1x256xf32>, vector<1x256xf32>, vector<1x256xf32>, vector<1x256xf32> -> vector<1x2048xf32>
    %dot_general3A_231 = arith.constant dense<0.000000e+00> : vector<256x8xf32>
    %dot_general3A_232 = tpu.matmul %max3A_222, %mul3A_42, %dot_general3A_231 {dimension_numbers = #tpu.dot_dimension_numbers<[1], [0], [0], [1], [0, 0, 1, 1], [], []>, transpose_lhs_hint = false} : vector<256x2048xf32>, vector<2048x8xf32>, vector<256x8xf32> -> vector<256x8xf32>
    %dot_general3A_233 = arith.constant dense<0.000000e+00> : vector<256x2048xf32>
    %dot_general3A_234 = tpu.matmul %dot_general3A_232, %convert_element_type3A_78, %dot_general3A_233 {dimension_numbers = #tpu.dot_dimension_numbers<[1], [0], [0], [1], [0, 0, 1, 1], [], []>, transpose_lhs_hint = false} : vector<256x8xf32>, vector<8x2048xf32>, vector<256x2048xf32> -> vector<256x2048xf32>
    %sub3A_235 = arith.subf %max3A_222, %dot_general3A_234 : vector<256x2048xf32>
    %mul3A_236 = arith.mulf %sub3A_235, %sub3A_235 : vector<256x2048xf32>
    %dot_general3A_237 = arith.constant dense<0.000000e+00> : vector<256x8xf32>
    %dot_general3A_238 = tpu.matmul %mul3A_236, %mul3A_42, %dot_general3A_237 {dimension_numbers = #tpu.dot_dimension_numbers<[1], [0], [0], [1], [0, 0, 1, 1], [], []>, transpose_lhs_hint = false} : vector<256x2048xf32>, vector<2048x8xf32>, vector<256x8xf32> -> vector<256x8xf32>
    %add3A_239 = arith.constant 9.99999974E-6 : f32
    %add3A_240 = vector.broadcast %add3A_239 : f32 to vector<256x8xf32>
    %add3A_241 = arith.addf %dot_general3A_238, %add3A_240 : vector<256x8xf32>
    %rsqrt3A_242 = math.rsqrt %add3A_241 : vector<256x8xf32>
    %dot_general3A_243 = arith.constant dense<0.000000e+00> : vector<256x2048xf32>
    %dot_general3A_244 = tpu.matmul %rsqrt3A_242, %convert_element_type3A_78, %dot_general3A_243 {dimension_numbers = #tpu.dot_dimension_numbers<[1], [0], [0], [1], [0, 0, 1, 1], [], []>, transpose_lhs_hint = false} : vector<256x8xf32>, vector<8x2048xf32>, vector<256x2048xf32> -> vector<256x2048xf32>
    %mul3A_245 = arith.mulf %sub3A_235, %dot_general3A_244 : vector<256x2048xf32>
    %mul3A_246 = vector.broadcast %concatenate3A_226 : vector<1x2048xf32> to vector<256x2048xf32>
    %mul3A_247 = arith.mulf %mul3A_245, %mul3A_246 : vector<256x2048xf32>
    %add3A_248 = vector.broadcast %concatenate3A_230 : vector<1x2048xf32> to vector<256x2048xf32>
    %add3A_249 = arith.addf %mul3A_247, %add3A_248 : vector<256x2048xf32>
    %get3A_250 = arith.constant 6 : index
    %get3A_251 = arith.constant 0 : index
    %get3A_252 = vector.load %arg4[%get3A_250, %get3A_251] : memref<29x256xf32, #tpu.memory_space<vmem>>, vector<1x256xf32>
    %concatenate3A_253 = tpu.concatenate %get3A_252, %get3A_252, %get3A_252, %get3A_252, %get3A_252, %get3A_252, %get3A_252, %get3A_252 in 1 : vector<1x256xf32>, vector<1x256xf32>, vector<1x256xf32>, vector<1x256xf32>, vector<1x256xf32>, vector<1x256xf32>, vector<1x256xf32>, vector<1x256xf32> -> vector<1x2048xf32>
    %mul3A_254 = vector.broadcast %concatenate3A_253 : vector<1x2048xf32> to vector<256x2048xf32>
    %mul3A_255 = arith.mulf %add3A_249, %mul3A_254 : vector<256x2048xf32>
    %dot_general3A_256 = arith.constant dense<0.000000e+00> : vector<256x8xf32>
    %dot_general3A_257 = tpu.matmul %mul3A_255, %convert_element_type3A_40, %dot_general3A_256 {dimension_numbers = #tpu.dot_dimension_numbers<[1], [0], [0], [1], [0, 0, 1, 1], [], []>, transpose_lhs_hint = false} : vector<256x2048xf32>, vector<2048x8xf32>, vector<256x8xf32> -> vector<256x8xf32>
    %add3A_258 = vector.broadcast %get3A_127 : f32 to vector<256x8xf32>
    %add3A_259 = arith.addf %dot_general3A_257, %add3A_258 : vector<256x8xf32>
    %transpose3A_260 = tpu.transpose %add3A_259, [1, 0] : vector<256x8xf32> -> vector<8x256xf32>
    %swap3A = arith.constant 0 : index
    %swap3A_261 = arith.constant 0 : index
    %swap3A_262 = arith.constant 0 : index
    %swap3A_263 = vector.load %arg5[%swap3A, %swap3A_261, %swap3A_262] : memref<1x8x256xf32, #tpu.memory_space<vmem>>, vector<1x8x256xf32>
    %swap3A_264 = vector.shape_cast %swap3A_263 : vector<1x8x256xf32> to vector<8x256xf32>
    %swap3A_265 = vector.shape_cast %transpose3A_260 : vector<8x256xf32> to vector<1x8x256xf32>
    tpu.vector_store %arg5[%swap3A, %swap3A_261, %swap3A_262], %swap3A_265 {strides = array<i32>} : memref<1x8x256xf32, #tpu.memory_space<vmem>>, vector<1x8x256xf32>,
    return
  }
  func.func @transform_0(%arg0: i32) -> i32 {
    %c0_i32 = arith.constant 0 : i32
    %c0_i32_0 = arith.constant 0 : i32
    return %c0_i32 : i32
  }
  func.func @transform_1(%arg0: i32) -> (i32, i32, i32) {
    %c0_i32 = arith.constant 0 : i32
    %c0_i32_0 = arith.constant 0 : i32
    %c0_i32_1 = arith.constant 0 : i32
    return %arg0, %c0_i32, %c0_i32_0 : i32, i32, i32
  }
  func.func @transform_2(%arg0: i32) -> (i32, i32, i32) {
    %c0_i32 = arith.constant 0 : i32
    %c0_i32_0 = arith.constant 0 : i32
    %c0_i32_1 = arith.constant 0 : i32
    %c0_i32_2 = arith.constant 0 : i32
    return %c0_i32, %c0_i32_0, %c0_i32_1 : i32, i32, i32
  }
  func.func @transform_3(%arg0: i32) -> (i32, i32) {
    %c0_i32 = arith.constant 0 : i32
    %c0_i32_0 = arith.constant 0 : i32
    %c0_i32_1 = arith.constant 0 : i32
    return %c0_i32, %c0_i32_0 : i32, i32
  }
  func.func @transform_4(%arg0: i32) -> (i32, i32, i32) {
    %c0_i32 = arith.constant 0 : i32
    %c0_i32_0 = arith.constant 0 : i32
    %c0_i32_1 = arith.constant 0 : i32
    return %arg0, %c0_i32, %c0_i32_0 : i32, i32, i32
  }
}

module attributes {stable_mosaic.version = 14 : i64} {
  func.func @_tcb_body(%arg0: i32, %arg1: memref<3xf32, #tpu.memory_space<smem>>, %arg2: memref<8x256x256xf32, #tpu.memory_space<vmem>>, %arg3: memref<8x256xf32, #tpu.memory_space<vmem>>, %arg4: memref<8x256xf32, #tpu.memory_space<vmem>>, %arg5: memref<8x256xf32, #tpu.memory_space<vmem>>, %arg6: memref<6x768x256xbf16, #tpu.memory_space<vmem>>, %arg7: memref<29x256xf32, #tpu.memory_space<vmem>>, %arg8: memref<8x256x256xf32, #tpu.memory_space<vmem>>, %arg9: memref<1x8x256xf32, #tpu.memory_space<vmem>>, %arg10: memref<1x8x256xf32, #tpu.memory_space<vmem>>) attributes {dimension_semantics = [#tpu.dimension_semantics<parallel>], iteration_bounds = array<i64: 2>, scalar_prefetch = 0 : i64, scratch_operands = 0 : i64, tpu.core_type = #tpu.core_type<tc>, window_params = [{transform_indices = @transform_0, window_bounds = array<i64: 3>}, {transform_indices = @transform_1, window_bounds = array<i64: 8, 256, 256>}, {transform_indices = @transform_2, window_bounds = array<i64: 8, 256>}, {transform_indices = @transform_3, window_bounds = array<i64: 8, 256>}, {transform_indices = @transform_4, window_bounds = array<i64: 8, 256>}, {pipeline_mode = #tpu.pipeline_mode<synchronous>, transform_indices = @transform_5, window_bounds = array<i64: 6, 768, 256>}, {pipeline_mode = #tpu.pipeline_mode<synchronous>, transform_indices = @transform_6, window_bounds = array<i64: 29, 256>}, {transform_indices = @transform_7, window_bounds = array<i64: 8, 256, 256>}, {transform_indices = @transform_8, window_bounds = array<i64: 1, 8, 256>}, {transform_indices = @transform_9, window_bounds = array<i64: 1, 8, 256>}]} {
    %iota3A = tpu.iota {dimensions = array<i32: 1>} : vector<1x2048xi32>
    %and3A = arith.constant 255 : i32
    %and3A_0 = vector.broadcast %and3A : i32 to vector<1x2048xi32>
    %and3A_1 = arith.andi %iota3A, %and3A_0 : vector<1x2048xi32>
    %ne3A = arith.constant 0 : i32
    %ne3A_2 = vector.broadcast %ne3A : i32 to vector<1x2048xi32>
    %ne3A_3 = arith.cmpi ne, %and3A_1, %ne3A_2 : vector<1x2048xi32>
    %convert_element_type3A = arith.extui %ne3A_3 : vector<1x2048xi1> to vector<1x2048xi32>
    %convert_element_type3A_4 = arith.sitofp %convert_element_type3A : vector<1x2048xi32> to vector<1x2048xf32>
    %convert_element_type3A_5 = arith.truncf %convert_element_type3A_4 : vector<1x2048xf32> to vector<1x2048xbf16>
    %ne3A_6 = arith.constant 255 : i32
    %ne3A_7 = vector.broadcast %ne3A_6 : i32 to vector<1x2048xi32>
    %ne3A_8 = arith.cmpi ne, %and3A_1, %ne3A_7 : vector<1x2048xi32>
    %convert_element_type3A_9 = arith.extui %ne3A_8 : vector<1x2048xi1> to vector<1x2048xi32>
    %convert_element_type3A_10 = arith.sitofp %convert_element_type3A_9 : vector<1x2048xi32> to vector<1x2048xf32>
    %convert_element_type3A_11 = arith.truncf %convert_element_type3A_10 : vector<1x2048xf32> to vector<1x2048xbf16>
    %iota3A_12 = tpu.iota {dimensions = array<i32: 0>} : vector<2048x8xi32>
    %iota3A_13 = tpu.iota {dimensions = array<i32: 1>} : vector<2048x8xi32>
    %jit3A = arith.constant 256 : i32
    %div3A = vector.broadcast %jit3A : i32 to vector<2048x8xi32>
    %div3A_14 = arith.divsi %iota3A_12, %div3A : vector<2048x8xi32>
    %sign3A = arith.constant 0 : i32
    %sign3A_15 = vector.broadcast %sign3A : i32 to vector<2048x8xi32>
    %sign3A_16 = arith.cmpi sgt, %iota3A_12, %sign3A_15 : vector<2048x8xi32>
    %sign3A_17 = arith.extui %sign3A_16 : vector<2048x8xi1> to vector<2048x8xi32>
    %sign3A_18 = arith.constant 0 : i32
    %sign3A_19 = vector.broadcast %sign3A_18 : i32 to vector<2048x8xi32>
    %sign3A_20 = arith.cmpi slt, %iota3A_12, %sign3A_19 : vector<2048x8xi32>
    %sign3A_21 = arith.extui %sign3A_20 : vector<2048x8xi1> to vector<2048x8xi32>
    %sign3A_22 = arith.subi %sign3A_17, %sign3A_21 : vector<2048x8xi32>
    %sign3A_23 = arith.constant 0 : i32
    %sign3A_24 = arith.cmpi sgt, %jit3A, %sign3A_23 : i32
    %sign3A_25 = arith.extui %sign3A_24 : i1 to i32
    %sign3A_26 = arith.constant 0 : i32
    %sign3A_27 = arith.cmpi slt, %jit3A, %sign3A_26 : i32
    %sign3A_28 = arith.extui %sign3A_27 : i1 to i32
    %sign3A_29 = arith.subi %sign3A_25, %sign3A_28 : i32
    %ne3A_30 = vector.broadcast %sign3A_29 : i32 to vector<2048x8xi32>
    %ne3A_31 = arith.cmpi ne, %sign3A_22, %ne3A_30 : vector<2048x8xi32>
    %rem3A = vector.broadcast %jit3A : i32 to vector<2048x8xi32>
    %rem3A_32 = arith.remsi %iota3A_12, %rem3A : vector<2048x8xi32>
    %ne3A_33 = arith.constant 0 : i32
    %ne3A_34 = vector.broadcast %ne3A_33 : i32 to vector<2048x8xi32>
    %ne3A_35 = arith.cmpi ne, %rem3A_32, %ne3A_34 : vector<2048x8xi32>
    %and3A_36 = arith.andi %ne3A_31, %ne3A_35 : vector<2048x8xi1>
    %sub3A = arith.constant 1 : i32
    %sub3A_37 = vector.broadcast %sub3A : i32 to vector<2048x8xi32>
    %sub3A_38 = arith.subi %div3A_14, %sub3A_37 : vector<2048x8xi32>
    %select_n3A = arith.select %and3A_36, %sub3A_38, %div3A_14 : vector<2048x8xi1>, vector<2048x8xi32>
    %eq3A = arith.cmpi eq, %select_n3A, %iota3A_13 : vector<2048x8xi32>
    %convert_element_type3A_39 = arith.extui %eq3A : vector<2048x8xi1> to vector<2048x8xi32>
    %convert_element_type3A_40 = arith.sitofp %convert_element_type3A_39 : vector<2048x8xi32> to vector<2048x8xf32>
    %mul3A = arith.constant 3.906250e-03 : f32
    %mul3A_41 = vector.broadcast %mul3A : f32 to vector<2048x8xf32>
    %mul3A_42 = arith.mulf %convert_element_type3A_40, %mul3A_41 : vector<2048x8xf32>
    %iota3A_43 = tpu.iota {dimensions = array<i32: 0>} : vector<8x2048xi32>
    %iota3A_44 = tpu.iota {dimensions = array<i32: 1>} : vector<8x2048xi32>
    %jit3A_45 = arith.constant 256 : i32
    %div3A_46 = vector.broadcast %jit3A_45 : i32 to vector<8x2048xi32>
    %div3A_47 = arith.divsi %iota3A_44, %div3A_46 : vector<8x2048xi32>
    %sign3A_48 = arith.constant 0 : i32
    %sign3A_49 = vector.broadcast %sign3A_48 : i32 to vector<8x2048xi32>
    %sign3A_50 = arith.cmpi sgt, %iota3A_44, %sign3A_49 : vector<8x2048xi32>
    %sign3A_51 = arith.extui %sign3A_50 : vector<8x2048xi1> to vector<8x2048xi32>
    %sign3A_52 = arith.constant 0 : i32
    %sign3A_53 = vector.broadcast %sign3A_52 : i32 to vector<8x2048xi32>
    %sign3A_54 = arith.cmpi slt, %iota3A_44, %sign3A_53 : vector<8x2048xi32>
    %sign3A_55 = arith.extui %sign3A_54 : vector<8x2048xi1> to vector<8x2048xi32>
    %sign3A_56 = arith.subi %sign3A_51, %sign3A_55 : vector<8x2048xi32>
    %sign3A_57 = arith.constant 0 : i32
    %sign3A_58 = arith.cmpi sgt, %jit3A_45, %sign3A_57 : i32
    %sign3A_59 = arith.extui %sign3A_58 : i1 to i32
    %sign3A_60 = arith.constant 0 : i32
    %sign3A_61 = arith.cmpi slt, %jit3A_45, %sign3A_60 : i32
    %sign3A_62 = arith.extui %sign3A_61 : i1 to i32
    %sign3A_63 = arith.subi %sign3A_59, %sign3A_62 : i32
    %ne3A_64 = vector.broadcast %sign3A_63 : i32 to vector<8x2048xi32>
    %ne3A_65 = arith.cmpi ne, %sign3A_56, %ne3A_64 : vector<8x2048xi32>
    %rem3A_66 = vector.broadcast %jit3A_45 : i32 to vector<8x2048xi32>
    %rem3A_67 = arith.remsi %iota3A_44, %rem3A_66 : vector<8x2048xi32>
    %ne3A_68 = arith.constant 0 : i32
    %ne3A_69 = vector.broadcast %ne3A_68 : i32 to vector<8x2048xi32>
    %ne3A_70 = arith.cmpi ne, %rem3A_67, %ne3A_69 : vector<8x2048xi32>
    %and3A_71 = arith.andi %ne3A_65, %ne3A_70 : vector<8x2048xi1>
    %sub3A_72 = arith.constant 1 : i32
    %sub3A_73 = vector.broadcast %sub3A_72 : i32 to vector<8x2048xi32>
    %sub3A_74 = arith.subi %div3A_47, %sub3A_73 : vector<8x2048xi32>
    %select_n3A_75 = arith.select %and3A_71, %sub3A_74, %div3A_47 : vector<8x2048xi1>, vector<8x2048xi32>
    %eq3A_76 = arith.cmpi eq, %select_n3A_75, %iota3A_43 : vector<8x2048xi32>
    %convert_element_type3A_77 = arith.extui %eq3A_76 : vector<8x2048xi1> to vector<8x2048xi32>
    %convert_element_type3A_78 = arith.sitofp %convert_element_type3A_77 : vector<8x2048xi32> to vector<8x2048xf32>
    %get3A = arith.constant 0 : index
    %get3A_79 = arith.constant 0 : index
    %get3A_80 = vector.load %arg3[%get3A, %get3A_79] : memref<8x256xf32, #tpu.memory_space<vmem>>, vector<8x256xf32>
    %transpose3A = tpu.transpose %get3A_80, [1, 0] : vector<8x256xf32> -> vector<256x8xf32>
    %get3A_81 = arith.constant 0 : index
    %get3A_82 = arith.constant 0 : index
    %get3A_83 = arith.constant 0 : index
    %get3A_84 = vector.load %arg2[%get3A_81, %get3A_82, %get3A_83] : memref<8x256x256xf32, #tpu.memory_space<vmem>>, vector<1x256x256xf32>
    %get3A_85 = vector.shape_cast %get3A_84 : vector<1x256x256xf32> to vector<256x256xf32>
    %slice3A = vector.extract_strided_slice %transpose3A {offsets = [0, 0], sizes = [256, 1], strides = [1, 1]} : vector<256x8xf32> to vector<256x1xf32>
    %mul3A_86 = vector.broadcast %slice3A : vector<256x1xf32> to vector<256x256xf32>
    %mul3A_87 = arith.mulf %get3A_85, %mul3A_86 : vector<256x256xf32>
    %get3A_88 = arith.constant 1 : index
    %get3A_89 = arith.constant 0 : index
    %get3A_90 = arith.constant 0 : index
    %get3A_91 = vector.load %arg2[%get3A_88, %get3A_89, %get3A_90] : memref<8x256x256xf32, #tpu.memory_space<vmem>>, vector<1x256x256xf32>
    %get3A_92 = vector.shape_cast %get3A_91 : vector<1x256x256xf32> to vector<256x256xf32>
    %slice3A_93 = vector.extract_strided_slice %transpose3A {offsets = [0, 1], sizes = [256, 1], strides = [1, 1]} : vector<256x8xf32> to vector<256x1xf32>
    %mul3A_94 = vector.broadcast %slice3A_93 : vector<256x1xf32> to vector<256x256xf32>
    %mul3A_95 = arith.mulf %get3A_92, %mul3A_94 : vector<256x256xf32>
    %get3A_96 = arith.constant 2 : index
    %get3A_97 = arith.constant 0 : index
    %get3A_98 = arith.constant 0 : index
    %get3A_99 = vector.load %arg2[%get3A_96, %get3A_97, %get3A_98] : memref<8x256x256xf32, #tpu.memory_space<vmem>>, vector<1x256x256xf32>
    %get3A_100 = vector.shape_cast %get3A_99 : vector<1x256x256xf32> to vector<256x256xf32>
    %slice3A_101 = vector.extract_strided_slice %transpose3A {offsets = [0, 2], sizes = [256, 1], strides = [1, 1]} : vector<256x8xf32> to vector<256x1xf32>
    %mul3A_102 = vector.broadcast %slice3A_101 : vector<256x1xf32> to vector<256x256xf32>
    %mul3A_103 = arith.mulf %get3A_100, %mul3A_102 : vector<256x256xf32>
    %get3A_104 = arith.constant 3 : index
    %get3A_105 = arith.constant 0 : index
    %get3A_106 = arith.constant 0 : index
    %get3A_107 = vector.load %arg2[%get3A_104, %get3A_105, %get3A_106] : memref<8x256x256xf32, #tpu.memory_space<vmem>>, vector<1x256x256xf32>
    %get3A_108 = vector.shape_cast %get3A_107 : vector<1x256x256xf32> to vector<256x256xf32>
    %slice3A_109 = vector.extract_strided_slice %transpose3A {offsets = [0, 3], sizes = [256, 1], strides = [1, 1]} : vector<256x8xf32> to vector<256x1xf32>
    %mul3A_110 = vector.broadcast %slice3A_109 : vector<256x1xf32> to vector<256x256xf32>
    %mul3A_111 = arith.mulf %get3A_108, %mul3A_110 : vector<256x256xf32>
    %get3A_112 = arith.constant 4 : index
    %get3A_113 = arith.constant 0 : index
    %get3A_114 = arith.constant 0 : index
    %get3A_115 = vector.load %arg2[%get3A_112, %get3A_113, %get3A_114] : memref<8x256x256xf32, #tpu.memory_space<vmem>>, vector<1x256x256xf32>
    %get3A_116 = vector.shape_cast %get3A_115 : vector<1x256x256xf32> to vector<256x256xf32>
    %slice3A_117 = vector.extract_strided_slice %transpose3A {offsets = [0, 4], sizes = [256, 1], strides = [1, 1]} : vector<256x8xf32> to vector<256x1xf32>
    %mul3A_118 = vector.broadcast %slice3A_117 : vector<256x1xf32> to vector<256x256xf32>
    %mul3A_119 = arith.mulf %get3A_116, %mul3A_118 : vector<256x256xf32>
    %get3A_120 = arith.constant 5 : index
    %get3A_121 = arith.constant 0 : index
    %get3A_122 = arith.constant 0 : index
    %get3A_123 = vector.load %arg2[%get3A_120, %get3A_121, %get3A_122] : memref<8x256x256xf32, #tpu.memory_space<vmem>>, vector<1x256x256xf32>
    %get3A_124 = vector.shape_cast %get3A_123 : vector<1x256x256xf32> to vector<256x256xf32>
    %slice3A_125 = vector.extract_strided_slice %transpose3A {offsets = [0, 5], sizes = [256, 1], strides = [1, 1]} : vector<256x8xf32> to vector<256x1xf32>
    %mul3A_126 = vector.broadcast %slice3A_125 : vector<256x1xf32> to vector<256x256xf32>
    %mul3A_127 = arith.mulf %get3A_124, %mul3A_126 : vector<256x256xf32>
    %get3A_128 = arith.constant 6 : index
    %get3A_129 = arith.constant 0 : index
    %get3A_130 = arith.constant 0 : index
    %get3A_131 = vector.load %arg2[%get3A_128, %get3A_129, %get3A_130] : memref<8x256x256xf32, #tpu.memory_space<vmem>>, vector<1x256x256xf32>
    %get3A_132 = vector.shape_cast %get3A_131 : vector<1x256x256xf32> to vector<256x256xf32>
    %slice3A_133 = vector.extract_strided_slice %transpose3A {offsets = [0, 6], sizes = [256, 1], strides = [1, 1]} : vector<256x8xf32> to vector<256x1xf32>
    %mul3A_134 = vector.broadcast %slice3A_133 : vector<256x1xf32> to vector<256x256xf32>
    %mul3A_135 = arith.mulf %get3A_132, %mul3A_134 : vector<256x256xf32>
    %get3A_136 = arith.constant 7 : index
    %get3A_137 = arith.constant 0 : index
    %get3A_138 = arith.constant 0 : index
    %get3A_139 = vector.load %arg2[%get3A_136, %get3A_137, %get3A_138] : memref<8x256x256xf32, #tpu.memory_space<vmem>>, vector<1x256x256xf32>
    %get3A_140 = vector.shape_cast %get3A_139 : vector<1x256x256xf32> to vector<256x256xf32>
    %slice3A_141 = vector.extract_strided_slice %transpose3A {offsets = [0, 7], sizes = [256, 1], strides = [1, 1]} : vector<256x8xf32> to vector<256x1xf32>
    %mul3A_142 = vector.broadcast %slice3A_141 : vector<256x1xf32> to vector<256x256xf32>
    %mul3A_143 = arith.mulf %get3A_140, %mul3A_142 : vector<256x256xf32>
    %concatenate3A = tpu.concatenate %mul3A_87, %mul3A_95, %mul3A_103, %mul3A_111, %mul3A_119, %mul3A_127, %mul3A_135, %mul3A_143 in 1 : vector<256x256xf32>, vector<256x256xf32>, vector<256x256xf32>, vector<256x256xf32>, vector<256x256xf32>, vector<256x256xf32>, vector<256x256xf32>, vector<256x256xf32> -> vector<256x2048xf32>
    %convert_element_type3A_144 = arith.truncf %concatenate3A : vector<256x2048xf32> to vector<256x2048xbf16>
    %get3A_145 = arith.constant 1 : index
    %get3A_146 = memref.load %arg1[%get3A_145] : memref<3xf32, #tpu.memory_space<smem>>
    %get3A_147 = arith.constant 7 : index
    %get3A_148 = arith.constant 0 : index
    %get3A_149 = vector.load %arg7[%get3A_147, %get3A_148] : memref<29x256xf32, #tpu.memory_space<vmem>>, vector<1x256xf32>
    %transpose3A_150 = tpu.transpose %get3A_149, [1, 0] : vector<1x256xf32> -> vector<256x1xf32>
    %get3A_151 = arith.constant 2 : index
    %get3A_152 = arith.constant 0 : index
    %get3A_153 = arith.constant 0 : index
    %get3A_154 = vector.load %arg6[%get3A_151, %get3A_152, %get3A_153] : memref<6x768x256xbf16, #tpu.memory_space<vmem>>, vector<1x768x256xbf16>
    %get3A_155 = vector.shape_cast %get3A_154 : vector<1x768x256xbf16> to vector<768x256xbf16>
    %broadcast_in_dim3A = arith.constant 0.000000e+00 : bf16
    %broadcast_in_dim3A_156 = vector.broadcast %broadcast_in_dim3A : bf16 to vector<256x1xbf16>
    %slice3A_157 = vector.extract_strided_slice %convert_element_type3A_144 {offsets = [0, 0], sizes = [256, 2047], strides = [1, 1]} : vector<256x2048xbf16> to vector<256x2047xbf16>
    %concatenate3A_158 = tpu.concatenate %broadcast_in_dim3A_156, %slice3A_157 in 1 : vector<256x1xbf16>, vector<256x2047xbf16> -> vector<256x2048xbf16>
    %mul3A_159 = vector.broadcast %convert_element_type3A_5 : vector<1x2048xbf16> to vector<256x2048xbf16>
    %mul3A_160 = arith.mulf %concatenate3A_158, %mul3A_159 : vector<256x2048xbf16>
    %slice3A_161 = vector.extract_strided_slice %convert_element_type3A_144 {offsets = [0, 1], sizes = [256, 2047], strides = [1, 1]} : vector<256x2048xbf16> to vector<256x2047xbf16>
    %broadcast_in_dim3A_162 = arith.constant 0.000000e+00 : bf16
    %broadcast_in_dim3A_163 = vector.broadcast %broadcast_in_dim3A_162 : bf16 to vector<256x1xbf16>
    %concatenate3A_164 = tpu.concatenate %slice3A_161, %broadcast_in_dim3A_163 in 1 : vector<256x2047xbf16>, vector<256x1xbf16> -> vector<256x2048xbf16>
    %mul3A_165 = vector.broadcast %convert_element_type3A_11 : vector<1x2048xbf16> to vector<256x2048xbf16>
    %mul3A_166 = arith.mulf %concatenate3A_164, %mul3A_165 : vector<256x2048xbf16>
    %slice3A_167 = vector.extract_strided_slice %get3A_155 {offsets = [0, 0], sizes = [256, 256], strides = [1, 1]} : vector<768x256xbf16> to vector<256x256xbf16>
    %dot_general3A = arith.constant dense<0.000000e+00> : vector<256x2048xf32>
    %dot_general3A_168 = tpu.matmul %slice3A_167, %mul3A_160, %dot_general3A {dimension_numbers = #tpu.dot_dimension_numbers<[1], [0], [0], [1], [0, 0, 1, 1], [], []>, transpose_lhs_hint = false} : vector<256x256xbf16>, vector<256x2048xbf16>, vector<256x2048xf32> -> vector<256x2048xf32>
    %slice3A_169 = vector.extract_strided_slice %get3A_155 {offsets = [256, 0], sizes = [256, 256], strides = [1, 1]} : vector<768x256xbf16> to vector<256x256xbf16>
    %dot_general3A_170 = arith.constant dense<0.000000e+00> : vector<256x2048xf32>
    %dot_general3A_171 = tpu.matmul %slice3A_169, %convert_element_type3A_144, %dot_general3A_170 {dimension_numbers = #tpu.dot_dimension_numbers<[1], [0], [0], [1], [0, 0, 1, 1], [], []>, transpose_lhs_hint = false} : vector<256x256xbf16>, vector<256x2048xbf16>, vector<256x2048xf32> -> vector<256x2048xf32>
    %add3A = arith.addf %dot_general3A_168, %dot_general3A_171 : vector<256x2048xf32>
    %slice3A_172 = vector.extract_strided_slice %get3A_155 {offsets = [512, 0], sizes = [256, 256], strides = [1, 1]} : vector<768x256xbf16> to vector<256x256xbf16>
    %dot_general3A_173 = arith.constant dense<0.000000e+00> : vector<256x2048xf32>
    %dot_general3A_174 = tpu.matmul %slice3A_172, %mul3A_166, %dot_general3A_173 {dimension_numbers = #tpu.dot_dimension_numbers<[1], [0], [0], [1], [0, 0, 1, 1], [], []>, transpose_lhs_hint = false} : vector<256x256xbf16>, vector<256x2048xbf16>, vector<256x2048xf32> -> vector<256x2048xf32>
    %add3A_175 = arith.addf %add3A, %dot_general3A_174 : vector<256x2048xf32>
    %add3A_176 = vector.broadcast %transpose3A_150 : vector<256x1xf32> to vector<256x2048xf32>
    %add3A_177 = arith.addf %add3A_175, %add3A_176 : vector<256x2048xf32>
    %max3A = arith.constant 0.000000e+00 : f32
    %max3A_178 = vector.broadcast %max3A : f32 to vector<256x2048xf32>
    %max3A_179 = arith.maximumf %add3A_177, %max3A_178 : vector<256x2048xf32>
    %get3A_180 = arith.constant 8 : index
    %get3A_181 = arith.constant 0 : index
    %get3A_182 = vector.load %arg7[%get3A_180, %get3A_181] : memref<29x256xf32, #tpu.memory_space<vmem>>, vector<1x256xf32>
    %concatenate3A_183 = tpu.concatenate %get3A_182, %get3A_182, %get3A_182, %get3A_182, %get3A_182, %get3A_182, %get3A_182, %get3A_182 in 1 : vector<1x256xf32>, vector<1x256xf32>, vector<1x256xf32>, vector<1x256xf32>, vector<1x256xf32>, vector<1x256xf32>, vector<1x256xf32>, vector<1x256xf32> -> vector<1x2048xf32>
    %get3A_184 = arith.constant 9 : index
    %get3A_185 = arith.constant 0 : index
    %get3A_186 = vector.load %arg7[%get3A_184, %get3A_185] : memref<29x256xf32, #tpu.memory_space<vmem>>, vector<1x256xf32>
    %concatenate3A_187 = tpu.concatenate %get3A_186, %get3A_186, %get3A_186, %get3A_186, %get3A_186, %get3A_186, %get3A_186, %get3A_186 in 1 : vector<1x256xf32>, vector<1x256xf32>, vector<1x256xf32>, vector<1x256xf32>, vector<1x256xf32>, vector<1x256xf32>, vector<1x256xf32>, vector<1x256xf32> -> vector<1x2048xf32>
    %dot_general3A_188 = arith.constant dense<0.000000e+00> : vector<256x8xf32>
    %dot_general3A_189 = tpu.matmul %max3A_179, %mul3A_42, %dot_general3A_188 {dimension_numbers = #tpu.dot_dimension_numbers<[1], [0], [0], [1], [0, 0, 1, 1], [], []>, transpose_lhs_hint = false} : vector<256x2048xf32>, vector<2048x8xf32>, vector<256x8xf32> -> vector<256x8xf32>
    %dot_general3A_190 = arith.constant dense<0.000000e+00> : vector<256x2048xf32>
    %dot_general3A_191 = tpu.matmul %dot_general3A_189, %convert_element_type3A_78, %dot_general3A_190 {dimension_numbers = #tpu.dot_dimension_numbers<[1], [0], [0], [1], [0, 0, 1, 1], [], []>, transpose_lhs_hint = false} : vector<256x8xf32>, vector<8x2048xf32>, vector<256x2048xf32> -> vector<256x2048xf32>
    %sub3A_192 = arith.subf %max3A_179, %dot_general3A_191 : vector<256x2048xf32>
    %mul3A_193 = arith.mulf %sub3A_192, %sub3A_192 : vector<256x2048xf32>
    %dot_general3A_194 = arith.constant dense<0.000000e+00> : vector<256x8xf32>
    %dot_general3A_195 = tpu.matmul %mul3A_193, %mul3A_42, %dot_general3A_194 {dimension_numbers = #tpu.dot_dimension_numbers<[1], [0], [0], [1], [0, 0, 1, 1], [], []>, transpose_lhs_hint = false} : vector<256x2048xf32>, vector<2048x8xf32>, vector<256x8xf32> -> vector<256x8xf32>
    %add3A_196 = arith.constant 9.99999974E-6 : f32
    %add3A_197 = vector.broadcast %add3A_196 : f32 to vector<256x8xf32>
    %add3A_198 = arith.addf %dot_general3A_195, %add3A_197 : vector<256x8xf32>
    %rsqrt3A = math.rsqrt %add3A_198 : vector<256x8xf32>
    %dot_general3A_199 = arith.constant dense<0.000000e+00> : vector<256x2048xf32>
    %dot_general3A_200 = tpu.matmul %rsqrt3A, %convert_element_type3A_78, %dot_general3A_199 {dimension_numbers = #tpu.dot_dimension_numbers<[1], [0], [0], [1], [0, 0, 1, 1], [], []>, transpose_lhs_hint = false} : vector<256x8xf32>, vector<8x2048xf32>, vector<256x2048xf32> -> vector<256x2048xf32>
    %mul3A_201 = arith.mulf %sub3A_192, %dot_general3A_200 : vector<256x2048xf32>
    %mul3A_202 = vector.broadcast %concatenate3A_183 : vector<1x2048xf32> to vector<256x2048xf32>
    %mul3A_203 = arith.mulf %mul3A_201, %mul3A_202 : vector<256x2048xf32>
    %add3A_204 = vector.broadcast %concatenate3A_187 : vector<1x2048xf32> to vector<256x2048xf32>
    %add3A_205 = arith.addf %mul3A_203, %add3A_204 : vector<256x2048xf32>
    %convert_element_type3A_206 = arith.truncf %add3A_205 : vector<256x2048xf32> to vector<256x2048xbf16>
    %get3A_207 = arith.constant 10 : index
    %get3A_208 = arith.constant 0 : index
    %get3A_209 = vector.load %arg7[%get3A_207, %get3A_208] : memref<29x256xf32, #tpu.memory_space<vmem>>, vector<1x256xf32>
    %transpose3A_210 = tpu.transpose %get3A_209, [1, 0] : vector<1x256xf32> -> vector<256x1xf32>
    %get3A_211 = arith.constant 3 : index
    %get3A_212 = arith.constant 0 : index
    %get3A_213 = arith.constant 0 : index
    %get3A_214 = vector.load %arg6[%get3A_211, %get3A_212, %get3A_213] : memref<6x768x256xbf16, #tpu.memory_space<vmem>>, vector<1x768x256xbf16>
    %get3A_215 = vector.shape_cast %get3A_214 : vector<1x768x256xbf16> to vector<768x256xbf16>
    %broadcast_in_dim3A_216 = arith.constant 0.000000e+00 : bf16
    %broadcast_in_dim3A_217 = vector.broadcast %broadcast_in_dim3A_216 : bf16 to vector<256x1xbf16>
    %slice3A_218 = vector.extract_strided_slice %convert_element_type3A_206 {offsets = [0, 0], sizes = [256, 2047], strides = [1, 1]} : vector<256x2048xbf16> to vector<256x2047xbf16>
    %concatenate3A_219 = tpu.concatenate %broadcast_in_dim3A_217, %slice3A_218 in 1 : vector<256x1xbf16>, vector<256x2047xbf16> -> vector<256x2048xbf16>
    %mul3A_220 = vector.broadcast %convert_element_type3A_5 : vector<1x2048xbf16> to vector<256x2048xbf16>
    %mul3A_221 = arith.mulf %concatenate3A_219, %mul3A_220 : vector<256x2048xbf16>
    %slice3A_222 = vector.extract_strided_slice %convert_element_type3A_206 {offsets = [0, 1], sizes = [256, 2047], strides = [1, 1]} : vector<256x2048xbf16> to vector<256x2047xbf16>
    %broadcast_in_dim3A_223 = arith.constant 0.000000e+00 : bf16
    %broadcast_in_dim3A_224 = vector.broadcast %broadcast_in_dim3A_223 : bf16 to vector<256x1xbf16>
    %concatenate3A_225 = tpu.concatenate %slice3A_222, %broadcast_in_dim3A_224 in 1 : vector<256x2047xbf16>, vector<256x1xbf16> -> vector<256x2048xbf16>
    %mul3A_226 = vector.broadcast %convert_element_type3A_11 : vector<1x2048xbf16> to vector<256x2048xbf16>
    %mul3A_227 = arith.mulf %concatenate3A_225, %mul3A_226 : vector<256x2048xbf16>
    %slice3A_228 = vector.extract_strided_slice %get3A_215 {offsets = [0, 0], sizes = [256, 256], strides = [1, 1]} : vector<768x256xbf16> to vector<256x256xbf16>
    %dot_general3A_229 = arith.constant dense<0.000000e+00> : vector<256x2048xf32>
    %dot_general3A_230 = tpu.matmul %slice3A_228, %mul3A_221, %dot_general3A_229 {dimension_numbers = #tpu.dot_dimension_numbers<[1], [0], [0], [1], [0, 0, 1, 1], [], []>, transpose_lhs_hint = false} : vector<256x256xbf16>, vector<256x2048xbf16>, vector<256x2048xf32> -> vector<256x2048xf32>
    %slice3A_231 = vector.extract_strided_slice %get3A_215 {offsets = [256, 0], sizes = [256, 256], strides = [1, 1]} : vector<768x256xbf16> to vector<256x256xbf16>
    %dot_general3A_232 = arith.constant dense<0.000000e+00> : vector<256x2048xf32>
    %dot_general3A_233 = tpu.matmul %slice3A_231, %convert_element_type3A_206, %dot_general3A_232 {dimension_numbers = #tpu.dot_dimension_numbers<[1], [0], [0], [1], [0, 0, 1, 1], [], []>, transpose_lhs_hint = false} : vector<256x256xbf16>, vector<256x2048xbf16>, vector<256x2048xf32> -> vector<256x2048xf32>
    %add3A_234 = arith.addf %dot_general3A_230, %dot_general3A_233 : vector<256x2048xf32>
    %slice3A_235 = vector.extract_strided_slice %get3A_215 {offsets = [512, 0], sizes = [256, 256], strides = [1, 1]} : vector<768x256xbf16> to vector<256x256xbf16>
    %dot_general3A_236 = arith.constant dense<0.000000e+00> : vector<256x2048xf32>
    %dot_general3A_237 = tpu.matmul %slice3A_235, %mul3A_227, %dot_general3A_236 {dimension_numbers = #tpu.dot_dimension_numbers<[1], [0], [0], [1], [0, 0, 1, 1], [], []>, transpose_lhs_hint = false} : vector<256x256xbf16>, vector<256x2048xbf16>, vector<256x2048xf32> -> vector<256x2048xf32>
    %add3A_238 = arith.addf %add3A_234, %dot_general3A_237 : vector<256x2048xf32>
    %add3A_239 = vector.broadcast %transpose3A_210 : vector<256x1xf32> to vector<256x2048xf32>
    %add3A_240 = arith.addf %add3A_238, %add3A_239 : vector<256x2048xf32>
    %max3A_241 = arith.constant 0.000000e+00 : f32
    %max3A_242 = vector.broadcast %max3A_241 : f32 to vector<256x2048xf32>
    %max3A_243 = arith.maximumf %add3A_240, %max3A_242 : vector<256x2048xf32>
    %get3A_244 = arith.constant 11 : index
    %get3A_245 = arith.constant 0 : index
    %get3A_246 = vector.load %arg7[%get3A_244, %get3A_245] : memref<29x256xf32, #tpu.memory_space<vmem>>, vector<1x256xf32>
    %concatenate3A_247 = tpu.concatenate %get3A_246, %get3A_246, %get3A_246, %get3A_246, %get3A_246, %get3A_246, %get3A_246, %get3A_246 in 1 : vector<1x256xf32>, vector<1x256xf32>, vector<1x256xf32>, vector<1x256xf32>, vector<1x256xf32>, vector<1x256xf32>, vector<1x256xf32>, vector<1x256xf32> -> vector<1x2048xf32>
    %get3A_248 = arith.constant 12 : index
    %get3A_249 = arith.constant 0 : index
    %get3A_250 = vector.load %arg7[%get3A_248, %get3A_249] : memref<29x256xf32, #tpu.memory_space<vmem>>, vector<1x256xf32>
    %concatenate3A_251 = tpu.concatenate %get3A_250, %get3A_250, %get3A_250, %get3A_250, %get3A_250, %get3A_250, %get3A_250, %get3A_250 in 1 : vector<1x256xf32>, vector<1x256xf32>, vector<1x256xf32>, vector<1x256xf32>, vector<1x256xf32>, vector<1x256xf32>, vector<1x256xf32>, vector<1x256xf32> -> vector<1x2048xf32>
    %dot_general3A_252 = arith.constant dense<0.000000e+00> : vector<256x8xf32>
    %dot_general3A_253 = tpu.matmul %max3A_243, %mul3A_42, %dot_general3A_252 {dimension_numbers = #tpu.dot_dimension_numbers<[1], [0], [0], [1], [0, 0, 1, 1], [], []>, transpose_lhs_hint = false} : vector<256x2048xf32>, vector<2048x8xf32>, vector<256x8xf32> -> vector<256x8xf32>
    %dot_general3A_254 = arith.constant dense<0.000000e+00> : vector<256x2048xf32>
    %dot_general3A_255 = tpu.matmul %dot_general3A_253, %convert_element_type3A_78, %dot_general3A_254 {dimension_numbers = #tpu.dot_dimension_numbers<[1], [0], [0], [1], [0, 0, 1, 1], [], []>, transpose_lhs_hint = false} : vector<256x8xf32>, vector<8x2048xf32>, vector<256x2048xf32> -> vector<256x2048xf32>
    %sub3A_256 = arith.subf %max3A_243, %dot_general3A_255 : vector<256x2048xf32>
    %mul3A_257 = arith.mulf %sub3A_256, %sub3A_256 : vector<256x2048xf32>
    %dot_general3A_258 = arith.constant dense<0.000000e+00> : vector<256x8xf32>
    %dot_general3A_259 = tpu.matmul %mul3A_257, %mul3A_42, %dot_general3A_258 {dimension_numbers = #tpu.dot_dimension_numbers<[1], [0], [0], [1], [0, 0, 1, 1], [], []>, transpose_lhs_hint = false} : vector<256x2048xf32>, vector<2048x8xf32>, vector<256x8xf32> -> vector<256x8xf32>
    %add3A_260 = arith.constant 9.99999974E-6 : f32
    %add3A_261 = vector.broadcast %add3A_260 : f32 to vector<256x8xf32>
    %add3A_262 = arith.addf %dot_general3A_259, %add3A_261 : vector<256x8xf32>
    %rsqrt3A_263 = math.rsqrt %add3A_262 : vector<256x8xf32>
    %dot_general3A_264 = arith.constant dense<0.000000e+00> : vector<256x2048xf32>
    %dot_general3A_265 = tpu.matmul %rsqrt3A_263, %convert_element_type3A_78, %dot_general3A_264 {dimension_numbers = #tpu.dot_dimension_numbers<[1], [0], [0], [1], [0, 0, 1, 1], [], []>, transpose_lhs_hint = false} : vector<256x8xf32>, vector<8x2048xf32>, vector<256x2048xf32> -> vector<256x2048xf32>
    %mul3A_266 = arith.mulf %sub3A_256, %dot_general3A_265 : vector<256x2048xf32>
    %mul3A_267 = vector.broadcast %concatenate3A_247 : vector<1x2048xf32> to vector<256x2048xf32>
    %mul3A_268 = arith.mulf %mul3A_266, %mul3A_267 : vector<256x2048xf32>
    %add3A_269 = vector.broadcast %concatenate3A_251 : vector<1x2048xf32> to vector<256x2048xf32>
    %add3A_270 = arith.addf %mul3A_268, %add3A_269 : vector<256x2048xf32>
    %get3A_271 = arith.constant 13 : index
    %get3A_272 = arith.constant 0 : index
    %get3A_273 = vector.load %arg7[%get3A_271, %get3A_272] : memref<29x256xf32, #tpu.memory_space<vmem>>, vector<1x256xf32>
    %concatenate3A_274 = tpu.concatenate %get3A_273, %get3A_273, %get3A_273, %get3A_273, %get3A_273, %get3A_273, %get3A_273, %get3A_273 in 1 : vector<1x256xf32>, vector<1x256xf32>, vector<1x256xf32>, vector<1x256xf32>, vector<1x256xf32>, vector<1x256xf32>, vector<1x256xf32>, vector<1x256xf32> -> vector<1x2048xf32>
    %mul3A_275 = vector.broadcast %concatenate3A_274 : vector<1x2048xf32> to vector<256x2048xf32>
    %mul3A_276 = arith.mulf %add3A_270, %mul3A_275 : vector<256x2048xf32>
    %dot_general3A_277 = arith.constant dense<0.000000e+00> : vector<256x8xf32>
    %dot_general3A_278 = tpu.matmul %mul3A_276, %convert_element_type3A_40, %dot_general3A_277 {dimension_numbers = #tpu.dot_dimension_numbers<[1], [0], [0], [1], [0, 0, 1, 1], [], []>, transpose_lhs_hint = false} : vector<256x2048xf32>, vector<2048x8xf32>, vector<256x8xf32> -> vector<256x8xf32>
    %add3A_279 = vector.broadcast %get3A_146 : f32 to vector<256x8xf32>
    %add3A_280 = arith.addf %dot_general3A_278, %add3A_279 : vector<256x8xf32>
    %transpose3A_281 = tpu.transpose %add3A_280, [1, 0] : vector<256x8xf32> -> vector<8x256xf32>
    %swap3A = arith.constant 0 : index
    %swap3A_282 = arith.constant 0 : index
    %swap3A_283 = arith.constant 0 : index
    %swap3A_284 = vector.load %arg9[%swap3A, %swap3A_282, %swap3A_283] : memref<1x8x256xf32, #tpu.memory_space<vmem>>, vector<1x8x256xf32>
    %swap3A_285 = vector.shape_cast %swap3A_284 : vector<1x8x256xf32> to vector<8x256xf32>
    %swap3A_286 = vector.shape_cast %transpose3A_281 : vector<8x256xf32> to vector<1x8x256xf32>
    tpu.vector_store %arg9[%swap3A, %swap3A_282, %swap3A_283], %swap3A_286 {strides = array<i32>} : memref<1x8x256xf32, #tpu.memory_space<vmem>>, vector<1x8x256xf32>,
    %get3A_287 = arith.constant 2 : index
    %get3A_288 = memref.load %arg1[%get3A_287] : memref<3xf32, #tpu.memory_space<smem>>
    %get3A_289 = arith.constant 14 : index
    %get3A_290 = arith.constant 0 : index
    %get3A_291 = vector.load %arg7[%get3A_289, %get3A_290] : memref<29x256xf32, #tpu.memory_space<vmem>>, vector<1x256xf32>
    %transpose3A_292 = tpu.transpose %get3A_291, [1, 0] : vector<1x256xf32> -> vector<256x1xf32>
    %get3A_293 = arith.constant 4 : index
    %get3A_294 = arith.constant 0 : index
    %get3A_295 = arith.constant 0 : index
    %get3A_296 = vector.load %arg6[%get3A_293, %get3A_294, %get3A_295] : memref<6x768x256xbf16, #tpu.memory_space<vmem>>, vector<1x768x256xbf16>
    %get3A_297 = vector.shape_cast %get3A_296 : vector<1x768x256xbf16> to vector<768x256xbf16>
    %broadcast_in_dim3A_298 = arith.constant 0.000000e+00 : bf16
    %broadcast_in_dim3A_299 = vector.broadcast %broadcast_in_dim3A_298 : bf16 to vector<256x1xbf16>
    %slice3A_300 = vector.extract_strided_slice %convert_element_type3A_144 {offsets = [0, 0], sizes = [256, 2047], strides = [1, 1]} : vector<256x2048xbf16> to vector<256x2047xbf16>
    %concatenate3A_301 = tpu.concatenate %broadcast_in_dim3A_299, %slice3A_300 in 1 : vector<256x1xbf16>, vector<256x2047xbf16> -> vector<256x2048xbf16>
    %mul3A_302 = vector.broadcast %convert_element_type3A_5 : vector<1x2048xbf16> to vector<256x2048xbf16>
    %mul3A_303 = arith.mulf %concatenate3A_301, %mul3A_302 : vector<256x2048xbf16>
    %slice3A_304 = vector.extract_strided_slice %convert_element_type3A_144 {offsets = [0, 1], sizes = [256, 2047], strides = [1, 1]} : vector<256x2048xbf16> to vector<256x2047xbf16>
    %broadcast_in_dim3A_305 = arith.constant 0.000000e+00 : bf16
    %broadcast_in_dim3A_306 = vector.broadcast %broadcast_in_dim3A_305 : bf16 to vector<256x1xbf16>
    %concatenate3A_307 = tpu.concatenate %slice3A_304, %broadcast_in_dim3A_306 in 1 : vector<256x2047xbf16>, vector<256x1xbf16> -> vector<256x2048xbf16>
    %mul3A_308 = vector.broadcast %convert_element_type3A_11 : vector<1x2048xbf16> to vector<256x2048xbf16>
    %mul3A_309 = arith.mulf %concatenate3A_307, %mul3A_308 : vector<256x2048xbf16>
    %slice3A_310 = vector.extract_strided_slice %get3A_297 {offsets = [0, 0], sizes = [256, 256], strides = [1, 1]} : vector<768x256xbf16> to vector<256x256xbf16>
    %dot_general3A_311 = arith.constant dense<0.000000e+00> : vector<256x2048xf32>
    %dot_general3A_312 = tpu.matmul %slice3A_310, %mul3A_303, %dot_general3A_311 {dimension_numbers = #tpu.dot_dimension_numbers<[1], [0], [0], [1], [0, 0, 1, 1], [], []>, transpose_lhs_hint = false} : vector<256x256xbf16>, vector<256x2048xbf16>, vector<256x2048xf32> -> vector<256x2048xf32>
    %slice3A_313 = vector.extract_strided_slice %get3A_297 {offsets = [256, 0], sizes = [256, 256], strides = [1, 1]} : vector<768x256xbf16> to vector<256x256xbf16>
    %dot_general3A_314 = arith.constant dense<0.000000e+00> : vector<256x2048xf32>
    %dot_general3A_315 = tpu.matmul %slice3A_313, %convert_element_type3A_144, %dot_general3A_314 {dimension_numbers = #tpu.dot_dimension_numbers<[1], [0], [0], [1], [0, 0, 1, 1], [], []>, transpose_lhs_hint = false} : vector<256x256xbf16>, vector<256x2048xbf16>, vector<256x2048xf32> -> vector<256x2048xf32>
    %add3A_316 = arith.addf %dot_general3A_312, %dot_general3A_315 : vector<256x2048xf32>
    %slice3A_317 = vector.extract_strided_slice %get3A_297 {offsets = [512, 0], sizes = [256, 256], strides = [1, 1]} : vector<768x256xbf16> to vector<256x256xbf16>
    %dot_general3A_318 = arith.constant dense<0.000000e+00> : vector<256x2048xf32>
    %dot_general3A_319 = tpu.matmul %slice3A_317, %mul3A_309, %dot_general3A_318 {dimension_numbers = #tpu.dot_dimension_numbers<[1], [0], [0], [1], [0, 0, 1, 1], [], []>, transpose_lhs_hint = false} : vector<256x256xbf16>, vector<256x2048xbf16>, vector<256x2048xf32> -> vector<256x2048xf32>
    %add3A_320 = arith.addf %add3A_316, %dot_general3A_319 : vector<256x2048xf32>
    %add3A_321 = vector.broadcast %transpose3A_292 : vector<256x1xf32> to vector<256x2048xf32>
    %add3A_322 = arith.addf %add3A_320, %add3A_321 : vector<256x2048xf32>
    %max3A_323 = arith.constant 0.000000e+00 : f32
    %max3A_324 = vector.broadcast %max3A_323 : f32 to vector<256x2048xf32>
    %max3A_325 = arith.maximumf %add3A_322, %max3A_324 : vector<256x2048xf32>
    %get3A_326 = arith.constant 15 : index
    %get3A_327 = arith.constant 0 : index
    %get3A_328 = vector.load %arg7[%get3A_326, %get3A_327] : memref<29x256xf32, #tpu.memory_space<vmem>>, vector<1x256xf32>
    %concatenate3A_329 = tpu.concatenate %get3A_328, %get3A_328, %get3A_328, %get3A_328, %get3A_328, %get3A_328, %get3A_328, %get3A_328 in 1 : vector<1x256xf32>, vector<1x256xf32>, vector<1x256xf32>, vector<1x256xf32>, vector<1x256xf32>, vector<1x256xf32>, vector<1x256xf32>, vector<1x256xf32> -> vector<1x2048xf32>
    %get3A_330 = arith.constant 16 : index
    %get3A_331 = arith.constant 0 : index
    %get3A_332 = vector.load %arg7[%get3A_330, %get3A_331] : memref<29x256xf32, #tpu.memory_space<vmem>>, vector<1x256xf32>
    %concatenate3A_333 = tpu.concatenate %get3A_332, %get3A_332, %get3A_332, %get3A_332, %get3A_332, %get3A_332, %get3A_332, %get3A_332 in 1 : vector<1x256xf32>, vector<1x256xf32>, vector<1x256xf32>, vector<1x256xf32>, vector<1x256xf32>, vector<1x256xf32>, vector<1x256xf32>, vector<1x256xf32> -> vector<1x2048xf32>
    %dot_general3A_334 = arith.constant dense<0.000000e+00> : vector<256x8xf32>
    %dot_general3A_335 = tpu.matmul %max3A_325, %mul3A_42, %dot_general3A_334 {dimension_numbers = #tpu.dot_dimension_numbers<[1], [0], [0], [1], [0, 0, 1, 1], [], []>, transpose_lhs_hint = false} : vector<256x2048xf32>, vector<2048x8xf32>, vector<256x8xf32> -> vector<256x8xf32>
    %dot_general3A_336 = arith.constant dense<0.000000e+00> : vector<256x2048xf32>
    %dot_general3A_337 = tpu.matmul %dot_general3A_335, %convert_element_type3A_78, %dot_general3A_336 {dimension_numbers = #tpu.dot_dimension_numbers<[1], [0], [0], [1], [0, 0, 1, 1], [], []>, transpose_lhs_hint = false} : vector<256x8xf32>, vector<8x2048xf32>, vector<256x2048xf32> -> vector<256x2048xf32>
    %sub3A_338 = arith.subf %max3A_325, %dot_general3A_337 : vector<256x2048xf32>
    %mul3A_339 = arith.mulf %sub3A_338, %sub3A_338 : vector<256x2048xf32>
    %dot_general3A_340 = arith.constant dense<0.000000e+00> : vector<256x8xf32>
    %dot_general3A_341 = tpu.matmul %mul3A_339, %mul3A_42, %dot_general3A_340 {dimension_numbers = #tpu.dot_dimension_numbers<[1], [0], [0], [1], [0, 0, 1, 1], [], []>, transpose_lhs_hint = false} : vector<256x2048xf32>, vector<2048x8xf32>, vector<256x8xf32> -> vector<256x8xf32>
    %add3A_342 = arith.constant 9.99999974E-6 : f32
    %add3A_343 = vector.broadcast %add3A_342 : f32 to vector<256x8xf32>
    %add3A_344 = arith.addf %dot_general3A_341, %add3A_343 : vector<256x8xf32>
    %rsqrt3A_345 = math.rsqrt %add3A_344 : vector<256x8xf32>
    %dot_general3A_346 = arith.constant dense<0.000000e+00> : vector<256x2048xf32>
    %dot_general3A_347 = tpu.matmul %rsqrt3A_345, %convert_element_type3A_78, %dot_general3A_346 {dimension_numbers = #tpu.dot_dimension_numbers<[1], [0], [0], [1], [0, 0, 1, 1], [], []>, transpose_lhs_hint = false} : vector<256x8xf32>, vector<8x2048xf32>, vector<256x2048xf32> -> vector<256x2048xf32>
    %mul3A_348 = arith.mulf %sub3A_338, %dot_general3A_347 : vector<256x2048xf32>
    %mul3A_349 = vector.broadcast %concatenate3A_329 : vector<1x2048xf32> to vector<256x2048xf32>
    %mul3A_350 = arith.mulf %mul3A_348, %mul3A_349 : vector<256x2048xf32>
    %add3A_351 = vector.broadcast %concatenate3A_333 : vector<1x2048xf32> to vector<256x2048xf32>
    %add3A_352 = arith.addf %mul3A_350, %add3A_351 : vector<256x2048xf32>
    %convert_element_type3A_353 = arith.truncf %add3A_352 : vector<256x2048xf32> to vector<256x2048xbf16>
    %get3A_354 = arith.constant 17 : index
    %get3A_355 = arith.constant 0 : index
    %get3A_356 = vector.load %arg7[%get3A_354, %get3A_355] : memref<29x256xf32, #tpu.memory_space<vmem>>, vector<1x256xf32>
    %transpose3A_357 = tpu.transpose %get3A_356, [1, 0] : vector<1x256xf32> -> vector<256x1xf32>
    %get3A_358 = arith.constant 5 : index
    %get3A_359 = arith.constant 0 : index
    %get3A_360 = arith.constant 0 : index
    %get3A_361 = vector.load %arg6[%get3A_358, %get3A_359, %get3A_360] : memref<6x768x256xbf16, #tpu.memory_space<vmem>>, vector<1x768x256xbf16>
    %get3A_362 = vector.shape_cast %get3A_361 : vector<1x768x256xbf16> to vector<768x256xbf16>
    %broadcast_in_dim3A_363 = arith.constant 0.000000e+00 : bf16
    %broadcast_in_dim3A_364 = vector.broadcast %broadcast_in_dim3A_363 : bf16 to vector<256x1xbf16>
    %slice3A_365 = vector.extract_strided_slice %convert_element_type3A_353 {offsets = [0, 0], sizes = [256, 2047], strides = [1, 1]} : vector<256x2048xbf16> to vector<256x2047xbf16>
    %concatenate3A_366 = tpu.concatenate %broadcast_in_dim3A_364, %slice3A_365 in 1 : vector<256x1xbf16>, vector<256x2047xbf16> -> vector<256x2048xbf16>
    %mul3A_367 = vector.broadcast %convert_element_type3A_5 : vector<1x2048xbf16> to vector<256x2048xbf16>
    %mul3A_368 = arith.mulf %concatenate3A_366, %mul3A_367 : vector<256x2048xbf16>
    %slice3A_369 = vector.extract_strided_slice %convert_element_type3A_353 {offsets = [0, 1], sizes = [256, 2047], strides = [1, 1]} : vector<256x2048xbf16> to vector<256x2047xbf16>
    %broadcast_in_dim3A_370 = arith.constant 0.000000e+00 : bf16
    %broadcast_in_dim3A_371 = vector.broadcast %broadcast_in_dim3A_370 : bf16 to vector<256x1xbf16>
    %concatenate3A_372 = tpu.concatenate %slice3A_369, %broadcast_in_dim3A_371 in 1 : vector<256x2047xbf16>, vector<256x1xbf16> -> vector<256x2048xbf16>
    %mul3A_373 = vector.broadcast %convert_element_type3A_11 : vector<1x2048xbf16> to vector<256x2048xbf16>
    %mul3A_374 = arith.mulf %concatenate3A_372, %mul3A_373 : vector<256x2048xbf16>
    %slice3A_375 = vector.extract_strided_slice %get3A_362 {offsets = [0, 0], sizes = [256, 256], strides = [1, 1]} : vector<768x256xbf16> to vector<256x256xbf16>
    %dot_general3A_376 = arith.constant dense<0.000000e+00> : vector<256x2048xf32>
    %dot_general3A_377 = tpu.matmul %slice3A_375, %mul3A_368, %dot_general3A_376 {dimension_numbers = #tpu.dot_dimension_numbers<[1], [0], [0], [1], [0, 0, 1, 1], [], []>, transpose_lhs_hint = false} : vector<256x256xbf16>, vector<256x2048xbf16>, vector<256x2048xf32> -> vector<256x2048xf32>
    %slice3A_378 = vector.extract_strided_slice %get3A_362 {offsets = [256, 0], sizes = [256, 256], strides = [1, 1]} : vector<768x256xbf16> to vector<256x256xbf16>
    %dot_general3A_379 = arith.constant dense<0.000000e+00> : vector<256x2048xf32>
    %dot_general3A_380 = tpu.matmul %slice3A_378, %convert_element_type3A_353, %dot_general3A_379 {dimension_numbers = #tpu.dot_dimension_numbers<[1], [0], [0], [1], [0, 0, 1, 1], [], []>, transpose_lhs_hint = false} : vector<256x256xbf16>, vector<256x2048xbf16>, vector<256x2048xf32> -> vector<256x2048xf32>
    %add3A_381 = arith.addf %dot_general3A_377, %dot_general3A_380 : vector<256x2048xf32>
    %slice3A_382 = vector.extract_strided_slice %get3A_362 {offsets = [512, 0], sizes = [256, 256], strides = [1, 1]} : vector<768x256xbf16> to vector<256x256xbf16>
    %dot_general3A_383 = arith.constant dense<0.000000e+00> : vector<256x2048xf32>
    %dot_general3A_384 = tpu.matmul %slice3A_382, %mul3A_374, %dot_general3A_383 {dimension_numbers = #tpu.dot_dimension_numbers<[1], [0], [0], [1], [0, 0, 1, 1], [], []>, transpose_lhs_hint = false} : vector<256x256xbf16>, vector<256x2048xbf16>, vector<256x2048xf32> -> vector<256x2048xf32>
    %add3A_385 = arith.addf %add3A_381, %dot_general3A_384 : vector<256x2048xf32>
    %add3A_386 = vector.broadcast %transpose3A_357 : vector<256x1xf32> to vector<256x2048xf32>
    %add3A_387 = arith.addf %add3A_385, %add3A_386 : vector<256x2048xf32>
    %max3A_388 = arith.constant 0.000000e+00 : f32
    %max3A_389 = vector.broadcast %max3A_388 : f32 to vector<256x2048xf32>
    %max3A_390 = arith.maximumf %add3A_387, %max3A_389 : vector<256x2048xf32>
    %get3A_391 = arith.constant 18 : index
    %get3A_392 = arith.constant 0 : index
    %get3A_393 = vector.load %arg7[%get3A_391, %get3A_392] : memref<29x256xf32, #tpu.memory_space<vmem>>, vector<1x256xf32>
    %concatenate3A_394 = tpu.concatenate %get3A_393, %get3A_393, %get3A_393, %get3A_393, %get3A_393, %get3A_393, %get3A_393, %get3A_393 in 1 : vector<1x256xf32>, vector<1x256xf32>, vector<1x256xf32>, vector<1x256xf32>, vector<1x256xf32>, vector<1x256xf32>, vector<1x256xf32>, vector<1x256xf32> -> vector<1x2048xf32>
    %get3A_395 = arith.constant 19 : index
    %get3A_396 = arith.constant 0 : index
    %get3A_397 = vector.load %arg7[%get3A_395, %get3A_396] : memref<29x256xf32, #tpu.memory_space<vmem>>, vector<1x256xf32>
    %concatenate3A_398 = tpu.concatenate %get3A_397, %get3A_397, %get3A_397, %get3A_397, %get3A_397, %get3A_397, %get3A_397, %get3A_397 in 1 : vector<1x256xf32>, vector<1x256xf32>, vector<1x256xf32>, vector<1x256xf32>, vector<1x256xf32>, vector<1x256xf32>, vector<1x256xf32>, vector<1x256xf32> -> vector<1x2048xf32>
    %dot_general3A_399 = arith.constant dense<0.000000e+00> : vector<256x8xf32>
    %dot_general3A_400 = tpu.matmul %max3A_390, %mul3A_42, %dot_general3A_399 {dimension_numbers = #tpu.dot_dimension_numbers<[1], [0], [0], [1], [0, 0, 1, 1], [], []>, transpose_lhs_hint = false} : vector<256x2048xf32>, vector<2048x8xf32>, vector<256x8xf32> -> vector<256x8xf32>
    %dot_general3A_401 = arith.constant dense<0.000000e+00> : vector<256x2048xf32>
    %dot_general3A_402 = tpu.matmul %dot_general3A_400, %convert_element_type3A_78, %dot_general3A_401 {dimension_numbers = #tpu.dot_dimension_numbers<[1], [0], [0], [1], [0, 0, 1, 1], [], []>, transpose_lhs_hint = false} : vector<256x8xf32>, vector<8x2048xf32>, vector<256x2048xf32> -> vector<256x2048xf32>
    %sub3A_403 = arith.subf %max3A_390, %dot_general3A_402 : vector<256x2048xf32>
    %mul3A_404 = arith.mulf %sub3A_403, %sub3A_403 : vector<256x2048xf32>
    %dot_general3A_405 = arith.constant dense<0.000000e+00> : vector<256x8xf32>
    %dot_general3A_406 = tpu.matmul %mul3A_404, %mul3A_42, %dot_general3A_405 {dimension_numbers = #tpu.dot_dimension_numbers<[1], [0], [0], [1], [0, 0, 1, 1], [], []>, transpose_lhs_hint = false} : vector<256x2048xf32>, vector<2048x8xf32>, vector<256x8xf32> -> vector<256x8xf32>
    %add3A_407 = arith.constant 9.99999974E-6 : f32
    %add3A_408 = vector.broadcast %add3A_407 : f32 to vector<256x8xf32>
    %add3A_409 = arith.addf %dot_general3A_406, %add3A_408 : vector<256x8xf32>
    %rsqrt3A_410 = math.rsqrt %add3A_409 : vector<256x8xf32>
    %dot_general3A_411 = arith.constant dense<0.000000e+00> : vector<256x2048xf32>
    %dot_general3A_412 = tpu.matmul %rsqrt3A_410, %convert_element_type3A_78, %dot_general3A_411 {dimension_numbers = #tpu.dot_dimension_numbers<[1], [0], [0], [1], [0, 0, 1, 1], [], []>, transpose_lhs_hint = false} : vector<256x8xf32>, vector<8x2048xf32>, vector<256x2048xf32> -> vector<256x2048xf32>
    %mul3A_413 = arith.mulf %sub3A_403, %dot_general3A_412 : vector<256x2048xf32>
    %mul3A_414 = vector.broadcast %concatenate3A_394 : vector<1x2048xf32> to vector<256x2048xf32>
    %mul3A_415 = arith.mulf %mul3A_413, %mul3A_414 : vector<256x2048xf32>
    %add3A_416 = vector.broadcast %concatenate3A_398 : vector<1x2048xf32> to vector<256x2048xf32>
    %add3A_417 = arith.addf %mul3A_415, %add3A_416 : vector<256x2048xf32>
    %get3A_418 = arith.constant 20 : index
    %get3A_419 = arith.constant 0 : index
    %get3A_420 = vector.load %arg7[%get3A_418, %get3A_419] : memref<29x256xf32, #tpu.memory_space<vmem>>, vector<1x256xf32>
    %concatenate3A_421 = tpu.concatenate %get3A_420, %get3A_420, %get3A_420, %get3A_420, %get3A_420, %get3A_420, %get3A_420, %get3A_420 in 1 : vector<1x256xf32>, vector<1x256xf32>, vector<1x256xf32>, vector<1x256xf32>, vector<1x256xf32>, vector<1x256xf32>, vector<1x256xf32>, vector<1x256xf32> -> vector<1x2048xf32>
    %mul3A_422 = vector.broadcast %concatenate3A_421 : vector<1x2048xf32> to vector<256x2048xf32>
    %mul3A_423 = arith.mulf %add3A_417, %mul3A_422 : vector<256x2048xf32>
    %dot_general3A_424 = arith.constant dense<0.000000e+00> : vector<256x8xf32>
    %dot_general3A_425 = tpu.matmul %mul3A_423, %convert_element_type3A_40, %dot_general3A_424 {dimension_numbers = #tpu.dot_dimension_numbers<[1], [0], [0], [1], [0, 0, 1, 1], [], []>, transpose_lhs_hint = false} : vector<256x2048xf32>, vector<2048x8xf32>, vector<256x8xf32> -> vector<256x8xf32>
    %add3A_426 = vector.broadcast %get3A_288 : f32 to vector<256x8xf32>
    %add3A_427 = arith.addf %dot_general3A_425, %add3A_426 : vector<256x8xf32>
    %transpose3A_428 = tpu.transpose %add3A_427, [1, 0] : vector<256x8xf32> -> vector<8x256xf32>
    %swap3A_429 = arith.constant 0 : index
    %swap3A_430 = arith.constant 0 : index
    %swap3A_431 = arith.constant 0 : index
    %swap3A_432 = vector.load %arg10[%swap3A_429, %swap3A_430, %swap3A_431] : memref<1x8x256xf32, #tpu.memory_space<vmem>>, vector<1x8x256xf32>
    %swap3A_433 = vector.shape_cast %swap3A_432 : vector<1x8x256xf32> to vector<8x256xf32>
    %swap3A_434 = vector.shape_cast %transpose3A_428 : vector<8x256xf32> to vector<1x8x256xf32>
    tpu.vector_store %arg10[%swap3A_429, %swap3A_430, %swap3A_431], %swap3A_434 {strides = array<i32>} : memref<1x8x256xf32, #tpu.memory_space<vmem>>, vector<1x8x256xf32>,
    %get3A_435 = arith.constant 0 : index
    %get3A_436 = arith.constant 0 : index
    %get3A_437 = vector.load %arg4[%get3A_435, %get3A_436] : memref<8x256xf32, #tpu.memory_space<vmem>>, vector<8x256xf32>
    %transpose3A_438 = tpu.transpose %get3A_437, [1, 0] : vector<8x256xf32> -> vector<256x8xf32>
    %get3A_439 = arith.constant 0 : index
    %get3A_440 = arith.constant 0 : index
    %get3A_441 = vector.load %arg5[%get3A_439, %get3A_440] : memref<8x256xf32, #tpu.memory_space<vmem>>, vector<8x256xf32>
    %transpose3A_442 = tpu.transpose %get3A_441, [1, 0] : vector<8x256xf32> -> vector<256x8xf32>
    %slice3A_443 = vector.extract_strided_slice %transpose3A_438 {offsets = [0, 0], sizes = [256, 1], strides = [1, 1]} : vector<256x8xf32> to vector<256x1xf32>
    %slice3A_444 = vector.extract_strided_slice %transpose3A_442 {offsets = [0, 0], sizes = [256, 1], strides = [1, 1]} : vector<256x8xf32> to vector<256x1xf32>
    %broadcast_in_dim3A_445 = arith.constant 0.000000e+00 : f32
    %broadcast_in_dim3A_446 = vector.broadcast %broadcast_in_dim3A_445 : f32 to vector<1x1xf32>
    %slice3A_447 = vector.extract_strided_slice %slice3A_443 {offsets = [0, 0], sizes = [255, 1], strides = [1, 1]} : vector<256x1xf32> to vector<255x1xf32>
    %concatenate3A_448 = tpu.concatenate %broadcast_in_dim3A_446, %slice3A_447 in 0 : vector<1x1xf32>, vector<255x1xf32> -> vector<256x1xf32>
    %slice3A_449 = vector.extract_strided_slice %slice3A_443 {offsets = [1, 0], sizes = [255, 1], strides = [1, 1]} : vector<256x1xf32> to vector<255x1xf32>
    %broadcast_in_dim3A_450 = arith.constant 0.000000e+00 : f32
    %broadcast_in_dim3A_451 = vector.broadcast %broadcast_in_dim3A_450 : f32 to vector<1x1xf32>
    %concatenate3A_452 = tpu.concatenate %slice3A_449, %broadcast_in_dim3A_451 in 0 : vector<255x1xf32>, vector<1x1xf32> -> vector<256x1xf32>
    %broadcast_in_dim3A_453 = arith.constant 0.000000e+00 : f32
    %broadcast_in_dim3A_454 = vector.broadcast %broadcast_in_dim3A_453 : f32 to vector<1x1xf32>
    %slice3A_455 = vector.extract_strided_slice %slice3A_444 {offsets = [0, 0], sizes = [255, 1], strides = [1, 1]} : vector<256x1xf32> to vector<255x1xf32>
    %concatenate3A_456 = tpu.concatenate %broadcast_in_dim3A_454, %slice3A_455 in 0 : vector<1x1xf32>, vector<255x1xf32> -> vector<256x1xf32>
    %slice3A_457 = vector.extract_strided_slice %slice3A_444 {offsets = [1, 0], sizes = [255, 1], strides = [1, 1]} : vector<256x1xf32> to vector<255x1xf32>
    %broadcast_in_dim3A_458 = arith.constant 0.000000e+00 : f32
    %broadcast_in_dim3A_459 = vector.broadcast %broadcast_in_dim3A_458 : f32 to vector<1x1xf32>
    %concatenate3A_460 = tpu.concatenate %slice3A_457, %broadcast_in_dim3A_459 in 0 : vector<255x1xf32>, vector<1x1xf32> -> vector<256x1xf32>
    %get3A_461 = arith.constant 21 : index
    %get3A_462 = arith.constant 0 : index
    %get3A_463 = vector.load %arg7[%get3A_461, %get3A_462] : memref<29x256xf32, #tpu.memory_space<vmem>>, vector<1x256xf32>
    %mul3A_464 = vector.broadcast %concatenate3A_448 : vector<256x1xf32> to vector<256x256xf32>
    %mul3A_465 = vector.broadcast %get3A_463 : vector<1x256xf32> to vector<256x256xf32>
    %mul3A_466 = arith.mulf %mul3A_464, %mul3A_465 : vector<256x256xf32>
    %get3A_467 = arith.constant 22 : index
    %get3A_468 = arith.constant 0 : index
    %get3A_469 = vector.load %arg7[%get3A_467, %get3A_468] : memref<29x256xf32, #tpu.memory_space<vmem>>, vector<1x256xf32>
    %mul3A_470 = vector.broadcast %slice3A_443 : vector<256x1xf32> to vector<256x256xf32>
    %mul3A_471 = vector.broadcast %get3A_469 : vector<1x256xf32> to vector<256x256xf32>
    %mul3A_472 = arith.mulf %mul3A_470, %mul3A_471 : vector<256x256xf32>
    %add3A_473 = arith.addf %mul3A_466, %mul3A_472 : vector<256x256xf32>
    %get3A_474 = arith.constant 23 : index
    %get3A_475 = arith.constant 0 : index
    %get3A_476 = vector.load %arg7[%get3A_474, %get3A_475] : memref<29x256xf32, #tpu.memory_space<vmem>>, vector<1x256xf32>
    %mul3A_477 = vector.broadcast %concatenate3A_452 : vector<256x1xf32> to vector<256x256xf32>
    %mul3A_478 = vector.broadcast %get3A_476 : vector<1x256xf32> to vector<256x256xf32>
    %mul3A_479 = arith.mulf %mul3A_477, %mul3A_478 : vector<256x256xf32>
    %add3A_480 = arith.addf %add3A_473, %mul3A_479 : vector<256x256xf32>
    %get3A_481 = arith.constant 27 : index
    %get3A_482 = arith.constant 0 : index
    %get3A_483 = vector.load %arg7[%get3A_481, %get3A_482] : memref<29x256xf32, #tpu.memory_space<vmem>>, vector<1x256xf32>
    %add3A_484 = vector.broadcast %get3A_483 : vector<1x256xf32> to vector<256x256xf32>
    %add3A_485 = arith.addf %add3A_480, %add3A_484 : vector<256x256xf32>
    %get3A_486 = arith.constant 24 : index
    %get3A_487 = arith.constant 0 : index
    %get3A_488 = vector.load %arg7[%get3A_486, %get3A_487] : memref<29x256xf32, #tpu.memory_space<vmem>>, vector<1x256xf32>
    %mul3A_489 = vector.broadcast %concatenate3A_456 : vector<256x1xf32> to vector<256x256xf32>
    %mul3A_490 = vector.broadcast %get3A_488 : vector<1x256xf32> to vector<256x256xf32>
    %mul3A_491 = arith.mulf %mul3A_489, %mul3A_490 : vector<256x256xf32>
    %add3A_492 = arith.addf %add3A_485, %mul3A_491 : vector<256x256xf32>
    %get3A_493 = arith.constant 25 : index
    %get3A_494 = arith.constant 0 : index
    %get3A_495 = vector.load %arg7[%get3A_493, %get3A_494] : memref<29x256xf32, #tpu.memory_space<vmem>>, vector<1x256xf32>
    %mul3A_496 = vector.broadcast %slice3A_444 : vector<256x1xf32> to vector<256x256xf32>
    %mul3A_497 = vector.broadcast %get3A_495 : vector<1x256xf32> to vector<256x256xf32>
    %mul3A_498 = arith.mulf %mul3A_496, %mul3A_497 : vector<256x256xf32>
    %add3A_499 = arith.addf %add3A_492, %mul3A_498 : vector<256x256xf32>
    %get3A_500 = arith.constant 26 : index
    %get3A_501 = arith.constant 0 : index
    %get3A_502 = vector.load %arg7[%get3A_500, %get3A_501] : memref<29x256xf32, #tpu.memory_space<vmem>>, vector<1x256xf32>
    %mul3A_503 = vector.broadcast %concatenate3A_460 : vector<256x1xf32> to vector<256x256xf32>
    %mul3A_504 = vector.broadcast %get3A_502 : vector<1x256xf32> to vector<256x256xf32>
    %mul3A_505 = arith.mulf %mul3A_503, %mul3A_504 : vector<256x256xf32>
    %add3A_506 = arith.addf %add3A_499, %mul3A_505 : vector<256x256xf32>
    %get3A_507 = arith.constant 28 : index
    %get3A_508 = arith.constant 0 : index
    %get3A_509 = vector.load %arg7[%get3A_507, %get3A_508] : memref<29x256xf32, #tpu.memory_space<vmem>>, vector<1x256xf32>
    %add3A_510 = vector.broadcast %get3A_509 : vector<1x256xf32> to vector<256x256xf32>
    %add3A_511 = arith.addf %add3A_506, %add3A_510 : vector<256x256xf32>
    %add3A_512 = arith.addf %mul3A_87, %add3A_511 : vector<256x256xf32>
    %swap3A_513 = arith.constant 0 : index
    %swap3A_514 = arith.constant 0 : index
    %swap3A_515 = arith.constant 0 : index
    %swap3A_516 = vector.load %arg8[%swap3A_513, %swap3A_514, %swap3A_515] : memref<8x256x256xf32, #tpu.memory_space<vmem>>, vector<1x256x256xf32>
    %swap3A_517 = vector.shape_cast %swap3A_516 : vector<1x256x256xf32> to vector<256x256xf32>
    %swap3A_518 = vector.shape_cast %add3A_512 : vector<256x256xf32> to vector<1x256x256xf32>
    tpu.vector_store %arg8[%swap3A_513, %swap3A_514, %swap3A_515], %swap3A_518 {strides = array<i32>} : memref<8x256x256xf32, #tpu.memory_space<vmem>>, vector<1x256x256xf32>,
    %slice3A_519 = vector.extract_strided_slice %transpose3A_438 {offsets = [0, 1], sizes = [256, 1], strides = [1, 1]} : vector<256x8xf32> to vector<256x1xf32>
    %slice3A_520 = vector.extract_strided_slice %transpose3A_442 {offsets = [0, 1], sizes = [256, 1], strides = [1, 1]} : vector<256x8xf32> to vector<256x1xf32>
    %broadcast_in_dim3A_521 = arith.constant 0.000000e+00 : f32
    %broadcast_in_dim3A_522 = vector.broadcast %broadcast_in_dim3A_521 : f32 to vector<1x1xf32>
    %slice3A_523 = vector.extract_strided_slice %slice3A_519 {offsets = [0, 0], sizes = [255, 1], strides = [1, 1]} : vector<256x1xf32> to vector<255x1xf32>
    %concatenate3A_524 = tpu.concatenate %broadcast_in_dim3A_522, %slice3A_523 in 0 : vector<1x1xf32>, vector<255x1xf32> -> vector<256x1xf32>
    %slice3A_525 = vector.extract_strided_slice %slice3A_519 {offsets = [1, 0], sizes = [255, 1], strides = [1, 1]} : vector<256x1xf32> to vector<255x1xf32>
    %broadcast_in_dim3A_526 = arith.constant 0.000000e+00 : f32
    %broadcast_in_dim3A_527 = vector.broadcast %broadcast_in_dim3A_526 : f32 to vector<1x1xf32>
    %concatenate3A_528 = tpu.concatenate %slice3A_525, %broadcast_in_dim3A_527 in 0 : vector<255x1xf32>, vector<1x1xf32> -> vector<256x1xf32>
    %broadcast_in_dim3A_529 = arith.constant 0.000000e+00 : f32
    %broadcast_in_dim3A_530 = vector.broadcast %broadcast_in_dim3A_529 : f32 to vector<1x1xf32>
    %slice3A_531 = vector.extract_strided_slice %slice3A_520 {offsets = [0, 0], sizes = [255, 1], strides = [1, 1]} : vector<256x1xf32> to vector<255x1xf32>
    %concatenate3A_532 = tpu.concatenate %broadcast_in_dim3A_530, %slice3A_531 in 0 : vector<1x1xf32>, vector<255x1xf32> -> vector<256x1xf32>
    %slice3A_533 = vector.extract_strided_slice %slice3A_520 {offsets = [1, 0], sizes = [255, 1], strides = [1, 1]} : vector<256x1xf32> to vector<255x1xf32>
    %broadcast_in_dim3A_534 = arith.constant 0.000000e+00 : f32
    %broadcast_in_dim3A_535 = vector.broadcast %broadcast_in_dim3A_534 : f32 to vector<1x1xf32>
    %concatenate3A_536 = tpu.concatenate %slice3A_533, %broadcast_in_dim3A_535 in 0 : vector<255x1xf32>, vector<1x1xf32> -> vector<256x1xf32>
    %get3A_537 = arith.constant 21 : index
    %get3A_538 = arith.constant 0 : index
    %get3A_539 = vector.load %arg7[%get3A_537, %get3A_538] : memref<29x256xf32, #tpu.memory_space<vmem>>, vector<1x256xf32>
    %mul3A_540 = vector.broadcast %concatenate3A_524 : vector<256x1xf32> to vector<256x256xf32>
    %mul3A_541 = vector.broadcast %get3A_539 : vector<1x256xf32> to vector<256x256xf32>
    %mul3A_542 = arith.mulf %mul3A_540, %mul3A_541 : vector<256x256xf32>
    %get3A_543 = arith.constant 22 : index
    %get3A_544 = arith.constant 0 : index
    %get3A_545 = vector.load %arg7[%get3A_543, %get3A_544] : memref<29x256xf32, #tpu.memory_space<vmem>>, vector<1x256xf32>
    %mul3A_546 = vector.broadcast %slice3A_519 : vector<256x1xf32> to vector<256x256xf32>
    %mul3A_547 = vector.broadcast %get3A_545 : vector<1x256xf32> to vector<256x256xf32>
    %mul3A_548 = arith.mulf %mul3A_546, %mul3A_547 : vector<256x256xf32>
    %add3A_549 = arith.addf %mul3A_542, %mul3A_548 : vector<256x256xf32>
    %get3A_550 = arith.constant 23 : index
    %get3A_551 = arith.constant 0 : index
    %get3A_552 = vector.load %arg7[%get3A_550, %get3A_551] : memref<29x256xf32, #tpu.memory_space<vmem>>, vector<1x256xf32>
    %mul3A_553 = vector.broadcast %concatenate3A_528 : vector<256x1xf32> to vector<256x256xf32>
    %mul3A_554 = vector.broadcast %get3A_552 : vector<1x256xf32> to vector<256x256xf32>
    %mul3A_555 = arith.mulf %mul3A_553, %mul3A_554 : vector<256x256xf32>
    %add3A_556 = arith.addf %add3A_549, %mul3A_555 : vector<256x256xf32>
    %get3A_557 = arith.constant 27 : index
    %get3A_558 = arith.constant 0 : index
    %get3A_559 = vector.load %arg7[%get3A_557, %get3A_558] : memref<29x256xf32, #tpu.memory_space<vmem>>, vector<1x256xf32>
    %add3A_560 = vector.broadcast %get3A_559 : vector<1x256xf32> to vector<256x256xf32>
    %add3A_561 = arith.addf %add3A_556, %add3A_560 : vector<256x256xf32>
    %get3A_562 = arith.constant 24 : index
    %get3A_563 = arith.constant 0 : index
    %get3A_564 = vector.load %arg7[%get3A_562, %get3A_563] : memref<29x256xf32, #tpu.memory_space<vmem>>, vector<1x256xf32>
    %mul3A_565 = vector.broadcast %concatenate3A_532 : vector<256x1xf32> to vector<256x256xf32>
    %mul3A_566 = vector.broadcast %get3A_564 : vector<1x256xf32> to vector<256x256xf32>
    %mul3A_567 = arith.mulf %mul3A_565, %mul3A_566 : vector<256x256xf32>
    %add3A_568 = arith.addf %add3A_561, %mul3A_567 : vector<256x256xf32>
    %get3A_569 = arith.constant 25 : index
    %get3A_570 = arith.constant 0 : index
    %get3A_571 = vector.load %arg7[%get3A_569, %get3A_570] : memref<29x256xf32, #tpu.memory_space<vmem>>, vector<1x256xf32>
    %mul3A_572 = vector.broadcast %slice3A_520 : vector<256x1xf32> to vector<256x256xf32>
    %mul3A_573 = vector.broadcast %get3A_571 : vector<1x256xf32> to vector<256x256xf32>
    %mul3A_574 = arith.mulf %mul3A_572, %mul3A_573 : vector<256x256xf32>
    %add3A_575 = arith.addf %add3A_568, %mul3A_574 : vector<256x256xf32>
    %get3A_576 = arith.constant 26 : index
    %get3A_577 = arith.constant 0 : index
    %get3A_578 = vector.load %arg7[%get3A_576, %get3A_577] : memref<29x256xf32, #tpu.memory_space<vmem>>, vector<1x256xf32>
    %mul3A_579 = vector.broadcast %concatenate3A_536 : vector<256x1xf32> to vector<256x256xf32>
    %mul3A_580 = vector.broadcast %get3A_578 : vector<1x256xf32> to vector<256x256xf32>
    %mul3A_581 = arith.mulf %mul3A_579, %mul3A_580 : vector<256x256xf32>
    %add3A_582 = arith.addf %add3A_575, %mul3A_581 : vector<256x256xf32>
    %get3A_583 = arith.constant 28 : index
    %get3A_584 = arith.constant 0 : index
    %get3A_585 = vector.load %arg7[%get3A_583, %get3A_584] : memref<29x256xf32, #tpu.memory_space<vmem>>, vector<1x256xf32>
    %add3A_586 = vector.broadcast %get3A_585 : vector<1x256xf32> to vector<256x256xf32>
    %add3A_587 = arith.addf %add3A_582, %add3A_586 : vector<256x256xf32>
    %add3A_588 = arith.addf %mul3A_95, %add3A_587 : vector<256x256xf32>
    %swap3A_589 = arith.constant 1 : index
    %swap3A_590 = arith.constant 0 : index
    %swap3A_591 = arith.constant 0 : index
    %swap3A_592 = vector.load %arg8[%swap3A_589, %swap3A_590, %swap3A_591] : memref<8x256x256xf32, #tpu.memory_space<vmem>>, vector<1x256x256xf32>
    %swap3A_593 = vector.shape_cast %swap3A_592 : vector<1x256x256xf32> to vector<256x256xf32>
    %swap3A_594 = vector.shape_cast %add3A_588 : vector<256x256xf32> to vector<1x256x256xf32>
    tpu.vector_store %arg8[%swap3A_589, %swap3A_590, %swap3A_591], %swap3A_594 {strides = array<i32>} : memref<8x256x256xf32, #tpu.memory_space<vmem>>, vector<1x256x256xf32>,
    %slice3A_595 = vector.extract_strided_slice %transpose3A_438 {offsets = [0, 2], sizes = [256, 1], strides = [1, 1]} : vector<256x8xf32> to vector<256x1xf32>
    %slice3A_596 = vector.extract_strided_slice %transpose3A_442 {offsets = [0, 2], sizes = [256, 1], strides = [1, 1]} : vector<256x8xf32> to vector<256x1xf32>
    %broadcast_in_dim3A_597 = arith.constant 0.000000e+00 : f32
    %broadcast_in_dim3A_598 = vector.broadcast %broadcast_in_dim3A_597 : f32 to vector<1x1xf32>
    %slice3A_599 = vector.extract_strided_slice %slice3A_595 {offsets = [0, 0], sizes = [255, 1], strides = [1, 1]} : vector<256x1xf32> to vector<255x1xf32>
    %concatenate3A_600 = tpu.concatenate %broadcast_in_dim3A_598, %slice3A_599 in 0 : vector<1x1xf32>, vector<255x1xf32> -> vector<256x1xf32>
    %slice3A_601 = vector.extract_strided_slice %slice3A_595 {offsets = [1, 0], sizes = [255, 1], strides = [1, 1]} : vector<256x1xf32> to vector<255x1xf32>
    %broadcast_in_dim3A_602 = arith.constant 0.000000e+00 : f32
    %broadcast_in_dim3A_603 = vector.broadcast %broadcast_in_dim3A_602 : f32 to vector<1x1xf32>
    %concatenate3A_604 = tpu.concatenate %slice3A_601, %broadcast_in_dim3A_603 in 0 : vector<255x1xf32>, vector<1x1xf32> -> vector<256x1xf32>
    %broadcast_in_dim3A_605 = arith.constant 0.000000e+00 : f32
    %broadcast_in_dim3A_606 = vector.broadcast %broadcast_in_dim3A_605 : f32 to vector<1x1xf32>
    %slice3A_607 = vector.extract_strided_slice %slice3A_596 {offsets = [0, 0], sizes = [255, 1], strides = [1, 1]} : vector<256x1xf32> to vector<255x1xf32>
    %concatenate3A_608 = tpu.concatenate %broadcast_in_dim3A_606, %slice3A_607 in 0 : vector<1x1xf32>, vector<255x1xf32> -> vector<256x1xf32>
    %slice3A_609 = vector.extract_strided_slice %slice3A_596 {offsets = [1, 0], sizes = [255, 1], strides = [1, 1]} : vector<256x1xf32> to vector<255x1xf32>
    %broadcast_in_dim3A_610 = arith.constant 0.000000e+00 : f32
    %broadcast_in_dim3A_611 = vector.broadcast %broadcast_in_dim3A_610 : f32 to vector<1x1xf32>
    %concatenate3A_612 = tpu.concatenate %slice3A_609, %broadcast_in_dim3A_611 in 0 : vector<255x1xf32>, vector<1x1xf32> -> vector<256x1xf32>
    %get3A_613 = arith.constant 21 : index
    %get3A_614 = arith.constant 0 : index
    %get3A_615 = vector.load %arg7[%get3A_613, %get3A_614] : memref<29x256xf32, #tpu.memory_space<vmem>>, vector<1x256xf32>
    %mul3A_616 = vector.broadcast %concatenate3A_600 : vector<256x1xf32> to vector<256x256xf32>
    %mul3A_617 = vector.broadcast %get3A_615 : vector<1x256xf32> to vector<256x256xf32>
    %mul3A_618 = arith.mulf %mul3A_616, %mul3A_617 : vector<256x256xf32>
    %get3A_619 = arith.constant 22 : index
    %get3A_620 = arith.constant 0 : index
    %get3A_621 = vector.load %arg7[%get3A_619, %get3A_620] : memref<29x256xf32, #tpu.memory_space<vmem>>, vector<1x256xf32>
    %mul3A_622 = vector.broadcast %slice3A_595 : vector<256x1xf32> to vector<256x256xf32>
    %mul3A_623 = vector.broadcast %get3A_621 : vector<1x256xf32> to vector<256x256xf32>
    %mul3A_624 = arith.mulf %mul3A_622, %mul3A_623 : vector<256x256xf32>
    %add3A_625 = arith.addf %mul3A_618, %mul3A_624 : vector<256x256xf32>
    %get3A_626 = arith.constant 23 : index
    %get3A_627 = arith.constant 0 : index
    %get3A_628 = vector.load %arg7[%get3A_626, %get3A_627] : memref<29x256xf32, #tpu.memory_space<vmem>>, vector<1x256xf32>
    %mul3A_629 = vector.broadcast %concatenate3A_604 : vector<256x1xf32> to vector<256x256xf32>
    %mul3A_630 = vector.broadcast %get3A_628 : vector<1x256xf32> to vector<256x256xf32>
    %mul3A_631 = arith.mulf %mul3A_629, %mul3A_630 : vector<256x256xf32>
    %add3A_632 = arith.addf %add3A_625, %mul3A_631 : vector<256x256xf32>
    %get3A_633 = arith.constant 27 : index
    %get3A_634 = arith.constant 0 : index
    %get3A_635 = vector.load %arg7[%get3A_633, %get3A_634] : memref<29x256xf32, #tpu.memory_space<vmem>>, vector<1x256xf32>
    %add3A_636 = vector.broadcast %get3A_635 : vector<1x256xf32> to vector<256x256xf32>
    %add3A_637 = arith.addf %add3A_632, %add3A_636 : vector<256x256xf32>
    %get3A_638 = arith.constant 24 : index
    %get3A_639 = arith.constant 0 : index
    %get3A_640 = vector.load %arg7[%get3A_638, %get3A_639] : memref<29x256xf32, #tpu.memory_space<vmem>>, vector<1x256xf32>
    %mul3A_641 = vector.broadcast %concatenate3A_608 : vector<256x1xf32> to vector<256x256xf32>
    %mul3A_642 = vector.broadcast %get3A_640 : vector<1x256xf32> to vector<256x256xf32>
    %mul3A_643 = arith.mulf %mul3A_641, %mul3A_642 : vector<256x256xf32>
    %add3A_644 = arith.addf %add3A_637, %mul3A_643 : vector<256x256xf32>
    %get3A_645 = arith.constant 25 : index
    %get3A_646 = arith.constant 0 : index
    %get3A_647 = vector.load %arg7[%get3A_645, %get3A_646] : memref<29x256xf32, #tpu.memory_space<vmem>>, vector<1x256xf32>
    %mul3A_648 = vector.broadcast %slice3A_596 : vector<256x1xf32> to vector<256x256xf32>
    %mul3A_649 = vector.broadcast %get3A_647 : vector<1x256xf32> to vector<256x256xf32>
    %mul3A_650 = arith.mulf %mul3A_648, %mul3A_649 : vector<256x256xf32>
    %add3A_651 = arith.addf %add3A_644, %mul3A_650 : vector<256x256xf32>
    %get3A_652 = arith.constant 26 : index
    %get3A_653 = arith.constant 0 : index
    %get3A_654 = vector.load %arg7[%get3A_652, %get3A_653] : memref<29x256xf32, #tpu.memory_space<vmem>>, vector<1x256xf32>
    %mul3A_655 = vector.broadcast %concatenate3A_612 : vector<256x1xf32> to vector<256x256xf32>
    %mul3A_656 = vector.broadcast %get3A_654 : vector<1x256xf32> to vector<256x256xf32>
    %mul3A_657 = arith.mulf %mul3A_655, %mul3A_656 : vector<256x256xf32>
    %add3A_658 = arith.addf %add3A_651, %mul3A_657 : vector<256x256xf32>
    %get3A_659 = arith.constant 28 : index
    %get3A_660 = arith.constant 0 : index
    %get3A_661 = vector.load %arg7[%get3A_659, %get3A_660] : memref<29x256xf32, #tpu.memory_space<vmem>>, vector<1x256xf32>
    %add3A_662 = vector.broadcast %get3A_661 : vector<1x256xf32> to vector<256x256xf32>
    %add3A_663 = arith.addf %add3A_658, %add3A_662 : vector<256x256xf32>
    %add3A_664 = arith.addf %mul3A_103, %add3A_663 : vector<256x256xf32>
    %swap3A_665 = arith.constant 2 : index
    %swap3A_666 = arith.constant 0 : index
    %swap3A_667 = arith.constant 0 : index
    %swap3A_668 = vector.load %arg8[%swap3A_665, %swap3A_666, %swap3A_667] : memref<8x256x256xf32, #tpu.memory_space<vmem>>, vector<1x256x256xf32>
    %swap3A_669 = vector.shape_cast %swap3A_668 : vector<1x256x256xf32> to vector<256x256xf32>
    %swap3A_670 = vector.shape_cast %add3A_664 : vector<256x256xf32> to vector<1x256x256xf32>
    tpu.vector_store %arg8[%swap3A_665, %swap3A_666, %swap3A_667], %swap3A_670 {strides = array<i32>} : memref<8x256x256xf32, #tpu.memory_space<vmem>>, vector<1x256x256xf32>,
    %slice3A_671 = vector.extract_strided_slice %transpose3A_438 {offsets = [0, 3], sizes = [256, 1], strides = [1, 1]} : vector<256x8xf32> to vector<256x1xf32>
    %slice3A_672 = vector.extract_strided_slice %transpose3A_442 {offsets = [0, 3], sizes = [256, 1], strides = [1, 1]} : vector<256x8xf32> to vector<256x1xf32>
    %broadcast_in_dim3A_673 = arith.constant 0.000000e+00 : f32
    %broadcast_in_dim3A_674 = vector.broadcast %broadcast_in_dim3A_673 : f32 to vector<1x1xf32>
    %slice3A_675 = vector.extract_strided_slice %slice3A_671 {offsets = [0, 0], sizes = [255, 1], strides = [1, 1]} : vector<256x1xf32> to vector<255x1xf32>
    %concatenate3A_676 = tpu.concatenate %broadcast_in_dim3A_674, %slice3A_675 in 0 : vector<1x1xf32>, vector<255x1xf32> -> vector<256x1xf32>
    %slice3A_677 = vector.extract_strided_slice %slice3A_671 {offsets = [1, 0], sizes = [255, 1], strides = [1, 1]} : vector<256x1xf32> to vector<255x1xf32>
    %broadcast_in_dim3A_678 = arith.constant 0.000000e+00 : f32
    %broadcast_in_dim3A_679 = vector.broadcast %broadcast_in_dim3A_678 : f32 to vector<1x1xf32>
    %concatenate3A_680 = tpu.concatenate %slice3A_677, %broadcast_in_dim3A_679 in 0 : vector<255x1xf32>, vector<1x1xf32> -> vector<256x1xf32>
    %broadcast_in_dim3A_681 = arith.constant 0.000000e+00 : f32
    %broadcast_in_dim3A_682 = vector.broadcast %broadcast_in_dim3A_681 : f32 to vector<1x1xf32>
    %slice3A_683 = vector.extract_strided_slice %slice3A_672 {offsets = [0, 0], sizes = [255, 1], strides = [1, 1]} : vector<256x1xf32> to vector<255x1xf32>
    %concatenate3A_684 = tpu.concatenate %broadcast_in_dim3A_682, %slice3A_683 in 0 : vector<1x1xf32>, vector<255x1xf32> -> vector<256x1xf32>
    %slice3A_685 = vector.extract_strided_slice %slice3A_672 {offsets = [1, 0], sizes = [255, 1], strides = [1, 1]} : vector<256x1xf32> to vector<255x1xf32>
    %broadcast_in_dim3A_686 = arith.constant 0.000000e+00 : f32
    %broadcast_in_dim3A_687 = vector.broadcast %broadcast_in_dim3A_686 : f32 to vector<1x1xf32>
    %concatenate3A_688 = tpu.concatenate %slice3A_685, %broadcast_in_dim3A_687 in 0 : vector<255x1xf32>, vector<1x1xf32> -> vector<256x1xf32>
    %get3A_689 = arith.constant 21 : index
    %get3A_690 = arith.constant 0 : index
    %get3A_691 = vector.load %arg7[%get3A_689, %get3A_690] : memref<29x256xf32, #tpu.memory_space<vmem>>, vector<1x256xf32>
    %mul3A_692 = vector.broadcast %concatenate3A_676 : vector<256x1xf32> to vector<256x256xf32>
    %mul3A_693 = vector.broadcast %get3A_691 : vector<1x256xf32> to vector<256x256xf32>
    %mul3A_694 = arith.mulf %mul3A_692, %mul3A_693 : vector<256x256xf32>
    %get3A_695 = arith.constant 22 : index
    %get3A_696 = arith.constant 0 : index
    %get3A_697 = vector.load %arg7[%get3A_695, %get3A_696] : memref<29x256xf32, #tpu.memory_space<vmem>>, vector<1x256xf32>
    %mul3A_698 = vector.broadcast %slice3A_671 : vector<256x1xf32> to vector<256x256xf32>
    %mul3A_699 = vector.broadcast %get3A_697 : vector<1x256xf32> to vector<256x256xf32>
    %mul3A_700 = arith.mulf %mul3A_698, %mul3A_699 : vector<256x256xf32>
    %add3A_701 = arith.addf %mul3A_694, %mul3A_700 : vector<256x256xf32>
    %get3A_702 = arith.constant 23 : index
    %get3A_703 = arith.constant 0 : index
    %get3A_704 = vector.load %arg7[%get3A_702, %get3A_703] : memref<29x256xf32, #tpu.memory_space<vmem>>, vector<1x256xf32>
    %mul3A_705 = vector.broadcast %concatenate3A_680 : vector<256x1xf32> to vector<256x256xf32>
    %mul3A_706 = vector.broadcast %get3A_704 : vector<1x256xf32> to vector<256x256xf32>
    %mul3A_707 = arith.mulf %mul3A_705, %mul3A_706 : vector<256x256xf32>
    %add3A_708 = arith.addf %add3A_701, %mul3A_707 : vector<256x256xf32>
    %get3A_709 = arith.constant 27 : index
    %get3A_710 = arith.constant 0 : index
    %get3A_711 = vector.load %arg7[%get3A_709, %get3A_710] : memref<29x256xf32, #tpu.memory_space<vmem>>, vector<1x256xf32>
    %add3A_712 = vector.broadcast %get3A_711 : vector<1x256xf32> to vector<256x256xf32>
    %add3A_713 = arith.addf %add3A_708, %add3A_712 : vector<256x256xf32>
    %get3A_714 = arith.constant 24 : index
    %get3A_715 = arith.constant 0 : index
    %get3A_716 = vector.load %arg7[%get3A_714, %get3A_715] : memref<29x256xf32, #tpu.memory_space<vmem>>, vector<1x256xf32>
    %mul3A_717 = vector.broadcast %concatenate3A_684 : vector<256x1xf32> to vector<256x256xf32>
    %mul3A_718 = vector.broadcast %get3A_716 : vector<1x256xf32> to vector<256x256xf32>
    %mul3A_719 = arith.mulf %mul3A_717, %mul3A_718 : vector<256x256xf32>
    %add3A_720 = arith.addf %add3A_713, %mul3A_719 : vector<256x256xf32>
    %get3A_721 = arith.constant 25 : index
    %get3A_722 = arith.constant 0 : index
    %get3A_723 = vector.load %arg7[%get3A_721, %get3A_722] : memref<29x256xf32, #tpu.memory_space<vmem>>, vector<1x256xf32>
    %mul3A_724 = vector.broadcast %slice3A_672 : vector<256x1xf32> to vector<256x256xf32>
    %mul3A_725 = vector.broadcast %get3A_723 : vector<1x256xf32> to vector<256x256xf32>
    %mul3A_726 = arith.mulf %mul3A_724, %mul3A_725 : vector<256x256xf32>
    %add3A_727 = arith.addf %add3A_720, %mul3A_726 : vector<256x256xf32>
    %get3A_728 = arith.constant 26 : index
    %get3A_729 = arith.constant 0 : index
    %get3A_730 = vector.load %arg7[%get3A_728, %get3A_729] : memref<29x256xf32, #tpu.memory_space<vmem>>, vector<1x256xf32>
    %mul3A_731 = vector.broadcast %concatenate3A_688 : vector<256x1xf32> to vector<256x256xf32>
    %mul3A_732 = vector.broadcast %get3A_730 : vector<1x256xf32> to vector<256x256xf32>
    %mul3A_733 = arith.mulf %mul3A_731, %mul3A_732 : vector<256x256xf32>
    %add3A_734 = arith.addf %add3A_727, %mul3A_733 : vector<256x256xf32>
    %get3A_735 = arith.constant 28 : index
    %get3A_736 = arith.constant 0 : index
    %get3A_737 = vector.load %arg7[%get3A_735, %get3A_736] : memref<29x256xf32, #tpu.memory_space<vmem>>, vector<1x256xf32>
    %add3A_738 = vector.broadcast %get3A_737 : vector<1x256xf32> to vector<256x256xf32>
    %add3A_739 = arith.addf %add3A_734, %add3A_738 : vector<256x256xf32>
    %add3A_740 = arith.addf %mul3A_111, %add3A_739 : vector<256x256xf32>
    %swap3A_741 = arith.constant 3 : index
    %swap3A_742 = arith.constant 0 : index
    %swap3A_743 = arith.constant 0 : index
    %swap3A_744 = vector.load %arg8[%swap3A_741, %swap3A_742, %swap3A_743] : memref<8x256x256xf32, #tpu.memory_space<vmem>>, vector<1x256x256xf32>
    %swap3A_745 = vector.shape_cast %swap3A_744 : vector<1x256x256xf32> to vector<256x256xf32>
    %swap3A_746 = vector.shape_cast %add3A_740 : vector<256x256xf32> to vector<1x256x256xf32>
    tpu.vector_store %arg8[%swap3A_741, %swap3A_742, %swap3A_743], %swap3A_746 {strides = array<i32>} : memref<8x256x256xf32, #tpu.memory_space<vmem>>, vector<1x256x256xf32>,
    %slice3A_747 = vector.extract_strided_slice %transpose3A_438 {offsets = [0, 4], sizes = [256, 1], strides = [1, 1]} : vector<256x8xf32> to vector<256x1xf32>
    %slice3A_748 = vector.extract_strided_slice %transpose3A_442 {offsets = [0, 4], sizes = [256, 1], strides = [1, 1]} : vector<256x8xf32> to vector<256x1xf32>
    %broadcast_in_dim3A_749 = arith.constant 0.000000e+00 : f32
    %broadcast_in_dim3A_750 = vector.broadcast %broadcast_in_dim3A_749 : f32 to vector<1x1xf32>
    %slice3A_751 = vector.extract_strided_slice %slice3A_747 {offsets = [0, 0], sizes = [255, 1], strides = [1, 1]} : vector<256x1xf32> to vector<255x1xf32>
    %concatenate3A_752 = tpu.concatenate %broadcast_in_dim3A_750, %slice3A_751 in 0 : vector<1x1xf32>, vector<255x1xf32> -> vector<256x1xf32>
    %slice3A_753 = vector.extract_strided_slice %slice3A_747 {offsets = [1, 0], sizes = [255, 1], strides = [1, 1]} : vector<256x1xf32> to vector<255x1xf32>
    %broadcast_in_dim3A_754 = arith.constant 0.000000e+00 : f32
    %broadcast_in_dim3A_755 = vector.broadcast %broadcast_in_dim3A_754 : f32 to vector<1x1xf32>
    %concatenate3A_756 = tpu.concatenate %slice3A_753, %broadcast_in_dim3A_755 in 0 : vector<255x1xf32>, vector<1x1xf32> -> vector<256x1xf32>
    %broadcast_in_dim3A_757 = arith.constant 0.000000e+00 : f32
    %broadcast_in_dim3A_758 = vector.broadcast %broadcast_in_dim3A_757 : f32 to vector<1x1xf32>
    %slice3A_759 = vector.extract_strided_slice %slice3A_748 {offsets = [0, 0], sizes = [255, 1], strides = [1, 1]} : vector<256x1xf32> to vector<255x1xf32>
    %concatenate3A_760 = tpu.concatenate %broadcast_in_dim3A_758, %slice3A_759 in 0 : vector<1x1xf32>, vector<255x1xf32> -> vector<256x1xf32>
    %slice3A_761 = vector.extract_strided_slice %slice3A_748 {offsets = [1, 0], sizes = [255, 1], strides = [1, 1]} : vector<256x1xf32> to vector<255x1xf32>
    %broadcast_in_dim3A_762 = arith.constant 0.000000e+00 : f32
    %broadcast_in_dim3A_763 = vector.broadcast %broadcast_in_dim3A_762 : f32 to vector<1x1xf32>
    %concatenate3A_764 = tpu.concatenate %slice3A_761, %broadcast_in_dim3A_763 in 0 : vector<255x1xf32>, vector<1x1xf32> -> vector<256x1xf32>
    %get3A_765 = arith.constant 21 : index
    %get3A_766 = arith.constant 0 : index
    %get3A_767 = vector.load %arg7[%get3A_765, %get3A_766] : memref<29x256xf32, #tpu.memory_space<vmem>>, vector<1x256xf32>
    %mul3A_768 = vector.broadcast %concatenate3A_752 : vector<256x1xf32> to vector<256x256xf32>
    %mul3A_769 = vector.broadcast %get3A_767 : vector<1x256xf32> to vector<256x256xf32>
    %mul3A_770 = arith.mulf %mul3A_768, %mul3A_769 : vector<256x256xf32>
    %get3A_771 = arith.constant 22 : index
    %get3A_772 = arith.constant 0 : index
    %get3A_773 = vector.load %arg7[%get3A_771, %get3A_772] : memref<29x256xf32, #tpu.memory_space<vmem>>, vector<1x256xf32>
    %mul3A_774 = vector.broadcast %slice3A_747 : vector<256x1xf32> to vector<256x256xf32>
    %mul3A_775 = vector.broadcast %get3A_773 : vector<1x256xf32> to vector<256x256xf32>
    %mul3A_776 = arith.mulf %mul3A_774, %mul3A_775 : vector<256x256xf32>
    %add3A_777 = arith.addf %mul3A_770, %mul3A_776 : vector<256x256xf32>
    %get3A_778 = arith.constant 23 : index
    %get3A_779 = arith.constant 0 : index
    %get3A_780 = vector.load %arg7[%get3A_778, %get3A_779] : memref<29x256xf32, #tpu.memory_space<vmem>>, vector<1x256xf32>
    %mul3A_781 = vector.broadcast %concatenate3A_756 : vector<256x1xf32> to vector<256x256xf32>
    %mul3A_782 = vector.broadcast %get3A_780 : vector<1x256xf32> to vector<256x256xf32>
    %mul3A_783 = arith.mulf %mul3A_781, %mul3A_782 : vector<256x256xf32>
    %add3A_784 = arith.addf %add3A_777, %mul3A_783 : vector<256x256xf32>
    %get3A_785 = arith.constant 27 : index
    %get3A_786 = arith.constant 0 : index
    %get3A_787 = vector.load %arg7[%get3A_785, %get3A_786] : memref<29x256xf32, #tpu.memory_space<vmem>>, vector<1x256xf32>
    %add3A_788 = vector.broadcast %get3A_787 : vector<1x256xf32> to vector<256x256xf32>
    %add3A_789 = arith.addf %add3A_784, %add3A_788 : vector<256x256xf32>
    %get3A_790 = arith.constant 24 : index
    %get3A_791 = arith.constant 0 : index
    %get3A_792 = vector.load %arg7[%get3A_790, %get3A_791] : memref<29x256xf32, #tpu.memory_space<vmem>>, vector<1x256xf32>
    %mul3A_793 = vector.broadcast %concatenate3A_760 : vector<256x1xf32> to vector<256x256xf32>
    %mul3A_794 = vector.broadcast %get3A_792 : vector<1x256xf32> to vector<256x256xf32>
    %mul3A_795 = arith.mulf %mul3A_793, %mul3A_794 : vector<256x256xf32>
    %add3A_796 = arith.addf %add3A_789, %mul3A_795 : vector<256x256xf32>
    %get3A_797 = arith.constant 25 : index
    %get3A_798 = arith.constant 0 : index
    %get3A_799 = vector.load %arg7[%get3A_797, %get3A_798] : memref<29x256xf32, #tpu.memory_space<vmem>>, vector<1x256xf32>
    %mul3A_800 = vector.broadcast %slice3A_748 : vector<256x1xf32> to vector<256x256xf32>
    %mul3A_801 = vector.broadcast %get3A_799 : vector<1x256xf32> to vector<256x256xf32>
    %mul3A_802 = arith.mulf %mul3A_800, %mul3A_801 : vector<256x256xf32>
    %add3A_803 = arith.addf %add3A_796, %mul3A_802 : vector<256x256xf32>
    %get3A_804 = arith.constant 26 : index
    %get3A_805 = arith.constant 0 : index
    %get3A_806 = vector.load %arg7[%get3A_804, %get3A_805] : memref<29x256xf32, #tpu.memory_space<vmem>>, vector<1x256xf32>
    %mul3A_807 = vector.broadcast %concatenate3A_764 : vector<256x1xf32> to vector<256x256xf32>
    %mul3A_808 = vector.broadcast %get3A_806 : vector<1x256xf32> to vector<256x256xf32>
    %mul3A_809 = arith.mulf %mul3A_807, %mul3A_808 : vector<256x256xf32>
    %add3A_810 = arith.addf %add3A_803, %mul3A_809 : vector<256x256xf32>
    %get3A_811 = arith.constant 28 : index
    %get3A_812 = arith.constant 0 : index
    %get3A_813 = vector.load %arg7[%get3A_811, %get3A_812] : memref<29x256xf32, #tpu.memory_space<vmem>>, vector<1x256xf32>
    %add3A_814 = vector.broadcast %get3A_813 : vector<1x256xf32> to vector<256x256xf32>
    %add3A_815 = arith.addf %add3A_810, %add3A_814 : vector<256x256xf32>
    %add3A_816 = arith.addf %mul3A_119, %add3A_815 : vector<256x256xf32>
    %swap3A_817 = arith.constant 4 : index
    %swap3A_818 = arith.constant 0 : index
    %swap3A_819 = arith.constant 0 : index
    %swap3A_820 = vector.load %arg8[%swap3A_817, %swap3A_818, %swap3A_819] : memref<8x256x256xf32, #tpu.memory_space<vmem>>, vector<1x256x256xf32>
    %swap3A_821 = vector.shape_cast %swap3A_820 : vector<1x256x256xf32> to vector<256x256xf32>
    %swap3A_822 = vector.shape_cast %add3A_816 : vector<256x256xf32> to vector<1x256x256xf32>
    tpu.vector_store %arg8[%swap3A_817, %swap3A_818, %swap3A_819], %swap3A_822 {strides = array<i32>} : memref<8x256x256xf32, #tpu.memory_space<vmem>>, vector<1x256x256xf32>,
    %slice3A_823 = vector.extract_strided_slice %transpose3A_438 {offsets = [0, 5], sizes = [256, 1], strides = [1, 1]} : vector<256x8xf32> to vector<256x1xf32>
    %slice3A_824 = vector.extract_strided_slice %transpose3A_442 {offsets = [0, 5], sizes = [256, 1], strides = [1, 1]} : vector<256x8xf32> to vector<256x1xf32>
    %broadcast_in_dim3A_825 = arith.constant 0.000000e+00 : f32
    %broadcast_in_dim3A_826 = vector.broadcast %broadcast_in_dim3A_825 : f32 to vector<1x1xf32>
    %slice3A_827 = vector.extract_strided_slice %slice3A_823 {offsets = [0, 0], sizes = [255, 1], strides = [1, 1]} : vector<256x1xf32> to vector<255x1xf32>
    %concatenate3A_828 = tpu.concatenate %broadcast_in_dim3A_826, %slice3A_827 in 0 : vector<1x1xf32>, vector<255x1xf32> -> vector<256x1xf32>
    %slice3A_829 = vector.extract_strided_slice %slice3A_823 {offsets = [1, 0], sizes = [255, 1], strides = [1, 1]} : vector<256x1xf32> to vector<255x1xf32>
    %broadcast_in_dim3A_830 = arith.constant 0.000000e+00 : f32
    %broadcast_in_dim3A_831 = vector.broadcast %broadcast_in_dim3A_830 : f32 to vector<1x1xf32>
    %concatenate3A_832 = tpu.concatenate %slice3A_829, %broadcast_in_dim3A_831 in 0 : vector<255x1xf32>, vector<1x1xf32> -> vector<256x1xf32>
    %broadcast_in_dim3A_833 = arith.constant 0.000000e+00 : f32
    %broadcast_in_dim3A_834 = vector.broadcast %broadcast_in_dim3A_833 : f32 to vector<1x1xf32>
    %slice3A_835 = vector.extract_strided_slice %slice3A_824 {offsets = [0, 0], sizes = [255, 1], strides = [1, 1]} : vector<256x1xf32> to vector<255x1xf32>
    %concatenate3A_836 = tpu.concatenate %broadcast_in_dim3A_834, %slice3A_835 in 0 : vector<1x1xf32>, vector<255x1xf32> -> vector<256x1xf32>
    %slice3A_837 = vector.extract_strided_slice %slice3A_824 {offsets = [1, 0], sizes = [255, 1], strides = [1, 1]} : vector<256x1xf32> to vector<255x1xf32>
    %broadcast_in_dim3A_838 = arith.constant 0.000000e+00 : f32
    %broadcast_in_dim3A_839 = vector.broadcast %broadcast_in_dim3A_838 : f32 to vector<1x1xf32>
    %concatenate3A_840 = tpu.concatenate %slice3A_837, %broadcast_in_dim3A_839 in 0 : vector<255x1xf32>, vector<1x1xf32> -> vector<256x1xf32>
    %get3A_841 = arith.constant 21 : index
    %get3A_842 = arith.constant 0 : index
    %get3A_843 = vector.load %arg7[%get3A_841, %get3A_842] : memref<29x256xf32, #tpu.memory_space<vmem>>, vector<1x256xf32>
    %mul3A_844 = vector.broadcast %concatenate3A_828 : vector<256x1xf32> to vector<256x256xf32>
    %mul3A_845 = vector.broadcast %get3A_843 : vector<1x256xf32> to vector<256x256xf32>
    %mul3A_846 = arith.mulf %mul3A_844, %mul3A_845 : vector<256x256xf32>
    %get3A_847 = arith.constant 22 : index
    %get3A_848 = arith.constant 0 : index
    %get3A_849 = vector.load %arg7[%get3A_847, %get3A_848] : memref<29x256xf32, #tpu.memory_space<vmem>>, vector<1x256xf32>
    %mul3A_850 = vector.broadcast %slice3A_823 : vector<256x1xf32> to vector<256x256xf32>
    %mul3A_851 = vector.broadcast %get3A_849 : vector<1x256xf32> to vector<256x256xf32>
    %mul3A_852 = arith.mulf %mul3A_850, %mul3A_851 : vector<256x256xf32>
    %add3A_853 = arith.addf %mul3A_846, %mul3A_852 : vector<256x256xf32>
    %get3A_854 = arith.constant 23 : index
    %get3A_855 = arith.constant 0 : index
    %get3A_856 = vector.load %arg7[%get3A_854, %get3A_855] : memref<29x256xf32, #tpu.memory_space<vmem>>, vector<1x256xf32>
    %mul3A_857 = vector.broadcast %concatenate3A_832 : vector<256x1xf32> to vector<256x256xf32>
    %mul3A_858 = vector.broadcast %get3A_856 : vector<1x256xf32> to vector<256x256xf32>
    %mul3A_859 = arith.mulf %mul3A_857, %mul3A_858 : vector<256x256xf32>
    %add3A_860 = arith.addf %add3A_853, %mul3A_859 : vector<256x256xf32>
    %get3A_861 = arith.constant 27 : index
    %get3A_862 = arith.constant 0 : index
    %get3A_863 = vector.load %arg7[%get3A_861, %get3A_862] : memref<29x256xf32, #tpu.memory_space<vmem>>, vector<1x256xf32>
    %add3A_864 = vector.broadcast %get3A_863 : vector<1x256xf32> to vector<256x256xf32>
    %add3A_865 = arith.addf %add3A_860, %add3A_864 : vector<256x256xf32>
    %get3A_866 = arith.constant 24 : index
    %get3A_867 = arith.constant 0 : index
    %get3A_868 = vector.load %arg7[%get3A_866, %get3A_867] : memref<29x256xf32, #tpu.memory_space<vmem>>, vector<1x256xf32>
    %mul3A_869 = vector.broadcast %concatenate3A_836 : vector<256x1xf32> to vector<256x256xf32>
    %mul3A_870 = vector.broadcast %get3A_868 : vector<1x256xf32> to vector<256x256xf32>
    %mul3A_871 = arith.mulf %mul3A_869, %mul3A_870 : vector<256x256xf32>
    %add3A_872 = arith.addf %add3A_865, %mul3A_871 : vector<256x256xf32>
    %get3A_873 = arith.constant 25 : index
    %get3A_874 = arith.constant 0 : index
    %get3A_875 = vector.load %arg7[%get3A_873, %get3A_874] : memref<29x256xf32, #tpu.memory_space<vmem>>, vector<1x256xf32>
    %mul3A_876 = vector.broadcast %slice3A_824 : vector<256x1xf32> to vector<256x256xf32>
    %mul3A_877 = vector.broadcast %get3A_875 : vector<1x256xf32> to vector<256x256xf32>
    %mul3A_878 = arith.mulf %mul3A_876, %mul3A_877 : vector<256x256xf32>
    %add3A_879 = arith.addf %add3A_872, %mul3A_878 : vector<256x256xf32>
    %get3A_880 = arith.constant 26 : index
    %get3A_881 = arith.constant 0 : index
    %get3A_882 = vector.load %arg7[%get3A_880, %get3A_881] : memref<29x256xf32, #tpu.memory_space<vmem>>, vector<1x256xf32>
    %mul3A_883 = vector.broadcast %concatenate3A_840 : vector<256x1xf32> to vector<256x256xf32>
    %mul3A_884 = vector.broadcast %get3A_882 : vector<1x256xf32> to vector<256x256xf32>
    %mul3A_885 = arith.mulf %mul3A_883, %mul3A_884 : vector<256x256xf32>
    %add3A_886 = arith.addf %add3A_879, %mul3A_885 : vector<256x256xf32>
    %get3A_887 = arith.constant 28 : index
    %get3A_888 = arith.constant 0 : index
    %get3A_889 = vector.load %arg7[%get3A_887, %get3A_888] : memref<29x256xf32, #tpu.memory_space<vmem>>, vector<1x256xf32>
    %add3A_890 = vector.broadcast %get3A_889 : vector<1x256xf32> to vector<256x256xf32>
    %add3A_891 = arith.addf %add3A_886, %add3A_890 : vector<256x256xf32>
    %add3A_892 = arith.addf %mul3A_127, %add3A_891 : vector<256x256xf32>
    %swap3A_893 = arith.constant 5 : index
    %swap3A_894 = arith.constant 0 : index
    %swap3A_895 = arith.constant 0 : index
    %swap3A_896 = vector.load %arg8[%swap3A_893, %swap3A_894, %swap3A_895] : memref<8x256x256xf32, #tpu.memory_space<vmem>>, vector<1x256x256xf32>
    %swap3A_897 = vector.shape_cast %swap3A_896 : vector<1x256x256xf32> to vector<256x256xf32>
    %swap3A_898 = vector.shape_cast %add3A_892 : vector<256x256xf32> to vector<1x256x256xf32>
    tpu.vector_store %arg8[%swap3A_893, %swap3A_894, %swap3A_895], %swap3A_898 {strides = array<i32>} : memref<8x256x256xf32, #tpu.memory_space<vmem>>, vector<1x256x256xf32>,
    %slice3A_899 = vector.extract_strided_slice %transpose3A_438 {offsets = [0, 6], sizes = [256, 1], strides = [1, 1]} : vector<256x8xf32> to vector<256x1xf32>
    %slice3A_900 = vector.extract_strided_slice %transpose3A_442 {offsets = [0, 6], sizes = [256, 1], strides = [1, 1]} : vector<256x8xf32> to vector<256x1xf32>
    %broadcast_in_dim3A_901 = arith.constant 0.000000e+00 : f32
    %broadcast_in_dim3A_902 = vector.broadcast %broadcast_in_dim3A_901 : f32 to vector<1x1xf32>
    %slice3A_903 = vector.extract_strided_slice %slice3A_899 {offsets = [0, 0], sizes = [255, 1], strides = [1, 1]} : vector<256x1xf32> to vector<255x1xf32>
    %concatenate3A_904 = tpu.concatenate %broadcast_in_dim3A_902, %slice3A_903 in 0 : vector<1x1xf32>, vector<255x1xf32> -> vector<256x1xf32>
    %slice3A_905 = vector.extract_strided_slice %slice3A_899 {offsets = [1, 0], sizes = [255, 1], strides = [1, 1]} : vector<256x1xf32> to vector<255x1xf32>
    %broadcast_in_dim3A_906 = arith.constant 0.000000e+00 : f32
    %broadcast_in_dim3A_907 = vector.broadcast %broadcast_in_dim3A_906 : f32 to vector<1x1xf32>
    %concatenate3A_908 = tpu.concatenate %slice3A_905, %broadcast_in_dim3A_907 in 0 : vector<255x1xf32>, vector<1x1xf32> -> vector<256x1xf32>
    %broadcast_in_dim3A_909 = arith.constant 0.000000e+00 : f32
    %broadcast_in_dim3A_910 = vector.broadcast %broadcast_in_dim3A_909 : f32 to vector<1x1xf32>
    %slice3A_911 = vector.extract_strided_slice %slice3A_900 {offsets = [0, 0], sizes = [255, 1], strides = [1, 1]} : vector<256x1xf32> to vector<255x1xf32>
    %concatenate3A_912 = tpu.concatenate %broadcast_in_dim3A_910, %slice3A_911 in 0 : vector<1x1xf32>, vector<255x1xf32> -> vector<256x1xf32>
    %slice3A_913 = vector.extract_strided_slice %slice3A_900 {offsets = [1, 0], sizes = [255, 1], strides = [1, 1]} : vector<256x1xf32> to vector<255x1xf32>
    %broadcast_in_dim3A_914 = arith.constant 0.000000e+00 : f32
    %broadcast_in_dim3A_915 = vector.broadcast %broadcast_in_dim3A_914 : f32 to vector<1x1xf32>
    %concatenate3A_916 = tpu.concatenate %slice3A_913, %broadcast_in_dim3A_915 in 0 : vector<255x1xf32>, vector<1x1xf32> -> vector<256x1xf32>
    %get3A_917 = arith.constant 21 : index
    %get3A_918 = arith.constant 0 : index
    %get3A_919 = vector.load %arg7[%get3A_917, %get3A_918] : memref<29x256xf32, #tpu.memory_space<vmem>>, vector<1x256xf32>
    %mul3A_920 = vector.broadcast %concatenate3A_904 : vector<256x1xf32> to vector<256x256xf32>
    %mul3A_921 = vector.broadcast %get3A_919 : vector<1x256xf32> to vector<256x256xf32>
    %mul3A_922 = arith.mulf %mul3A_920, %mul3A_921 : vector<256x256xf32>
    %get3A_923 = arith.constant 22 : index
    %get3A_924 = arith.constant 0 : index
    %get3A_925 = vector.load %arg7[%get3A_923, %get3A_924] : memref<29x256xf32, #tpu.memory_space<vmem>>, vector<1x256xf32>
    %mul3A_926 = vector.broadcast %slice3A_899 : vector<256x1xf32> to vector<256x256xf32>
    %mul3A_927 = vector.broadcast %get3A_925 : vector<1x256xf32> to vector<256x256xf32>
    %mul3A_928 = arith.mulf %mul3A_926, %mul3A_927 : vector<256x256xf32>
    %add3A_929 = arith.addf %mul3A_922, %mul3A_928 : vector<256x256xf32>
    %get3A_930 = arith.constant 23 : index
    %get3A_931 = arith.constant 0 : index
    %get3A_932 = vector.load %arg7[%get3A_930, %get3A_931] : memref<29x256xf32, #tpu.memory_space<vmem>>, vector<1x256xf32>
    %mul3A_933 = vector.broadcast %concatenate3A_908 : vector<256x1xf32> to vector<256x256xf32>
    %mul3A_934 = vector.broadcast %get3A_932 : vector<1x256xf32> to vector<256x256xf32>
    %mul3A_935 = arith.mulf %mul3A_933, %mul3A_934 : vector<256x256xf32>
    %add3A_936 = arith.addf %add3A_929, %mul3A_935 : vector<256x256xf32>
    %get3A_937 = arith.constant 27 : index
    %get3A_938 = arith.constant 0 : index
    %get3A_939 = vector.load %arg7[%get3A_937, %get3A_938] : memref<29x256xf32, #tpu.memory_space<vmem>>, vector<1x256xf32>
    %add3A_940 = vector.broadcast %get3A_939 : vector<1x256xf32> to vector<256x256xf32>
    %add3A_941 = arith.addf %add3A_936, %add3A_940 : vector<256x256xf32>
    %get3A_942 = arith.constant 24 : index
    %get3A_943 = arith.constant 0 : index
    %get3A_944 = vector.load %arg7[%get3A_942, %get3A_943] : memref<29x256xf32, #tpu.memory_space<vmem>>, vector<1x256xf32>
    %mul3A_945 = vector.broadcast %concatenate3A_912 : vector<256x1xf32> to vector<256x256xf32>
    %mul3A_946 = vector.broadcast %get3A_944 : vector<1x256xf32> to vector<256x256xf32>
    %mul3A_947 = arith.mulf %mul3A_945, %mul3A_946 : vector<256x256xf32>
    %add3A_948 = arith.addf %add3A_941, %mul3A_947 : vector<256x256xf32>
    %get3A_949 = arith.constant 25 : index
    %get3A_950 = arith.constant 0 : index
    %get3A_951 = vector.load %arg7[%get3A_949, %get3A_950] : memref<29x256xf32, #tpu.memory_space<vmem>>, vector<1x256xf32>
    %mul3A_952 = vector.broadcast %slice3A_900 : vector<256x1xf32> to vector<256x256xf32>
    %mul3A_953 = vector.broadcast %get3A_951 : vector<1x256xf32> to vector<256x256xf32>
    %mul3A_954 = arith.mulf %mul3A_952, %mul3A_953 : vector<256x256xf32>
    %add3A_955 = arith.addf %add3A_948, %mul3A_954 : vector<256x256xf32>
    %get3A_956 = arith.constant 26 : index
    %get3A_957 = arith.constant 0 : index
    %get3A_958 = vector.load %arg7[%get3A_956, %get3A_957] : memref<29x256xf32, #tpu.memory_space<vmem>>, vector<1x256xf32>
    %mul3A_959 = vector.broadcast %concatenate3A_916 : vector<256x1xf32> to vector<256x256xf32>
    %mul3A_960 = vector.broadcast %get3A_958 : vector<1x256xf32> to vector<256x256xf32>
    %mul3A_961 = arith.mulf %mul3A_959, %mul3A_960 : vector<256x256xf32>
    %add3A_962 = arith.addf %add3A_955, %mul3A_961 : vector<256x256xf32>
    %get3A_963 = arith.constant 28 : index
    %get3A_964 = arith.constant 0 : index
    %get3A_965 = vector.load %arg7[%get3A_963, %get3A_964] : memref<29x256xf32, #tpu.memory_space<vmem>>, vector<1x256xf32>
    %add3A_966 = vector.broadcast %get3A_965 : vector<1x256xf32> to vector<256x256xf32>
    %add3A_967 = arith.addf %add3A_962, %add3A_966 : vector<256x256xf32>
    %add3A_968 = arith.addf %mul3A_135, %add3A_967 : vector<256x256xf32>
    %swap3A_969 = arith.constant 6 : index
    %swap3A_970 = arith.constant 0 : index
    %swap3A_971 = arith.constant 0 : index
    %swap3A_972 = vector.load %arg8[%swap3A_969, %swap3A_970, %swap3A_971] : memref<8x256x256xf32, #tpu.memory_space<vmem>>, vector<1x256x256xf32>
    %swap3A_973 = vector.shape_cast %swap3A_972 : vector<1x256x256xf32> to vector<256x256xf32>
    %swap3A_974 = vector.shape_cast %add3A_968 : vector<256x256xf32> to vector<1x256x256xf32>
    tpu.vector_store %arg8[%swap3A_969, %swap3A_970, %swap3A_971], %swap3A_974 {strides = array<i32>} : memref<8x256x256xf32, #tpu.memory_space<vmem>>, vector<1x256x256xf32>,
    %slice3A_975 = vector.extract_strided_slice %transpose3A_438 {offsets = [0, 7], sizes = [256, 1], strides = [1, 1]} : vector<256x8xf32> to vector<256x1xf32>
    %slice3A_976 = vector.extract_strided_slice %transpose3A_442 {offsets = [0, 7], sizes = [256, 1], strides = [1, 1]} : vector<256x8xf32> to vector<256x1xf32>
    %broadcast_in_dim3A_977 = arith.constant 0.000000e+00 : f32
    %broadcast_in_dim3A_978 = vector.broadcast %broadcast_in_dim3A_977 : f32 to vector<1x1xf32>
    %slice3A_979 = vector.extract_strided_slice %slice3A_975 {offsets = [0, 0], sizes = [255, 1], strides = [1, 1]} : vector<256x1xf32> to vector<255x1xf32>
    %concatenate3A_980 = tpu.concatenate %broadcast_in_dim3A_978, %slice3A_979 in 0 : vector<1x1xf32>, vector<255x1xf32> -> vector<256x1xf32>
    %slice3A_981 = vector.extract_strided_slice %slice3A_975 {offsets = [1, 0], sizes = [255, 1], strides = [1, 1]} : vector<256x1xf32> to vector<255x1xf32>
    %broadcast_in_dim3A_982 = arith.constant 0.000000e+00 : f32
    %broadcast_in_dim3A_983 = vector.broadcast %broadcast_in_dim3A_982 : f32 to vector<1x1xf32>
    %concatenate3A_984 = tpu.concatenate %slice3A_981, %broadcast_in_dim3A_983 in 0 : vector<255x1xf32>, vector<1x1xf32> -> vector<256x1xf32>
    %broadcast_in_dim3A_985 = arith.constant 0.000000e+00 : f32
    %broadcast_in_dim3A_986 = vector.broadcast %broadcast_in_dim3A_985 : f32 to vector<1x1xf32>
    %slice3A_987 = vector.extract_strided_slice %slice3A_976 {offsets = [0, 0], sizes = [255, 1], strides = [1, 1]} : vector<256x1xf32> to vector<255x1xf32>
    %concatenate3A_988 = tpu.concatenate %broadcast_in_dim3A_986, %slice3A_987 in 0 : vector<1x1xf32>, vector<255x1xf32> -> vector<256x1xf32>
    %slice3A_989 = vector.extract_strided_slice %slice3A_976 {offsets = [1, 0], sizes = [255, 1], strides = [1, 1]} : vector<256x1xf32> to vector<255x1xf32>
    %broadcast_in_dim3A_990 = arith.constant 0.000000e+00 : f32
    %broadcast_in_dim3A_991 = vector.broadcast %broadcast_in_dim3A_990 : f32 to vector<1x1xf32>
    %concatenate3A_992 = tpu.concatenate %slice3A_989, %broadcast_in_dim3A_991 in 0 : vector<255x1xf32>, vector<1x1xf32> -> vector<256x1xf32>
    %get3A_993 = arith.constant 21 : index
    %get3A_994 = arith.constant 0 : index
    %get3A_995 = vector.load %arg7[%get3A_993, %get3A_994] : memref<29x256xf32, #tpu.memory_space<vmem>>, vector<1x256xf32>
    %mul3A_996 = vector.broadcast %concatenate3A_980 : vector<256x1xf32> to vector<256x256xf32>
    %mul3A_997 = vector.broadcast %get3A_995 : vector<1x256xf32> to vector<256x256xf32>
    %mul3A_998 = arith.mulf %mul3A_996, %mul3A_997 : vector<256x256xf32>
    %get3A_999 = arith.constant 22 : index
    %get3A_1000 = arith.constant 0 : index
    %get3A_1001 = vector.load %arg7[%get3A_999, %get3A_1000] : memref<29x256xf32, #tpu.memory_space<vmem>>, vector<1x256xf32>
    %mul3A_1002 = vector.broadcast %slice3A_975 : vector<256x1xf32> to vector<256x256xf32>
    %mul3A_1003 = vector.broadcast %get3A_1001 : vector<1x256xf32> to vector<256x256xf32>
    %mul3A_1004 = arith.mulf %mul3A_1002, %mul3A_1003 : vector<256x256xf32>
    %add3A_1005 = arith.addf %mul3A_998, %mul3A_1004 : vector<256x256xf32>
    %get3A_1006 = arith.constant 23 : index
    %get3A_1007 = arith.constant 0 : index
    %get3A_1008 = vector.load %arg7[%get3A_1006, %get3A_1007] : memref<29x256xf32, #tpu.memory_space<vmem>>, vector<1x256xf32>
    %mul3A_1009 = vector.broadcast %concatenate3A_984 : vector<256x1xf32> to vector<256x256xf32>
    %mul3A_1010 = vector.broadcast %get3A_1008 : vector<1x256xf32> to vector<256x256xf32>
    %mul3A_1011 = arith.mulf %mul3A_1009, %mul3A_1010 : vector<256x256xf32>
    %add3A_1012 = arith.addf %add3A_1005, %mul3A_1011 : vector<256x256xf32>
    %get3A_1013 = arith.constant 27 : index
    %get3A_1014 = arith.constant 0 : index
    %get3A_1015 = vector.load %arg7[%get3A_1013, %get3A_1014] : memref<29x256xf32, #tpu.memory_space<vmem>>, vector<1x256xf32>
    %add3A_1016 = vector.broadcast %get3A_1015 : vector<1x256xf32> to vector<256x256xf32>
    %add3A_1017 = arith.addf %add3A_1012, %add3A_1016 : vector<256x256xf32>
    %get3A_1018 = arith.constant 24 : index
    %get3A_1019 = arith.constant 0 : index
    %get3A_1020 = vector.load %arg7[%get3A_1018, %get3A_1019] : memref<29x256xf32, #tpu.memory_space<vmem>>, vector<1x256xf32>
    %mul3A_1021 = vector.broadcast %concatenate3A_988 : vector<256x1xf32> to vector<256x256xf32>
    %mul3A_1022 = vector.broadcast %get3A_1020 : vector<1x256xf32> to vector<256x256xf32>
    %mul3A_1023 = arith.mulf %mul3A_1021, %mul3A_1022 : vector<256x256xf32>
    %add3A_1024 = arith.addf %add3A_1017, %mul3A_1023 : vector<256x256xf32>
    %get3A_1025 = arith.constant 25 : index
    %get3A_1026 = arith.constant 0 : index
    %get3A_1027 = vector.load %arg7[%get3A_1025, %get3A_1026] : memref<29x256xf32, #tpu.memory_space<vmem>>, vector<1x256xf32>
    %mul3A_1028 = vector.broadcast %slice3A_976 : vector<256x1xf32> to vector<256x256xf32>
    %mul3A_1029 = vector.broadcast %get3A_1027 : vector<1x256xf32> to vector<256x256xf32>
    %mul3A_1030 = arith.mulf %mul3A_1028, %mul3A_1029 : vector<256x256xf32>
    %add3A_1031 = arith.addf %add3A_1024, %mul3A_1030 : vector<256x256xf32>
    %get3A_1032 = arith.constant 26 : index
    %get3A_1033 = arith.constant 0 : index
    %get3A_1034 = vector.load %arg7[%get3A_1032, %get3A_1033] : memref<29x256xf32, #tpu.memory_space<vmem>>, vector<1x256xf32>
    %mul3A_1035 = vector.broadcast %concatenate3A_992 : vector<256x1xf32> to vector<256x256xf32>
    %mul3A_1036 = vector.broadcast %get3A_1034 : vector<1x256xf32> to vector<256x256xf32>
    %mul3A_1037 = arith.mulf %mul3A_1035, %mul3A_1036 : vector<256x256xf32>
    %add3A_1038 = arith.addf %add3A_1031, %mul3A_1037 : vector<256x256xf32>
    %get3A_1039 = arith.constant 28 : index
    %get3A_1040 = arith.constant 0 : index
    %get3A_1041 = vector.load %arg7[%get3A_1039, %get3A_1040] : memref<29x256xf32, #tpu.memory_space<vmem>>, vector<1x256xf32>
    %add3A_1042 = vector.broadcast %get3A_1041 : vector<1x256xf32> to vector<256x256xf32>
    %add3A_1043 = arith.addf %add3A_1038, %add3A_1042 : vector<256x256xf32>
    %add3A_1044 = arith.addf %mul3A_143, %add3A_1043 : vector<256x256xf32>
    %swap3A_1045 = arith.constant 7 : index
    %swap3A_1046 = arith.constant 0 : index
    %swap3A_1047 = arith.constant 0 : index
    %swap3A_1048 = vector.load %arg8[%swap3A_1045, %swap3A_1046, %swap3A_1047] : memref<8x256x256xf32, #tpu.memory_space<vmem>>, vector<1x256x256xf32>
    %swap3A_1049 = vector.shape_cast %swap3A_1048 : vector<1x256x256xf32> to vector<256x256xf32>
    %swap3A_1050 = vector.shape_cast %add3A_1044 : vector<256x256xf32> to vector<1x256x256xf32>
    tpu.vector_store %arg8[%swap3A_1045, %swap3A_1046, %swap3A_1047], %swap3A_1050 {strides = array<i32>} : memref<8x256x256xf32, #tpu.memory_space<vmem>>, vector<1x256x256xf32>,
    return
  }
  func.func @transform_0(%arg0: i32) -> i32 {
    %c0_i32 = arith.constant 0 : i32
    %c0_i32_0 = arith.constant 0 : i32
    return %c0_i32 : i32
  }
  func.func @transform_1(%arg0: i32) -> (i32, i32, i32) {
    %c0_i32 = arith.constant 0 : i32
    %c0_i32_0 = arith.constant 0 : i32
    %c0_i32_1 = arith.constant 0 : i32
    return %arg0, %c0_i32, %c0_i32_0 : i32, i32, i32
  }
  func.func @transform_2(%arg0: i32) -> (i32, i32) {
    %c0_i32 = arith.constant 0 : i32
    %c0_i32_0 = arith.constant 0 : i32
    return %arg0, %c0_i32 : i32, i32
  }
  func.func @transform_3(%arg0: i32) -> (i32, i32) {
    %c0_i32 = arith.constant 0 : i32
    %c0_i32_0 = arith.constant 0 : i32
    return %arg0, %c0_i32 : i32, i32
  }
  func.func @transform_4(%arg0: i32) -> (i32, i32) {
    %c0_i32 = arith.constant 0 : i32
    %c0_i32_0 = arith.constant 0 : i32
    return %arg0, %c0_i32 : i32, i32
  }
  func.func @transform_5(%arg0: i32) -> (i32, i32, i32) {
    %c0_i32 = arith.constant 0 : i32
    %c0_i32_0 = arith.constant 0 : i32
    %c0_i32_1 = arith.constant 0 : i32
    %c0_i32_2 = arith.constant 0 : i32
    return %c0_i32, %c0_i32_0, %c0_i32_1 : i32, i32, i32
  }
  func.func @transform_6(%arg0: i32) -> (i32, i32) {
    %c0_i32 = arith.constant 0 : i32
    %c0_i32_0 = arith.constant 0 : i32
    %c0_i32_1 = arith.constant 0 : i32
    return %c0_i32, %c0_i32_0 : i32, i32
  }
  func.func @transform_7(%arg0: i32) -> (i32, i32, i32) {
    %c0_i32 = arith.constant 0 : i32
    %c0_i32_0 = arith.constant 0 : i32
    %c0_i32_1 = arith.constant 0 : i32
    return %arg0, %c0_i32, %c0_i32_0 : i32, i32, i32
  }
  func.func @transform_8(%arg0: i32) -> (i32, i32, i32) {
    %c0_i32 = arith.constant 0 : i32
    %c0_i32_0 = arith.constant 0 : i32
    %c0_i32_1 = arith.constant 0 : i32
    return %arg0, %c0_i32, %c0_i32_0 : i32, i32, i32
  }
  func.func @transform_9(%arg0: i32) -> (i32, i32, i32) {
    %c0_i32 = arith.constant 0 : i32
    %c0_i32_0 = arith.constant 0 : i32
    %c0_i32_1 = arith.constant 0 : i32
    return %arg0, %c0_i32, %c0_i32_0 : i32, i32, i32
  }
}

</mosaic_0001>

<sc_bundles>
// kernel: kernel.6.cloned.1.call-start
scs
__scs_entry_jumppad:
0x0: {  	(pc) =	sbr.rel $0x88, $3  }
0x1: {  	(tag) =	ssettag $0x0;
	lr =	simm.s32 $0x1  }
0x2: {  	[smem:$0x3F7A] =	sst lr;
	_ =	strace $0xD0000000  }
0x3: {  	_ = 	snop  }
0x4: {  	_ = 	snop  }
0x5: {  	_ = 	snop  }
0x6: {  	_ = 	snop  }
0x7: {  	_ = 	snop  }
__scs_overlays_trampoline_lowered:
0x8: {  	[smem:$0x3F89] =	sst s0  }
0x9: {  	[smem:$0x3F8A] =	sst s1  }
0xa: {  	[smem:$0x3F8B] =	sst s2  }
0xb: {  	[smem:$0x3F8C] =	sst s3  }
0xc: {  	[smem:$0x3F8D] =	sst s4  }
0xd: {  	[smem:$0x3F8E] =	sst s5  }
0xe: {  	[smem:$0x3F8F] =	sst s6  }
0xf: {  	[smem:$0x3F90] =	sst s7  }
0x10: {  	[smem:$0x3F91] =	sst s8  }
0x11: {  	[smem:$0x3F92] =	sst s9;
	s0 =	simm.s32 @!p0 $0x0  }
0x12: {  	s1 =	sld [smem:$0x3F78];
	s0 =	simm.s32 @p0 $0x1  }
0x13: {  	[smem:$0x3F93] =	sst s0;
	s0 =	simm.s32 @!p1 $0x0  }
0x14: {  	s2 =	sld [smem:$0x3F77];
	s0 =	simm.s32 @p1 $0x1  }
0x15: {  	[smem:$0x3F94] =	sst s0;
	s0 =	simm.s32 @!p2 $0x0  }
0x16: {  	s3 =	sld [smem:$0x3FDB];
	s0 =	simm.s32 @p2 $0x1  }
0x17: {  	s4 =	simm.s32 $0x1BF5;
	[smem:$0x3F96] =	sst s0  }
0x18: {  	s0 =	sld [smem:$0x3F79];
	_ =	swait.ge [sflag:s4], $0x0  }
0x19: {  	s7 =	sld [smem:$0x3F7A]  }
0x1a: {  	s8 =	sadd.s32 $0xFFFFE003, lr  }
0x1b: {  	s9 =	sadd.s32 $0xFFFFFEF7, lr;
	s5 =	simm.s32 $0xFFFFFFFF;
	p2 =	slt.u32 s8, $0xFFFFF086  }
0x1c: {  	p1 =	slt.u32 s9, $0xF7A;
	s5 =	simm.s32 @!p2 $0x0  }
0x1d: {  	s5 =	simm.s32 @p1 $0x1;
	p0 =	seq.s32 s7, s2  }
0x1e: {  	s7 =	smul.u32 @!p0 $0xF7A, s2;
	p2 =	seq.s32 @!p0 s5, $0x0  }
0x1f: {  	s9 =	smul.u32 $0xF7A, s1;
	s8 =	simm.s32 @!p0 $0x1BF5;
	p2 =	por !p2, p0  }
0x20: {  	[sflag:s8] =	ssyncset.s32 @!p0 $0xFFFFF086;
	s6 =	sadd.s32 @!p0 s3, s7;
	s7 =	simm.s32 @!p0 $0x108  }
0x21: {  	s3 =	sadd.s32 s3, s9;
	s6 =	sadd.s32 @!p0 $0x88, s6;
	s7 =	simm.s32 @p2 $0x1082  }
0x22: {  	[simem:s7], [sflag:s8] =	dma.local @!p0 [hbm:s6], $0xF7A  }
0x23: {  	s9 =	sor.u32 $0xD0000000, s2;
	s6 =	simm.s32 $0x108;
	_ =	swait.ge @!p0 [sflag:s8], $0x0  }
0x24: {  	s3 =	sadd.s32 $0x88, s3;
	s6 =	simm.s32 @!p1 $0x1082;
	[sflag:s4] =	ssyncset.s32 $0xFFFFF086  }
0x25: {  	[simem:s6], [sflag:s4] =	dma.local [hbm:s3], $0xF7A  }
0x26: {  	[smem:$0x3F7A] =	sst s1;
	(tag) =	ssettag s2;
	_ =	strace s9  }
0x27: {  	s1 =	sld [smem:$0x3F8A]  }
0x28: {  	s2 =	sld [smem:$0x3F8B]  }
0x29: {  	s4 =	sld [smem:$0x3F8D]  }
0x2a: {  	p0 =	seq.s32 s5, $0x0;
	s5 =	sld [smem:$0x3F8E]  }
0x2b: {  	s6 =	sld [smem:$0x3F8F]  }
0x2c: {  	s7 =	sld [smem:$0x3F90]  }
0x2d: {  	s3 =	simm.s32 $0x108;
	s8 =	sld [smem:$0x3F91]  }
0x2e: {  	s3 =	simm.s32 @!p0 $0x1082;
	s9 =	sld [smem:$0x3F92]  }
0x2f: {  	lr =	sadd.s32 s0, s3;
	s0 =	sld [smem:$0x3F89]  }
0x30: {  	s3 =	sld [smem:$0x3F8C]  }
0x31: {  	[smem:$0x3F95] =	sst s10  }
0x32: {  	s10 =	sld [smem:$0x3F93];
	_ =	sdelay $0x3  }
0x33: {  	p0 =	seq.s32 s10, $0x1;
	s10 =	sld [smem:$0x3F95];
	_ =	sdelay $0x3  }
0x34: {  	[smem:$0x3F95] =	sst s10  }
0x35: {  	s10 =	sld [smem:$0x3F94];
	_ =	sdelay $0x3  }
0x36: {  	p1 =	seq.s32 s10, $0x1;
	s10 =	sld [smem:$0x3F95];
	_ =	sdelay $0x3  }
0x37: {  	[smem:$0x3F95] =	sst s10  }
0x38: {  	s10 =	sld [smem:$0x3F96]  }
0x39: {  	_ = 	snop;
	(pc) =	sbr.ind lr, $3  }
0x3a: {  	_ = 	snop  }
0x3b: {  	_ = 	snop  }
0x3c: {  	p2 =	seq.s32 s10, $0x1;
	s10 =	sld [smem:$0x3F95]  }
0x3d: {  	_ =	shalt  }
0x3e: {  	_ =	shalt  }
0x3f: {  	_ =	shalt  }
0x40: {  	_ =	shalt  }
0x41: {  	_ =	shalt  }
0x42: {  	_ =	shalt  }
0x43: {  	_ =	shalt  }
0x44: {  	_ =	shalt  }
0x45: {  	_ =	shalt  }
0x46: {  	_ =	shalt  }
0x47: {  	_ =	shalt  }
0x48: {  	_ =	shalt  }
0x49: {  	_ =	shalt  }
0x4a: {  	_ =	shalt  }
0x4b: {  	_ =	shalt  }
0x4c: {  	_ =	shalt  }
0x4d: {  	_ =	shalt  }
0x4e: {  	_ =	shalt  }
0x4f: {  	_ =	shalt  }
0x50: {  	_ =	shalt  }
0x51: {  	_ =	shalt  }
0x52: {  	_ =	shalt  }
0x53: {  	_ =	shalt  }
0x54: {  	_ =	shalt  }
0x55: {  	_ =	shalt  }
0x56: {  	_ =	shalt  }
0x57: {  	_ =	shalt  }
0x58: {  	_ =	shalt  }
0x59: {  	_ =	shalt  }
0x5a: {  	_ =	shalt  }
0x5b: {  	_ =	shalt  }
0x5c: {  	_ =	shalt  }
0x5d: {  	_ =	shalt  }
0x5e: {  	_ =	shalt  }
0x5f: {  	_ =	shalt  }
0x60: {  	_ =	shalt  }
0x61: {  	_ =	shalt  }
0x62: {  	_ =	shalt  }
0x63: {  	_ =	shalt  }
0x64: {  	_ =	shalt  }
0x65: {  	_ =	shalt  }
0x66: {  	_ =	shalt  }
0x67: {  	_ =	shalt  }
0x68: {  	_ =	shalt  }
0x69: {  	_ =	shalt  }
0x6a: {  	_ =	shalt  }
0x6b: {  	_ =	shalt  }
0x6c: {  	_ =	shalt  }
0x6d: {  	_ =	shalt  }
0x6e: {  	_ =	shalt  }
0x6f: {  	_ =	shalt  }
0x70: {  	_ =	shalt  }
0x71: {  	_ =	shalt  }
0x72: {  	_ =	shalt  }
0x73: {  	_ =	shalt  }
0x74: {  	_ =	shalt  }
0x75: {  	_ =	shalt  }
0x76: {  	_ =	shalt  }
0x77: {  	_ =	shalt  }
0x78: {  	_ =	shalt  }
0x79: {  	_ =	shalt  }
0x7a: {  	_ =	shalt  }
0x7b: {  	_ =	shalt  }
0x7c: {  	_ =	shalt  }
0x7d: {  	_ =	shalt  }
0x7e: {  	_ =	shalt  }
0x7f: {  	_ =	shalt  }
0x80: {  	_ =	shalt  }
0x81: {  	_ =	shalt  }
0x82: {  	_ =	shalt  }
0x83: {  	_ =	shalt  }
0x84: {  	_ =	shalt  }
0x85: {  	_ =	shalt  }
0x86: {  	_ =	shalt  }
0x87: {  	_ =	shalt  }
.Lfunc_end0:
.L_simem_size_0:
called_computation_lowered:
.L_overlay_start_0:
0x88: {  	s2 =	sld [smem:$0x3FD9]  }
0x89: {  	s3 =	sld [smem:$0x3FFE];
	_ =	sdelay $0x1  }
0x8a: {  	s1 =	srdreg.scid  }
0x8b: {  	s0 =	sand.u32 $0x1, s1  }
0x8c: {  	s15 =	sshll.u32 s0, $0xA;
	s2 =	sadd.s32 s3, s2  }
0x8d: {  	s2 =	sadd.s32 s2, s15  }
0x8e: {  	[smem:$0x3FA1] =	sst s2  }
0x8f: {  	_ = 	snop  }
0x90: {  	s2 =	sld [smem:$0x3FD0];
	_ =	sdelay $0x2  }
0x91: {  	s4 =	simm.s32 $0xA;
	s5 =	simm.s32 $0x10;
	s16 =	sld [smem:$0x3FC9]  }
0x92: {  	[smem:s5], [sflag:s4] =	dma.local [hbm:s2], $0x1  }
0x93: {  	_ =	swait.eq [sflag:s4], $0x1  }
0x94: {  	[sflag:s4] =	ssyncset.done $0x0  }
0x95: {  	s17 =	sld [smem:$0x10];
	[sflag:s4] =	ssyncadd.s32 $0xFFFFFFFF  }
0x96: {  	s18 =	sld [smem:$0x14];
	(tm) =	ssettm $0x1  }
0x97: {  	s19 =	sld [smem:$0x3FFB];
	_ =	sdelay $0x3  }
0x98: {  	_ =	strace s19  }
0x99: {  	s5 =	sld [smem:$0x3FFC];
	_ =	sdelay $0x3  }
0x9a: {  	_ =	strace s5  }
0x9b: {  	s5 =	sld [smem:$0x3FFD];
	_ =	sdelay $0x3  }
0x9c: {  	_ =	strace s5  }
0x9d: {  	_ =	strace $0x8FFFFFFF  }
0x9e: {  	s20 =	sld [smem:$0x3FDB];
	_ =	sdelay $0x1  }
0x9f: {  	s6 =	simm.s32 $_scs_section_size  }
0xa0: {  	s7 =	simm.s32 $_size__tile_overlayer_lowered;
	s8 =	simm.s32 $_tile_overlayer_lowered  }
0xa1: {  	s23 =	simm.s32 $0x1BFF;
	s22 =	sshll.u32 s8, $0x1;
	s5 =	sadd.s32 s6, s20  }
0xa2: {  	s9 =	simm.s32 $0x0;
	s21 =	sshll.u32 s7, $0x1;
	s7 =	sadd.s32 s22, s5  }
0xa3: {  	[timem:s9], [sflag:s23] =	dma.local [hbm:s7], s21  }
0xa4: {  	_ =	swait.ge [sflag:s23], s21  }
0xa5: {  	s6 =	ssub.s32 $0x0, s21;
	[sflag:s23] =	ssyncset.done $0x0  }
0xa6: {  	[sflag:s23] =	ssyncadd.s32 s6;
	_ =	sdelay $0x1  }
0xa7: {  	s24 =	simm.s32 $0x1B8B  }
0xa8: {  	_ =	swait.ge [sflag:s24], $0x1  }
0xa9: {  	[sflag:s24] =	ssyncset.done $0x0  }
0xaa: {  	s25 =	simm.s32 $0x1B8E;
	[sflag:s24] =	ssyncadd.s32 $0xFFFFFFFF  }
0xab: {  	s26 =	simm.s32 $execute0_lowered;
	[smem:$0x3FD2] =	sst s25  }
0xac: {  	s6 =	sshll.u32 s26, $0x1;
	_ =	strace $0x80000046;
	[dreg:$0x1] =	wrdreg $0xFFFFFFFF  }
0xad: {  	s28 =	simm.s32 $_size_execute0_lowered;
	s5 =	sadd.s32 s5, s6;
	[dreg:$0x0] =	wrdreg $0x0  }
0xae: {  	s6 =	sshll.u32 s28, $0x1;
	[dreg:$0x2] =	wrdreg s5  }
0xaf: {  	[dreg:$0x3] =	wrdreg s6  }
0xb0: {  	[dreg:$0x4] =	wrdreg $0xC0  }
0xb1: {  	_ =	task [dreg:s9], $0x5FFFF  }
0xb2: {  	[dreg:$0x1] =	wrdreg $0xFFFFFFFF  }
0xb3: {  	[dreg:$0x0] =	wrdreg $0x60  }
0xb4: {  	[dreg:$0x2] =	wrdreg s16  }
0xb5: {  	[dreg:$0x3] =	wrdreg s18  }
0xb6: {  	[dreg:$0x4] =	wrdreg s17  }
0xb7: {  	[dreg:$0x5] =	wrdreg $0x9  }
0xb8: {  	_ =	task.clear_ibuf [dreg:s9], $0x6FFFF;
	_ =	strace $0x90000046  }
0xb9: {  	s29 =	simm.s32 $0x9;
	_ =	strace $0x80000048  }
0xba: {  	_ =	swait.ge [sflag:s29], $0x1  }
0xbb: {  	[sflag:s29] =	ssyncadd.s32 $0xFFFFFFFF  }
0xbc: {  	_ =	strace $0x90000048  }
0xbd: {  	_ =	sfence  }
0xbe: {  	s30 =	sld [smem:$0x0];
	_ =	sdelay $0x2  }
0xbf: {  	s31 =	sshll.u32 s1, $0xD;
	s1 =	sshrl.u32 s1, $0x2  }
0xc0: {  	s3 =	sand.u32 $0x4000, s31;
	s1 =	sadd.s32 s1, s30  }
0xc1: {  	s0 =	sor.u32 s3, s0;
	s1 =	sshll.u32 s1, $0x11  }
0xc2: {  	s0 =	sor.u32 s1, s0  }
0xc3: {  	s0 =	sadd.s32 $0x8F2B, s0  }
0xc4: {  	[sflag:s0] =	ssyncadd.remote.s32 $0x1  }
0xc5: {  	_ =	sfence.sel $0xFFFF  }
0xc6: {  	[dreg:$0x0] =	wrdreg $0xFFFFFFFF;
	(pc) =	sbr.abs _section_cstart, $3  }
0xc7: {  	[dreg:$0x1] =	wrdreg $0xFFFFFFFF  }
0xc8: {  	_ =	task.clear_ibuf [dreg:s9], $0x2FFFF;
	_ =	strace $0x9FFFFFFF  }
0xc9: {  	(tm) =	ssettm $0x7FFFFFFF  }
tec
execute0_lowered:
.L_overlay_start_1:
0x0: {  	(tag) =	ssettag $0x1  }
0x1: {  	s1 =	rddreg [dreg:$0x0]  }
0x2: {  	s4 =	rddreg [dreg:$0x1]  }
0x3: {  	s5 =	rddreg [dreg:$0x2]  }
0x4: {  	s0 =	rddreg [dreg:$0x3];
	s3 =	simm.s32 $0x0;
	s6 =	srdreg.scid  }
0x5: {  	s2 =	stileid.u32;
	s10 =	simm.s32 $0x1080;
	s11 =	simm.s32 $0x1880  }
0x6: {  	s12 =	simm.s32 $0x2080;
	s13 =	simm.s32 $0x2880;
	s14 =	simm.s32 $0x3080  }
0x7: {  	s15 =	simm.s32 $0x3880;
	s16 =	simm.s32 $0x4080;
	s17 =	simm.s32 $0x4880  }
0x8: {  	s18 =	simm.s32 $0x5080;
	s19 =	simm.s32 $0x5880;
	s20 =	simm.s32 $0x6080  }
0x9: {  	s21 =	simm.s32 $0x6880;
	s22 =	simm.s32 $0x7080;
	s23 =	simm.s32 $0x7880  }
0xa: {  	s24 =	simm.s32 $0x1;
	[smem:$0x7FF] =	sst s3;
	s6 =	sand.u32 $0x1, s6  }
0xb: {  	s8 =	sshll.u32 s2, $0x8;
	s7 =	ssub.s32 $0x2, s6;
	s6 =	sshll.u32 s6, $0x7  }
0xc: {  	_ =	strace $0x80000047;
	s9 =	sshrl.u32 s7, $0x1;
	s6 =	sor.u32 s6, s8  }
0xd: {  	v2 =	vlaneseq.u32;
	s7 =	ssub.s32 s7, s9;
	s8 =	sshrl.u32 s6, $0x3;
	s6 =	sshll.u32 s6, $0x5  }
0xe: {  	vm0 =	vmmov $0xffff;
	v1 =	vshrl.u32 v2, $0x3;
	s9 =	simm.s32 $0x880;
	s4 =	sadd.s32 s4, s8;
	s5 =	sadd.s32 s5, s6  }
0xf: {  	v0 =	vand.u32 $0x7, v2;
	v2 =	vor.u32 $0x8, v2;
	v1 =	vmul.u32 $0x8, v1;
	s6 =	smax.u32 s7, $0x1;
	s7 =	simm.s32 $0x2;
	s8 =	simm.s32 $0x80  }
.LBB2_1:
0x10: {  	[tilespmem:s3], [sflag:$0x2] =	stream.linear.gather [hbm4b:s4+s3], $0x80, $0x38;
	[tilespmem:$0x8080] =	vst v63  }
0x11: {  	_ =	swait.ge [sflag:s7], $0x80  }
0x12: {  	[sflag:s7] =	ssyncset.done $0x0  }
0x13: {  	[sflag:s7] =	ssyncadd.s32 $0xFFFFFF80  }
0x14: {  	v3 =	vld [tilespmem:$0x0];
	_ =	sdelay $0x4  }
0x15: {  	v4 =	vshll.u32 v3, $0x1  }
0x16: {  	v3 =	vand.u32 $0x7, v3;
	v4 =	vand.u32 $0xFFFFFFF0, v4  }
0x17: {  	v3 =	vor.u32 v3, v4  }
0x18: {  	v4 =	vperm.xlane v3, v0;
	_ =	sdelay $0x1  }
0x19: {  	v3 =	vperm.xlane v3, v2;
	v4 =	vadd.s32 v1, v4;
	_ =	sdelay $0x1  }
0x1a: {  	v3 =	vadd.s32 v1, v3;
	_ =	sdelay $0x2  }
0x1b: {  	[tilespmem:s8], [sflag:$0x1] =	stream.indirect_vreg.gather [hbm4b:s1+s3], $0x80, v4, vm0, $0xb8;
	[tilespmem:$0x8080] =	vst v63  }
0x1c: {  	_ = 	snop  }
0x1d: {  	[tilespmem:s9], [sflag:$0x1] =	stream.indirect_vreg.gather [hbm4b:s1+s3], $0x80, v3, vm0, $0xb8;
	[tilespmem:$0x8080] =	vst v63  }
0x1e: {  	v3 =	vld [tilespmem:$0x10];
	_ =	sdelay $0x4  }
0x1f: {  	v57 =	vshll.u32 v3, $0x1  }
0x20: {  	v3 =	vand.u32 $0x7, v3;
	v4 =	vand.u32 $0xFFFFFFF0, v57  }
0x21: {  	v3 =	vor.u32 v3, v4  }
0x22: {  	v4 =	vperm.xlane v3, v0;
	_ =	sdelay $0x1  }
0x23: {  	v3 =	vperm.xlane v3, v2;
	v4 =	vadd.s32 v1, v4;
	_ =	sdelay $0x1  }
0x24: {  	v3 =	vadd.s32 v1, v3;
	_ =	sdelay $0x2  }
0x25: {  	[tilespmem:s10], [sflag:$0x1] =	stream.indirect_vreg.gather [hbm4b:s1+s3], $0x80, v4, vm0, $0xb8;
	[tilespmem:$0x8080] =	vst v63  }
0x26: {  	_ = 	snop  }
0x27: {  	[tilespmem:s11], [sflag:$0x1] =	stream.indirect_vreg.gather [hbm4b:s1+s3], $0x80, v3, vm0, $0xb8;
	[tilespmem:$0x8080] =	vst v63  }
0x28: {  	v3 =	vld [tilespmem:$0x20];
	_ =	sdelay $0x4  }
0x29: {  	v58 =	vshll.u32 v3, $0x1  }
0x2a: {  	v3 =	vand.u32 $0x7, v3;
	v4 =	vand.u32 $0xFFFFFFF0, v58  }
0x2b: {  	v3 =	vor.u32 v3, v4  }
0x2c: {  	v4 =	vperm.xlane v3, v0;
	_ =	sdelay $0x1  }
0x2d: {  	v3 =	vperm.xlane v3, v2;
	v4 =	vadd.s32 v1, v4;
	_ =	sdelay $0x1  }
0x2e: {  	v3 =	vadd.s32 v1, v3;
	_ =	sdelay $0x2  }
0x2f: {  	[tilespmem:s12], [sflag:$0x1] =	stream.indirect_vreg.gather [hbm4b:s1+s3], $0x80, v4, vm0, $0xb8;
	[tilespmem:$0x8080] =	vst v63  }
0x30: {  	_ = 	snop  }
0x31: {  	[tilespmem:s13], [sflag:$0x1] =	stream.indirect_vreg.gather [hbm4b:s1+s3], $0x80, v3, vm0, $0xb8;
	[tilespmem:$0x8080] =	vst v63  }
0x32: {  	v3 =	vld [tilespmem:$0x30];
	_ =	sdelay $0x4  }
0x33: {  	v59 =	vshll.u32 v3, $0x1  }
0x34: {  	v3 =	vand.u32 $0x7, v3;
	v4 =	vand.u32 $0xFFFFFFF0, v59  }
0x35: {  	v3 =	vor.u32 v3, v4  }
0x36: {  	v4 =	vperm.xlane v3, v0;
	_ =	sdelay $0x1  }
0x37: {  	v3 =	vperm.xlane v3, v2;
	v4 =	vadd.s32 v1, v4;
	_ =	sdelay $0x1  }
0x38: {  	v3 =	vadd.s32 v1, v3;
	_ =	sdelay $0x2  }
0x39: {  	[tilespmem:s14], [sflag:$0x1] =	stream.indirect_vreg.gather [hbm4b:s1+s3], $0x80, v4, vm0, $0xb8;
	[tilespmem:$0x8080] =	vst v63  }
0x3a: {  	_ = 	snop  }
0x3b: {  	[tilespmem:s15], [sflag:$0x1] =	stream.indirect_vreg.gather [hbm4b:s1+s3], $0x80, v3, vm0, $0xb8;
	[tilespmem:$0x8080] =	vst v63  }
0x3c: {  	v3 =	vld [tilespmem:$0x40];
	_ =	sdelay $0x4  }
0x3d: {  	v60 =	vshll.u32 v3, $0x1  }
0x3e: {  	v3 =	vand.u32 $0x7, v3;
	v4 =	vand.u32 $0xFFFFFFF0, v60  }
0x3f: {  	v3 =	vor.u32 v3, v4  }
0x40: {  	v4 =	vperm.xlane v3, v0;
	_ =	sdelay $0x1  }
0x41: {  	v3 =	vperm.xlane v3, v2;
	v4 =	vadd.s32 v1, v4;
	_ =	sdelay $0x1  }
0x42: {  	v3 =	vadd.s32 v1, v3;
	_ =	sdelay $0x2  }
0x43: {  	[tilespmem:s16], [sflag:$0x1] =	stream.indirect_vreg.gather [hbm4b:s1+s3], $0x80, v4, vm0, $0xb8;
	[tilespmem:$0x8080] =	vst v63  }
0x44: {  	_ = 	snop  }
0x45: {  	[tilespmem:s17], [sflag:$0x1] =	stream.indirect_vreg.gather [hbm4b:s1+s3], $0x80, v3, vm0, $0xb8;
	[tilespmem:$0x8080] =	vst v63  }
0x46: {  	v3 =	vld [tilespmem:$0x50];
	_ =	sdelay $0x4  }
0x47: {  	v61 =	vshll.u32 v3, $0x1  }
0x48: {  	v3 =	vand.u32 $0x7, v3;
	v4 =	vand.u32 $0xFFFFFFF0, v61  }
0x49: {  	v3 =	vor.u32 v3, v4  }
0x4a: {  	v4 =	vperm.xlane v3, v0;
	_ =	sdelay $0x1  }
0x4b: {  	v3 =	vperm.xlane v3, v2;
	v4 =	vadd.s32 v1, v4;
	_ =	sdelay $0x1  }
0x4c: {  	v3 =	vadd.s32 v1, v3;
	_ =	sdelay $0x2  }
0x4d: {  	[tilespmem:s18], [sflag:$0x1] =	stream.indirect_vreg.gather [hbm4b:s1+s3], $0x80, v4, vm0, $0xb8;
	[tilespmem:$0x8080] =	vst v63  }
0x4e: {  	_ = 	snop  }
0x4f: {  	[tilespmem:s19], [sflag:$0x1] =	stream.indirect_vreg.gather [hbm4b:s1+s3], $0x80, v3, vm0, $0xb8;
	[tilespmem:$0x8080] =	vst v63  }
0x50: {  	v3 =	vld [tilespmem:$0x60];
	_ =	sdelay $0x4  }
0x51: {  	v62 =	vshll.u32 v3, $0x1  }
0x52: {  	v3 =	vand.u32 $0x7, v3;
	v4 =	vand.u32 $0xFFFFFFF0, v62  }
0x53: {  	v3 =	vor.u32 v3, v4  }
0x54: {  	v4 =	vperm.xlane v3, v0;
	_ =	sdelay $0x1  }
0x55: {  	v3 =	vperm.xlane v3, v2;
	v4 =	vadd.s32 v1, v4;
	_ =	sdelay $0x1  }
0x56: {  	v3 =	vadd.s32 v1, v3;
	_ =	sdelay $0x2  }
0x57: {  	[tilespmem:s20], [sflag:$0x1] =	stream.indirect_vreg.gather [hbm4b:s1+s3], $0x80, v4, vm0, $0xb8;
	[tilespmem:$0x8080] =	vst v63  }
0x58: {  	_ = 	snop  }
0x59: {  	[tilespmem:s21], [sflag:$0x1] =	stream.indirect_vreg.gather [hbm4b:s1+s3], $0x80, v3, vm0, $0xb8;
	[tilespmem:$0x8080] =	vst v63  }
0x5a: {  	v3 =	vld [tilespmem:$0x70];
	_ =	sdelay $0x4  }
0x5b: {  	v63 =	vshll.u32 v3, $0x1  }
0x5c: {  	v3 =	vand.u32 $0x7, v3;
	v4 =	vand.u32 $0xFFFFFFF0, v63  }
0x5d: {  	v3 =	vor.u32 v3, v4  }
0x5e: {  	v4 =	vperm.xlane v3, v0;
	_ =	sdelay $0x1  }
0x5f: {  	v3 =	vperm.xlane v3, v2;
	v4 =	vadd.s32 v1, v4;
	_ =	sdelay $0x1  }
0x60: {  	v3 =	vadd.s32 v1, v3;
	_ =	sdelay $0x2  }
0x61: {  	[tilespmem:s22], [sflag:$0x1] =	stream.indirect_vreg.gather [hbm4b:s1+s3], $0x80, v4, vm0, $0xb8;
	[tilespmem:$0x8080] =	vst v63  }
0x62: {  	_ = 	snop  }
0x63: {  	[tilespmem:s23], [sflag:$0x1] =	stream.indirect_vreg.gather [hbm4b:s1+s3], $0x80, v3, vm0, $0xb8;
	[tilespmem:$0x8080] =	vst v63  }
0x64: {  	_ =	swait.ge [sflag:s24], $0x8000  }
0x65: {  	p0 =	sne.s32 s6, $0x1;
	[sflag:s24] =	ssyncset.done $0x0  }
.Ltmp0:
0x66: {  	[sflag:s24] =	ssyncadd.s32 $0xFFFF8000;
	(pc) =	sbr.rel @p0 .LBB2_1-.Ltmp0, $4  }
0x67: {  	[hbm4b:s5+s3] =	stream.linear.scatter [tilespmem:s8], [sflag:$0x2], $0x8000, $0x38;
	[tilespmem:$0x8080] =	vst v63  }
0x68: {  	_ =	swait.ge [sflag:s7], $0x8000  }
0x69: {  	[sflag:s7] =	ssyncset.done $0x0  }
0x6a: {  	s6 =	sadd.s32 $0xFFFFFFFF, s6;
	[sflag:s7] =	ssyncadd.s32 $0xFFFF8000  }
0x6b: {  	_ =	sfence.sel $0x180000  }
0x6c: {  	[bflag:$0x0] =	sbarrier.arrive $0xFFFF  }
0x6d: {  	p0 =	sne.s32 s2, $0x0;
	_ =	strace $0x90000047  }
0x6e: {  	s0 =	sadd.s32 @!p0 $0x100000, s0;
	[bflag:$0x2] =	sbarrier.arrive $0xFFFF  }
0x6f: {  	[sflag:s0] =	ssyncadd.tile.s32 @!p0 $0x1;
	_ =	shalt  }
.Lfunc_end2:
_tile_overlayer_lowered:
.L_overlay_start_2:
0x70: {  	(tag) =	ssettag $0x2  }
0x71: {  	s0 =	rddreg [dreg:$0x0];
	s2 =	stileid.u32  }
0x72: {  	s1 =	rddreg [dreg:$0x1];
	p0 =	sne.s32 s2, $0x0  }
0x73: {  	s3 =	rddreg [dreg:$0x2];
	[bflag:$0x3] =	sbarrier.arrive $0xFFFF;
	s2 =	simm.s32 @!p0 $0x1C02  }
0x74: {  	[timem:s3], [sflag:s2] =	dma.local @!p0 [hbm:s0], s1  }
0x75: {  	s0 =	simm.s32 @!p0 $0x2  }
0x76: {  	_ =	swait.ge @!p0 [sflag:s0], s1  }
0x77: {  	s1 =	ssub.s32 @!p0 $0x0, s1;
	[sflag:s0] =	ssyncset.done @!p0 $0x0  }
0x78: {  	[sflag:s0] =	ssyncadd.s32 @!p0 s1  }
0x79: {  	[bflag:$0x3] =	sbarrier.arrive $0xFFFF  }
0x7a: {  	_ =	shalt  }

</sc_bundles>
